<compile_context>
chip_gen: v7x
topology: tpu7x:2x2x1
jax: 0.10.2.dev20260603
libtpu: 0.0.44.dev20260713+nightly
codegen_flags: <defaults>
</compile_context>

<pallas_src>
import functools

import jax
import jax.numpy as jnp
from jax import lax
from jax.experimental import pallas as pl
from jax.experimental.pallas import tpu as pltpu
from jax.experimental.pallas import tpu_sc as plsc

N = 10000
R = 64
D = 128
E = 320000

NC = 2
NS = 16
NW = NC * NS
CB = 112
CH = 90
G = 6
K0 = 132
K1 = 48
TCH = NS * (K0 + K1)
EP = TCH * CB
NA = 10112
RPT = NA // NS
CW = 16
BN = 1000


def _idx_body(et_ref, src_ref, o_ref):
    et = et_ref[...]
    cls = (et >= R).astype(jnp.int32) + (et >= 2 * R).astype(jnp.int32)
    o_ref[...] = cls * N + src_ref[...]


def _make_gidx(etp, srcp):
    rows = EP // 128
    return pl.pallas_call(
        _idx_body,
        out_shape=jax.ShapeDtypeStruct((rows, 128), jnp.int32),
    )(etp.reshape(rows, 128), srcp.reshape(rows, 128))


def _proj_body(x_ref, wt_ref, b_ref, o_ref):
    y = jnp.dot(x_ref[...], wt_ref[0], preferred_element_type=jnp.float32)
    o_ref[...] = (y + b_ref[0])[None]


def _proj(x, wt3, b3):
    return pl.pallas_call(
        _proj_body,
        grid=(3, N // BN),
        in_specs=[
            pl.BlockSpec((BN, D), lambda c, i: (i, 0)),
            pl.BlockSpec((1, D, D), lambda c, i: (c, 0, 0)),
            pl.BlockSpec((1, 1, D), lambda c, i: (c, 0, 0)),
        ],
        out_specs=pl.BlockSpec((1, BN, D), lambda c, i: (c, i, 0)),
        out_shape=jax.ShapeDtypeStruct((3, N, D), jnp.float32),
    )(x, wt3, b3.reshape(3, 1, D))


def _sc_impl(with_counts, gidx_hbm, dst_hbm, y_hbm, z128_hbm, z16_hbm,
             ones_hbm, a_out, c_out,
             gidx_g, dst_g, rows_v, ones_v, a_sh, c_sh,
             gsem, isem, ssem):
    cid = lax.axis_index("c")
    sid = lax.axis_index("s")
    k_my = lax.select(cid == 0, K0, K1)
    ng_my = k_my // G
    cstart = lax.select(cid == 0, sid * K0, NS * K0 + sid * K1)

    row0 = sid * RPT
    pltpu.sync_copy(z128_hbm, a_sh.at[pl.ds(row0, RPT)])
    if with_counts:
        pltpu.sync_copy(ones_hbm, ones_v)
        pltpu.sync_copy(z16_hbm, c_sh.at[pl.ds(row0, RPT)])
    plsc.subcore_barrier()

    def pre(g, gb):
        pltpu.async_copy(
            gidx_hbm.at[pl.ds(cstart + g * G, G)], gidx_g.at[gb], isem)
        pltpu.async_copy(
            dst_hbm.at[pl.ds(cstart + g * G, G)], dst_g.at[gb], isem)

    def iwait():
        pltpu.make_async_copy(
            gidx_hbm.at[pl.ds(0, G)], gidx_g.at[0], isem).wait()
        pltpu.make_async_copy(
            dst_hbm.at[pl.ds(0, G)], dst_g.at[0], isem).wait()

    def start(j, b):
        gb = (j // G) % 2
        pltpu.async_copy(y_hbm.at[gidx_g.at[gb, j % G]], rows_v.at[b], gsem)

    def wait(b):
        pltpu.make_async_copy(
            y_hbm.at[gidx_g.at[0, 0]], rows_v.at[b], gsem).wait()

    def ascat(j, b):
        gb = (j // G) % 2
        didx = dst_g.at[gb, j % G]
        pltpu.async_copy(rows_v.at[b], a_sh.at[didx], ssem, add=True)
        if with_counts:
            pltpu.async_copy(ones_v, c_sh.at[didx], ssem, add=True)

    def sdrain():
        pltpu.make_async_copy(rows_v.at[0], a_sh.at[dst_g.at[0, 0]], ssem).wait()
        if with_counts:
            pltpu.make_async_copy(
                ones_v, c_sh.at[dst_g.at[0, 0]], ssem).wait()

    pre(0, 0)
    iwait()
    start(0, 0)

    def mloop(k, carry):
        g = k // (G // 2)
        r = k % (G // 2)
        j0 = 2 * k

        @pl.when(jnp.logical_and(r == 0, g + 1 < ng_my))
        def _():
            pre(g + 1, (g + 1) % 2)

        wait(0)
        start(j0 + 1, 1)
        ascat(j0, 0)

        @pl.when(jnp.logical_and(r == G // 2 - 1, g + 1 < ng_my))
        def _():
            iwait()

        wait(1)
        sdrain()

        @pl.when(j0 + 2 < k_my)
        def _():
            start(j0 + 2, 0)

        ascat(j0 + 1, 1)
        sdrain()
        return carry

    lax.fori_loop(0, k_my // 2, mloop, 0)

    plsc.subcore_barrier()
    pltpu.sync_copy(a_sh.at[pl.ds(row0, RPT)], a_out.at[cid, pl.ds(row0, RPT)])
    if with_counts:
        pltpu.sync_copy(c_sh.at[pl.ds(row0, RPT)],
                        c_out.at[cid, pl.ds(row0, RPT)])


def _sc_body_cnt(gidx_hbm, dst_hbm, y_hbm, z128_hbm, z16_hbm, ones_hbm,
                 a_out, c_out,
                 gidx_g, dst_g, rows_v, ones_v, a_sh, c_sh, gsem, isem, ssem):
    _sc_impl(True, gidx_hbm, dst_hbm, y_hbm, z128_hbm, z16_hbm, ones_hbm,
             a_out, c_out,
             gidx_g, dst_g, rows_v, ones_v, a_sh, c_sh, gsem, isem, ssem)


def _sc_body_nocnt(gidx_hbm, dst_hbm, y_hbm, z128_hbm, z16_hbm, ones_hbm,
                   a_out,
                   gidx_g, dst_g, rows_v, ones_v, a_sh, c_sh, gsem, isem, ssem):
    _sc_impl(False, gidx_hbm, dst_hbm, y_hbm, z128_hbm, z16_hbm, ones_hbm,
             a_out, None,
             gidx_g, dst_g, rows_v, ones_v, a_sh, c_sh, gsem, isem, ssem)


def _sc_aggregate(gidx3, dst3, y, z128, z16, ones16, with_counts):
    mesh = plsc.VectorSubcoreMesh(core_axis_name="c", subcore_axis_name="s")
    if with_counts:
        out_type = (
            jax.ShapeDtypeStruct((NC, NA, D), jnp.float32),
            jax.ShapeDtypeStruct((NC, NA, CW), jnp.float32),
        )
        body = _sc_body_cnt
    else:
        out_type = (jax.ShapeDtypeStruct((NC, NA, D), jnp.float32),)
        body = _sc_body_nocnt
    f = functools.partial(
        pl.kernel,
        out_type=out_type,
        mesh=mesh,
        scratch_types=[
            pltpu.VMEM((2, G, CB), jnp.int32),
            pltpu.VMEM((2, G, CB), jnp.int32),
            pltpu.VMEM((2, CB, D), jnp.float32),
            pltpu.VMEM((CB, CW), jnp.float32),
            pltpu.VMEM_SHARED((NA, D), jnp.float32),
            pltpu.VMEM_SHARED((NA, CW), jnp.float32),
            pltpu.SemaphoreType.DMA,
            pltpu.SemaphoreType.DMA,
            pltpu.SemaphoreType.DMA,
        ],
        compiler_params=pltpu.CompilerParams(use_tc_tiling_on_sc=False),
    )(body)
    return f(gidx3, dst3, y, z128, z16, ones16)


def _post_body(p_ref, pc_ref, x_ref, wsk_ref, bsk_ref, g_ref, be_ref, o_ref):
    s = p_ref[0] + p_ref[1]
    pc = pc_ref[0] + pc_ref[1]
    cnt = jnp.sum(pc, axis=1, keepdims=True) * (1.0 / CW)
    cnt = jnp.maximum(cnt, 1.0)
    h = jnp.maximum(s / cnt, 0.0)
    y = h + jnp.dot(x_ref[...], wsk_ref[...], preferred_element_type=jnp.float32)
    y = y + bsk_ref[...]
    mu = jnp.mean(y, axis=1, keepdims=True)
    d = y - mu
    var = jnp.mean(d * d, axis=1, keepdims=True)
    o_ref[...] = g_ref[...] * (d * lax.rsqrt(var + 1e-5)) + be_ref[...]


def _post(p, pc, x, wskt, bsk, g, be):
    return pl.pallas_call(
        _post_body,
        grid=(N // BN,),
        in_specs=[
            pl.BlockSpec((NC, BN, D), lambda i: (0, i, 0)),
            pl.BlockSpec((NC, BN, CW), lambda i: (0, i, 0)),
            pl.BlockSpec((BN, D), lambda i: (i, 0)),
            pl.BlockSpec((D, D), lambda i: (0, 0)),
            pl.BlockSpec((1, D), lambda i: (0, 0)),
            pl.BlockSpec((1, D), lambda i: (0, 0)),
            pl.BlockSpec((1, D), lambda i: (0, 0)),
        ],
        out_specs=pl.BlockSpec((BN, D), lambda i: (i, 0)),
        out_shape=jax.ShapeDtypeStruct((N, D), jnp.float32),
    )(p, pc, x, wskt, bsk.reshape(1, D), g.reshape(1, D), be.reshape(1, D))


def _postproj_body(p_ref, pc_ref, x_ref, wsk_ref, bsk_ref, g_ref, be_ref,
                   wt3_ref, b3_ref, x1_ref, y2_ref):
    s = p_ref[0] + p_ref[1]
    pc = pc_ref[0] + pc_ref[1]
    cnt = jnp.sum(pc, axis=1, keepdims=True) * (1.0 / CW)
    cnt = jnp.maximum(cnt, 1.0)
    h = jnp.maximum(s / cnt, 0.0)
    y = h + jnp.dot(x_ref[...], wsk_ref[...], preferred_element_type=jnp.float32)
    y = y + bsk_ref[...]
    mu = jnp.mean(y, axis=1, keepdims=True)
    d = y - mu
    var = jnp.mean(d * d, axis=1, keepdims=True)
    x1 = g_ref[...] * (d * lax.rsqrt(var + 1e-5)) + be_ref[...]
    x1_ref[...] = x1
    for c in range(3):
        y2_ref[c] = (jnp.dot(x1, wt3_ref[c], preferred_element_type=jnp.float32)
                     + b3_ref[c])


def _postproj(p, pc, x, wskt, bsk, g, be, wt3, b3):
    return pl.pallas_call(
        _postproj_body,
        grid=(N // BN,),
        in_specs=[
            pl.BlockSpec((NC, BN, D), lambda i: (0, i, 0)),
            pl.BlockSpec((NC, BN, CW), lambda i: (0, i, 0)),
            pl.BlockSpec((BN, D), lambda i: (i, 0)),
            pl.BlockSpec((D, D), lambda i: (0, 0)),
            pl.BlockSpec((1, D), lambda i: (0, 0)),
            pl.BlockSpec((1, D), lambda i: (0, 0)),
            pl.BlockSpec((1, D), lambda i: (0, 0)),
            pl.BlockSpec((3, D, D), lambda i: (0, 0, 0)),
            pl.BlockSpec((3, 1, D), lambda i: (0, 0, 0)),
        ],
        out_specs=[
            pl.BlockSpec((BN, D), lambda i: (i, 0)),
            pl.BlockSpec((3, BN, D), lambda i: (0, i, 0)),
        ],
        out_shape=[
            jax.ShapeDtypeStruct((N, D), jnp.float32),
            jax.ShapeDtypeStruct((3, N, D), jnp.float32),
        ],
    )(p, pc, x, wskt, bsk.reshape(1, D), g.reshape(1, D), be.reshape(1, D),
      wt3, b3.reshape(3, 1, D))


def _layer(x, gidx3, dst3, consts, wt3, b3, wskt, bsk, g, be, pc_prev=None):
    z128, z16, ones16 = consts
    y = _proj(x, wt3, b3).reshape(3 * N, D)
    if pc_prev is None:
        p, pc = _sc_aggregate(gidx3, dst3, y, z128, z16, ones16, True)
    else:
        (p,) = _sc_aggregate(gidx3, dst3, y, z128, z16, ones16, False)
        pc = pc_prev
    return _post(p, pc, x, wskt, bsk, g, be), pc


def kernel(edges, node_emb, W1o, b1o, W1i, b1i, W1s, b1s, g1, be1, Wsk1, bsk1,
           W2o, b2o, W2i, b2i, W2s, b2s, g2, be2, Wsk2, bsk2):
    src = edges[:, 0]
    et = edges[:, 1]
    dst = edges[:, 2]
    pad = EP - E
    srcp = jnp.concatenate([src, jnp.zeros((pad,), jnp.int32)])
    etp = jnp.concatenate([et, jnp.zeros((pad,), jnp.int32)])
    dstp = jnp.concatenate([dst, jnp.full((pad,), N, jnp.int32)])

    gidx3 = _make_gidx(etp, srcp).reshape(TCH, CB)
    dst3 = dstp.reshape(TCH, CB)

    consts = (
        jnp.zeros((RPT, D), jnp.float32),
        jnp.zeros((RPT, CW), jnp.float32),
        jnp.ones((CB, CW), jnp.float32),
    )

    wt1 = jnp.stack([W1o.T, W1i.T, W1s.T])
    b1 = jnp.stack([b1o, b1i, b1s])
    wt2 = jnp.stack([W2o.T, W2i.T, W2s.T])
    b2 = jnp.stack([b2o, b2i, b2s])

    z128, z16, ones16 = consts
    y1 = _proj(node_emb, wt1, b1).reshape(3 * N, D)
    p1, pc = _sc_aggregate(gidx3, dst3, y1, z128, z16, ones16, True)
    x1, y2 = _postproj(p1, pc, node_emb, Wsk1.T, bsk1, g1, be1, wt2, b2)
    (p2,) = _sc_aggregate(gidx3, dst3, y2.reshape(3 * N, D), z128, z16,
                          ones16, False)
    return _post(p2, pc, x1, Wsk2.T, bsk2, g2, be2)

# --- scband reference (transcript-rebuilt; emitter-appended) ---
"""Pipeline reference for scband-gcn-90924457657027 (READ-ONLY COPY).

The authoritative reference and input builder live on the scoring server;
editing this copy changes nothing except your own understanding.
"""

import jax, jax.numpy as jnp
import numpy as np

N = 10000
R = 64
DIN = 128
DH = 128
DOUT = 128
E = 320000


def _linear(x, W, b):
    return x @ W.T + b


def _gcn_layer(x, src, dst, et, Wo, bo, Wi, bi, Ws, bs):
    sf = x[src]
    mo = (et < R).astype(x.dtype)
    mi = ((et >= R) & (et < 2 * R)).astype(x.dtype)
    ms = (et >= 2 * R).astype(x.dtype)
    msg = (mo[:, None] * _linear(sf, Wo, bo)
           + mi[:, None] * _linear(sf, Wi, bi)
           + ms[:, None] * _linear(sf, Ws, bs))
    out = jax.ops.segment_sum(msg, dst, num_segments=x.shape[0])
    cnt = jax.ops.segment_sum(jnp.ones(src.shape[0], x.dtype), dst, num_segments=x.shape[0])
    cnt = jnp.maximum(cnt, 1.0)
    return jax.nn.relu(out / cnt[:, None])


def _layer_norm(x, g, b):
    mu = jnp.mean(x, axis=-1, keepdims=True)
    var = jnp.var(x, axis=-1, keepdims=True)
    return g * (x - mu) / jnp.sqrt(var + 1e-5) + b


def setup_inputs(seed: int = 0):
    key = jax.random.key(seed)
    ks = jax.random.split(key, 24)
    s = 0.05
    inp = {
        "edges": jax.random.randint(ks[0], (E, 3), 0, N, dtype=jnp.int32),
        "node_emb": jax.random.normal(ks[1], (N, DIN), jnp.float32) * s,
        "W1o": jax.random.normal(ks[2], (DH, DIN), jnp.float32) * s,
        "b1o": jnp.zeros((DH,), jnp.float32),
        "W1i": jax.random.normal(ks[3], (DH, DIN), jnp.float32) * s,
        "b1i": jnp.zeros((DH,), jnp.float32),
        "W1s": jax.random.normal(ks[4], (DH, DIN), jnp.float32) * s,
        "b1s": jnp.zeros((DH,), jnp.float32),
        "g1": jnp.ones((DH,), jnp.float32),
        "be1": jnp.zeros((DH,), jnp.float32),
        "Wsk1": jax.random.normal(ks[5], (DH, DIN), jnp.float32) * s,
        "bsk1": jnp.zeros((DH,), jnp.float32),
        "W2o": jax.random.normal(ks[6], (DOUT, DH), jnp.float32) * s,
        "b2o": jnp.zeros((DOUT,), jnp.float32),
        "W2i": jax.random.normal(ks[7], (DOUT, DH), jnp.float32) * s,
        "b2i": jnp.zeros((DOUT,), jnp.float32),
        "W2s": jax.random.normal(ks[8], (DOUT, DH), jnp.float32) * s,
        "b2s": jnp.zeros((DOUT,), jnp.float32),
        "g2": jnp.ones((DOUT,), jnp.float32),
        "be2": jnp.zeros((DOUT,), jnp.float32),
        "Wsk2": jax.random.normal(ks[9], (DOUT, DH), jnp.float32) * s,
        "bsk2": jnp.zeros((DOUT,), jnp.float32),
    }
    return inp


def reference(edges, node_emb, W1o, b1o, W1i, b1i, W1s, b1s, g1, be1, Wsk1, bsk1,
              W2o, b2o, W2i, b2i, W2s, b2s, g2, be2, Wsk2, bsk2):
    src = edges[:, 0]
    et = edges[:, 1]
    dst = edges[:, 2]
    x1 = _gcn_layer(node_emb, src, dst, et, W1o, b1o, W1i, b1i, W1s, b1s)
    x1 = x1 + _linear(node_emb, Wsk1, bsk1)
    x1 = _layer_norm(x1, g1, be1)
    # dropout p=0.0 -> identity
    x2 = _gcn_layer(x1, src, dst, et, W2o, b2o, W2i, b2i, W2s, b2s)
    x2 = x2 + _linear(x1, Wsk2, bsk2)
    x2 = _layer_norm(x2, g2, be2)
    return x2

if __name__ == "__main__":
    import jax
    _d = setup_inputs()
    print(jax.jit(kernel)(*tuple(_d.values())))

</pallas_src>

<mosaic_0001>
#map = affine_map<(d0, d1) -> (0, 0)>
#map1 = affine_map<(d0, d1) -> (0, 0, 0)>
module attributes {stable_mosaic.version = 14 : i64} {
  func.func @_sc_body_cnt(%arg0: i32, %arg1: i32, %arg2: memref<2880x112xi32, #tpu.memory_space<hbm>>, %arg3: memref<2880x112xi32, #tpu.memory_space<hbm>>, %arg4: memref<30000x128xf32, #tpu.memory_space<hbm>>, %arg5: memref<632x128xf32, #tpu.memory_space<hbm>>, %arg6: memref<632x16xf32, #tpu.memory_space<hbm>>, %arg7: memref<112x16xf32, #tpu.memory_space<hbm>>, %arg8: memref<2x10112x128xf32, #tpu.memory_space<hbm>>, %arg9: memref<2x10112x16xf32, #tpu.memory_space<hbm>>, %arg10: memref<2x6x112xi32, #tpu.memory_space<vmem>>, %arg11: memref<2x6x112xi32, #tpu.memory_space<vmem>>, %arg12: memref<2x112x128xf32, #tpu.memory_space<vmem>>, %arg13: memref<112x16xf32, #tpu.memory_space<vmem>>, %arg14: memref<10112x128xf32, #tpu.memory_space<vmem_shared>>, %arg15: memref<10112x16xf32, #tpu.memory_space<vmem_shared>>, %arg16: memref<!tpu.dma_semaphore, #tpu.memory_space<semaphore_mem>>, %arg17: memref<!tpu.dma_semaphore, #tpu.memory_space<semaphore_mem>>, %arg18: memref<!tpu.dma_semaphore, #tpu.memory_space<semaphore_mem>>) attributes {dimension_semantics = [#tpu.dimension_semantics<core_parallel>, #tpu.dimension_semantics<subcore_parallel>], iteration_bounds = array<i64: 2, 16>, scalar_prefetch = 0 : i64, scratch_operands = 9 : i64, tpu.core_type = #tpu.core_type<sc_vector_subcore>, window_params = [{transform_indices = #map}, {transform_indices = #map}, {transform_indices = #map}, {transform_indices = #map}, {transform_indices = #map}, {transform_indices = #map}, {transform_indices = #map1}, {transform_indices = #map1}]} {
    %eq3A = arith.constant 0 : i32
    %eq3A_0 = arith.cmpi eq, %arg0, %eq3A : i32
    %select_n3A = arith.constant 48 : i32
    %select_n3A_1 = arith.constant 132 : i32
    %select_n3A_2 = arith.select %eq3A_0, %select_n3A_1, %select_n3A : i32
    %jit3A = arith.constant 6 : i32
    %div3A = arith.divsi %select_n3A_2, %jit3A : i32
    %sign3A = arith.constant 0 : i32
    %sign3A_3 = arith.cmpi sgt, %select_n3A_2, %sign3A : i32
    %sign3A_4 = arith.extui %sign3A_3 : i1 to i32
    %sign3A_5 = arith.constant 0 : i32
    %sign3A_6 = arith.cmpi slt, %select_n3A_2, %sign3A_5 : i32
    %sign3A_7 = arith.extui %sign3A_6 : i1 to i32
    %sign3A_8 = arith.subi %sign3A_4, %sign3A_7 : i32
    %sign3A_9 = arith.constant 0 : i32
    %sign3A_10 = arith.cmpi sgt, %jit3A, %sign3A_9 : i32
    %sign3A_11 = arith.extui %sign3A_10 : i1 to i32
    %sign3A_12 = arith.constant 0 : i32
    %sign3A_13 = arith.cmpi slt, %jit3A, %sign3A_12 : i32
    %sign3A_14 = arith.extui %sign3A_13 : i1 to i32
    %sign3A_15 = arith.subi %sign3A_11, %sign3A_14 : i32
    %ne3A = arith.cmpi ne, %sign3A_8, %sign3A_15 : i32
    %rem3A = arith.remsi %select_n3A_2, %jit3A : i32
    %ne3A_16 = arith.constant 0 : i32
    %ne3A_17 = arith.cmpi ne, %rem3A, %ne3A_16 : i32
    %and3A = arith.andi %ne3A, %ne3A_17 : i1
    %sub3A = arith.constant 1 : i32
    %sub3A_18 = arith.subi %div3A, %sub3A : i32
    %select_n3A_19 = arith.select %and3A, %sub3A_18, %div3A : i32
    %eq3A_20 = arith.constant 0 : i32
    %eq3A_21 = arith.cmpi eq, %arg0, %eq3A_20 : i32
    %mul3A = arith.constant 132 : i32
    %mul3A_22 = arith.muli %arg1, %mul3A : i32
    %mul3A_23 = arith.constant 48 : i32
    %mul3A_24 = arith.muli %arg1, %mul3A_23 : i32
    %add3A = arith.constant 2112 : i32
    %add3A_25 = arith.addi %add3A, %mul3A_24 : i32
    %select_n3A_26 = arith.select %eq3A_21, %mul3A_22, %add3A_25 : i32
    %mul3A_27 = arith.constant 632 : i32
    %mul3A_28 = arith.muli %arg1, %mul3A_27 : i32
    "tpu.region"() ({
      %run_scoped3A = tpu.sem_alloc : memref<!tpu.dma_semaphore, #tpu.memory_space<semaphore_mem>>
      %dma_start3A_134 = arith.constant 0 : i32
      %dma_start3A_135 = tpu.memref_slice %arg14[%mul3A_28, %dma_start3A_134] : memref<10112x128xf32, #tpu.memory_space<vmem_shared>> -> memref<632x128xf32, #tpu.memory_space<vmem_shared>>
      tpu.enqueue_dma source(%arg5 : memref<632x128xf32, #tpu.memory_space<hbm>>) target(%dma_start3A_135 : memref<632x128xf32, #tpu.memory_space<vmem_shared>>) target_semaphore(%run_scoped3A : memref<!tpu.dma_semaphore, #tpu.memory_space<semaphore_mem>>)
      %dma_wait3A_136 = arith.constant 0 : i32
      %dma_wait3A_137 = tpu.memref_slice %arg14[%mul3A_28, %dma_wait3A_136] : memref<10112x128xf32, #tpu.memory_space<vmem_shared>> -> memref<632x128xf32, #tpu.memory_space<vmem_shared>>
      tpu.wait_dma2 semaphore(%run_scoped3A : memref<!tpu.dma_semaphore, #tpu.memory_space<semaphore_mem>>) src(%arg5 : memref<632x128xf32, #tpu.memory_space<hbm>>) dst(%dma_wait3A_137 : memref<632x128xf32, #tpu.memory_space<vmem_shared>>)
      tpu.yield
    }) : () -> ()
    "tpu.region"() ({
      %run_scoped3A = tpu.sem_alloc : memref<!tpu.dma_semaphore, #tpu.memory_space<semaphore_mem>>
      tpu.enqueue_dma source(%arg7 : memref<112x16xf32, #tpu.memory_space<hbm>>) target(%arg13 : memref<112x16xf32, #tpu.memory_space<vmem>>) target_semaphore(%run_scoped3A : memref<!tpu.dma_semaphore, #tpu.memory_space<semaphore_mem>>)
      tpu.wait_dma2 semaphore(%run_scoped3A : memref<!tpu.dma_semaphore, #tpu.memory_space<semaphore_mem>>) src(%arg7 : memref<112x16xf32, #tpu.memory_space<hbm>>) dst(%arg13 : memref<112x16xf32, #tpu.memory_space<vmem>>)
      tpu.yield
    }) : () -> ()
    "tpu.region"() ({
      %run_scoped3A = tpu.sem_alloc : memref<!tpu.dma_semaphore, #tpu.memory_space<semaphore_mem>>
      %dma_start3A_134 = arith.constant 0 : i32
      %dma_start3A_135 = tpu.memref_slice %arg15[%mul3A_28, %dma_start3A_134] : memref<10112x16xf32, #tpu.memory_space<vmem_shared>> -> memref<632x16xf32, #tpu.memory_space<vmem_shared>>
      tpu.enqueue_dma source(%arg6 : memref<632x16xf32, #tpu.memory_space<hbm>>) target(%dma_start3A_135 : memref<632x16xf32, #tpu.memory_space<vmem_shared>>) target_semaphore(%run_scoped3A : memref<!tpu.dma_semaphore, #tpu.memory_space<semaphore_mem>>)
      %dma_wait3A_136 = arith.constant 0 : i32
      %dma_wait3A_137 = tpu.memref_slice %arg15[%mul3A_28, %dma_wait3A_136] : memref<10112x16xf32, #tpu.memory_space<vmem_shared>> -> memref<632x16xf32, #tpu.memory_space<vmem_shared>>
      tpu.wait_dma2 semaphore(%run_scoped3A : memref<!tpu.dma_semaphore, #tpu.memory_space<semaphore_mem>>) src(%arg6 : memref<632x16xf32, #tpu.memory_space<hbm>>) dst(%dma_wait3A_137 : memref<632x16xf32, #tpu.memory_space<vmem_shared>>)
      tpu.yield
    }) : () -> ()
    %barrier3A = arith.constant 0 : index
    tpu.barrier barrier_id(%barrier3A)
    %add3A_29 = arith.constant 0 : i32
    %add3A_30 = arith.addi %select_n3A_26, %add3A_29 : i32
    %dma_start3A = arith.constant 0 : i32
    %dma_start3A_31 = arith.constant 0 : i32
    %dma_start3A_32 = arith.constant 0 : i32
    %dma_start3A_33 = tpu.memref_slice %arg10[%dma_start3A, %dma_start3A_31, %dma_start3A_32] : memref<2x6x112xi32, #tpu.memory_space<vmem>> -> memref<1x6x112xi32, #tpu.memory_space<vmem>>
    %dma_start3A_34 = tpu.memref_squeeze %dma_start3A_33 : memref<1x6x112xi32, #tpu.memory_space<vmem>> -> memref<6x112xi32, #tpu.memory_space<vmem>>
    %dma_start3A_35 = arith.constant 0 : i32
    %dma_start3A_36 = tpu.memref_slice %arg2[%add3A_30, %dma_start3A_35] : memref<2880x112xi32, #tpu.memory_space<hbm>> -> memref<6x112xi32, #tpu.memory_space<hbm>>
    %dma_start3A_37 = arith.constant 0 : i32
    %dma_start3A_38 = arith.constant 0 : i32
    %dma_start3A_39 = tpu.memref_slice %arg10[%dma_start3A, %dma_start3A_37, %dma_start3A_38] : memref<2x6x112xi32, #tpu.memory_space<vmem>> -> memref<1x6x112xi32, #tpu.memory_space<vmem>>
    %dma_start3A_40 = tpu.memref_squeeze %dma_start3A_39 : memref<1x6x112xi32, #tpu.memory_space<vmem>> -> memref<6x112xi32, #tpu.memory_space<vmem>>
    %dma_start3A_41 = arith.constant 0 : i32
    %dma_start3A_42 = tpu.memref_slice %arg2[%add3A_30, %dma_start3A_41] : memref<2880x112xi32, #tpu.memory_space<hbm>> -> memref<6x112xi32, #tpu.memory_space<hbm>>
    tpu.enqueue_dma source(%dma_start3A_42 : memref<6x112xi32, #tpu.memory_space<hbm>>) target(%dma_start3A_40 : memref<6x112xi32, #tpu.memory_space<vmem>>) target_semaphore(%arg17 : memref<!tpu.dma_semaphore, #tpu.memory_space<semaphore_mem>>)
    %add3A_43 = arith.constant 0 : i32
    %add3A_44 = arith.addi %select_n3A_26, %add3A_43 : i32
    %dma_start3A_45 = arith.constant 0 : i32
    %dma_start3A_46 = arith.constant 0 : i32
    %dma_start3A_47 = arith.constant 0 : i32
    %dma_start3A_48 = tpu.memref_slice %arg11[%dma_start3A_45, %dma_start3A_46, %dma_start3A_47] : memref<2x6x112xi32, #tpu.memory_space<vmem>> -> memref<1x6x112xi32, #tpu.memory_space<vmem>>
    %dma_start3A_49 = tpu.memref_squeeze %dma_start3A_48 : memref<1x6x112xi32, #tpu.memory_space<vmem>> -> memref<6x112xi32, #tpu.memory_space<vmem>>
    %dma_start3A_50 = arith.constant 0 : i32
    %dma_start3A_51 = tpu.memref_slice %arg3[%add3A_44, %dma_start3A_50] : memref<2880x112xi32, #tpu.memory_space<hbm>> -> memref<6x112xi32, #tpu.memory_space<hbm>>
    %dma_start3A_52 = arith.constant 0 : i32
    %dma_start3A_53 = arith.constant 0 : i32
    %dma_start3A_54 = tpu.memref_slice %arg11[%dma_start3A_45, %dma_start3A_52, %dma_start3A_53] : memref<2x6x112xi32, #tpu.memory_space<vmem>> -> memref<1x6x112xi32, #tpu.memory_space<vmem>>
    %dma_start3A_55 = tpu.memref_squeeze %dma_start3A_54 : memref<1x6x112xi32, #tpu.memory_space<vmem>> -> memref<6x112xi32, #tpu.memory_space<vmem>>
    %dma_start3A_56 = arith.constant 0 : i32
    %dma_start3A_57 = tpu.memref_slice %arg3[%add3A_44, %dma_start3A_56] : memref<2880x112xi32, #tpu.memory_space<hbm>> -> memref<6x112xi32, #tpu.memory_space<hbm>>
    tpu.enqueue_dma source(%dma_start3A_57 : memref<6x112xi32, #tpu.memory_space<hbm>>) target(%dma_start3A_55 : memref<6x112xi32, #tpu.memory_space<vmem>>) target_semaphore(%arg17 : memref<!tpu.dma_semaphore, #tpu.memory_space<semaphore_mem>>)
    %dma_wait3A = arith.constant 0 : i32
    %dma_wait3A_58 = arith.constant 0 : i32
    %dma_wait3A_59 = arith.constant 0 : i32
    %dma_wait3A_60 = tpu.memref_slice %arg10[%dma_wait3A, %dma_wait3A_58, %dma_wait3A_59] : memref<2x6x112xi32, #tpu.memory_space<vmem>> -> memref<1x6x112xi32, #tpu.memory_space<vmem>>
    %dma_wait3A_61 = tpu.memref_squeeze %dma_wait3A_60 : memref<1x6x112xi32, #tpu.memory_space<vmem>> -> memref<6x112xi32, #tpu.memory_space<vmem>>
    %dma_wait3A_62 = arith.constant 0 : i32
    %dma_wait3A_63 = arith.constant 0 : i32
    %dma_wait3A_64 = tpu.memref_slice %arg2[%dma_wait3A_62, %dma_wait3A_63] : memref<2880x112xi32, #tpu.memory_space<hbm>> -> memref<6x112xi32, #tpu.memory_space<hbm>>
    %dma_wait3A_65 = arith.constant 0 : i32
    %dma_wait3A_66 = arith.constant 0 : i32
    %dma_wait3A_67 = tpu.memref_slice %arg10[%dma_wait3A, %dma_wait3A_65, %dma_wait3A_66] : memref<2x6x112xi32, #tpu.memory_space<vmem>> -> memref<1x6x112xi32, #tpu.memory_space<vmem>>
    %dma_wait3A_68 = tpu.memref_squeeze %dma_wait3A_67 : memref<1x6x112xi32, #tpu.memory_space<vmem>> -> memref<6x112xi32, #tpu.memory_space<vmem>>
    %dma_wait3A_69 = arith.constant 0 : i32
    %dma_wait3A_70 = arith.constant 0 : i32
    %dma_wait3A_71 = tpu.memref_slice %arg2[%dma_wait3A_69, %dma_wait3A_70] : memref<2880x112xi32, #tpu.memory_space<hbm>> -> memref<6x112xi32, #tpu.memory_space<hbm>>
    tpu.wait_dma2 semaphore(%arg17 : memref<!tpu.dma_semaphore, #tpu.memory_space<semaphore_mem>>) src(%dma_wait3A_71 : memref<6x112xi32, #tpu.memory_space<hbm>>) dst(%dma_wait3A_68 : memref<6x112xi32, #tpu.memory_space<vmem>>)
    %dma_wait3A_72 = arith.constant 0 : i32
    %dma_wait3A_73 = arith.constant 0 : i32
    %dma_wait3A_74 = arith.constant 0 : i32
    %dma_wait3A_75 = tpu.memref_slice %arg11[%dma_wait3A_72, %dma_wait3A_73, %dma_wait3A_74] : memref<2x6x112xi32, #tpu.memory_space<vmem>> -> memref<1x6x112xi32, #tpu.memory_space<vmem>>
    %dma_wait3A_76 = tpu.memref_squeeze %dma_wait3A_75 : memref<1x6x112xi32, #tpu.memory_space<vmem>> -> memref<6x112xi32, #tpu.memory_space<vmem>>
    %dma_wait3A_77 = arith.constant 0 : i32
    %dma_wait3A_78 = arith.constant 0 : i32
    %dma_wait3A_79 = tpu.memref_slice %arg3[%dma_wait3A_77, %dma_wait3A_78] : memref<2880x112xi32, #tpu.memory_space<hbm>> -> memref<6x112xi32, #tpu.memory_space<hbm>>
    %dma_wait3A_80 = arith.constant 0 : i32
    %dma_wait3A_81 = arith.constant 0 : i32
    %dma_wait3A_82 = tpu.memref_slice %arg11[%dma_wait3A_72, %dma_wait3A_80, %dma_wait3A_81] : memref<2x6x112xi32, #tpu.memory_space<vmem>> -> memref<1x6x112xi32, #tpu.memory_space<vmem>>
    %dma_wait3A_83 = tpu.memref_squeeze %dma_wait3A_82 : memref<1x6x112xi32, #tpu.memory_space<vmem>> -> memref<6x112xi32, #tpu.memory_space<vmem>>
    %dma_wait3A_84 = arith.constant 0 : i32
    %dma_wait3A_85 = arith.constant 0 : i32
    %dma_wait3A_86 = tpu.memref_slice %arg3[%dma_wait3A_84, %dma_wait3A_85] : memref<2880x112xi32, #tpu.memory_space<hbm>> -> memref<6x112xi32, #tpu.memory_space<hbm>>
    tpu.wait_dma2 semaphore(%arg17 : memref<!tpu.dma_semaphore, #tpu.memory_space<semaphore_mem>>) src(%dma_wait3A_86 : memref<6x112xi32, #tpu.memory_space<hbm>>) dst(%dma_wait3A_83 : memref<6x112xi32, #tpu.memory_space<vmem>>)
    %dma_start3A_87 = arith.constant 0 : i32
    %dma_start3A_88 = arith.constant 0 : i32
    %dma_start3A_89 = arith.constant 0 : i32
    %dma_start3A_90 = arith.constant 0 : i32
    %dma_start3A_91 = arith.constant 0 : i32
    %dma_start3A_92 = tpu.memref_slice %arg12[%dma_start3A_89, %dma_start3A_90, %dma_start3A_91] : memref<2x112x128xf32, #tpu.memory_space<vmem>> -> memref<1x112x128xf32, #tpu.memory_space<vmem>>
    %dma_start3A_93 = tpu.memref_squeeze %dma_start3A_92 : memref<1x112x128xf32, #tpu.memory_space<vmem>> -> memref<112x128xf32, #tpu.memory_space<vmem>>
    %dma_start3A_94 = arith.constant 0 : i32
    %dma_start3A_95 = tpu.memref_slice %arg10[%dma_start3A_87, %dma_start3A_88, %dma_start3A_94] : memref<2x6x112xi32, #tpu.memory_space<vmem>> -> memref<1x1x112xi32, #tpu.memory_space<vmem>>
    %dma_start3A_96 = tpu.memref_squeeze %dma_start3A_95 : memref<1x1x112xi32, #tpu.memory_space<vmem>> -> memref<112xi32, #tpu.memory_space<vmem>>
    %dma_start3A_97 = arith.constant 0 : i32
    %dma_start3A_98 = arith.constant 0 : i32
    %dma_start3A_99 = tpu.memref_slice %arg4[%dma_start3A_97, %dma_start3A_98] : memref<30000x128xf32, #tpu.memory_space<hbm>> -> memref<30000x128xf32, #tpu.memory_space<hbm>>
    tpu.enqueue_indirect_dma source(%dma_start3A_99 : memref<30000x128xf32, #tpu.memory_space<hbm>>) target(%dma_start3A_93 : memref<112x128xf32, #tpu.memory_space<vmem>>) offsets(%dma_start3A_96 : memref<112xi32, #tpu.memory_space<vmem>>) semaphore(%arg16 : memref<!tpu.dma_semaphore, #tpu.memory_space<semaphore_mem>>)
    %jit3A_100 = arith.constant 2 : i32
    %div3A_101 = arith.divsi %select_n3A_2, %jit3A_100 : i32
    %sign3A_102 = arith.constant 0 : i32
    %sign3A_103 = arith.cmpi sgt, %select_n3A_2, %sign3A_102 : i32
    %sign3A_104 = arith.extui %sign3A_103 : i1 to i32
    %sign3A_105 = arith.constant 0 : i32
    %sign3A_106 = arith.cmpi slt, %select_n3A_2, %sign3A_105 : i32
    %sign3A_107 = arith.extui %sign3A_106 : i1 to i32
    %sign3A_108 = arith.subi %sign3A_104, %sign3A_107 : i32
    %sign3A_109 = arith.constant 0 : i32
    %sign3A_110 = arith.cmpi sgt, %jit3A_100, %sign3A_109 : i32
    %sign3A_111 = arith.extui %sign3A_110 : i1 to i32
    %sign3A_112 = arith.constant 0 : i32
    %sign3A_113 = arith.cmpi slt, %jit3A_100, %sign3A_112 : i32
    %sign3A_114 = arith.extui %sign3A_113 : i1 to i32
    %sign3A_115 = arith.subi %sign3A_111, %sign3A_114 : i32
    %ne3A_116 = arith.cmpi ne, %sign3A_108, %sign3A_115 : i32
    %rem3A_117 = arith.remsi %select_n3A_2, %jit3A_100 : i32
    %ne3A_118 = arith.constant 0 : i32
    %ne3A_119 = arith.cmpi ne, %rem3A_117, %ne3A_118 : i32
    %and3A_120 = arith.andi %ne3A_116, %ne3A_119 : i1
    %sub3A_121 = arith.constant 1 : i32
    %sub3A_122 = arith.subi %div3A_101, %sub3A_121 : i32
    %select_n3A_123 = arith.select %and3A_120, %sub3A_122, %div3A_101 : i32
    %while3A = arith.constant 0 : i32
    %while3A_124 = arith.constant 0 : i32
    %while3A_125 = arith.subi %select_n3A_123, %while3A_124 : i32
    %while3A_126 = arith.addi %while3A_124, %while3A_125 : i32
    %while3A_127 = arith.constant 1 : i32
    %while3A_128 = arith.divsi %while3A_125, %while3A_127 : i32
    %while3A_129 = arith.muli %while3A_128, %while3A_127 : i32
    %while3A_130 = arith.addi %while3A_124, %while3A_129 : i32
    %while3A_131 = arith.constant 1 : i32
    scf.for %while3A_134 = %while3A_124 to %while3A_130 step %while3A_131  : i32 {
      %jit3A_135 = arith.constant 3 : i32
      %div3A_136 = arith.divsi %while3A_134, %jit3A_135 : i32
      %sign3A_137 = arith.constant 0 : i32
      %sign3A_138 = arith.cmpi sgt, %while3A_134, %sign3A_137 : i32
      %sign3A_139 = arith.extui %sign3A_138 : i1 to i32
      %sign3A_140 = arith.constant 0 : i32
      %sign3A_141 = arith.cmpi slt, %while3A_134, %sign3A_140 : i32
      %sign3A_142 = arith.extui %sign3A_141 : i1 to i32
      %sign3A_143 = arith.subi %sign3A_139, %sign3A_142 : i32
      %sign3A_144 = arith.constant 0 : i32
      %sign3A_145 = arith.cmpi sgt, %jit3A_135, %sign3A_144 : i32
      %sign3A_146 = arith.extui %sign3A_145 : i1 to i32
      %sign3A_147 = arith.constant 0 : i32
      %sign3A_148 = arith.cmpi slt, %jit3A_135, %sign3A_147 : i32
      %sign3A_149 = arith.extui %sign3A_148 : i1 to i32
      %sign3A_150 = arith.subi %sign3A_146, %sign3A_149 : i32
      %ne3A_151 = arith.cmpi ne, %sign3A_143, %sign3A_150 : i32
      %rem3A_152 = arith.remsi %while3A_134, %jit3A_135 : i32
      %ne3A_153 = arith.constant 0 : i32
      %ne3A_154 = arith.cmpi ne, %rem3A_152, %ne3A_153 : i32
      %and3A_155 = arith.andi %ne3A_151, %ne3A_154 : i1
      %sub3A_156 = arith.constant 1 : i32
      %sub3A_157 = arith.subi %div3A_136, %sub3A_156 : i32
      %select_n3A_158 = arith.select %and3A_155, %sub3A_157, %div3A_136 : i32
      %jit3A_159 = arith.constant 3 : i32
      %eq3A_160 = arith.constant 0 : i32
      %eq3A_161 = arith.cmpi eq, %jit3A_159, %eq3A_160 : i32
      %jit3A_162 = arith.constant 1 : i32
      %select_n3A_163 = arith.select %eq3A_161, %jit3A_162, %jit3A_159 : i32
      %rem3A_164 = arith.remsi %while3A_134, %select_n3A_163 : i32
      %ne3A_165 = arith.constant 0 : i32
      %ne3A_166 = arith.cmpi ne, %rem3A_164, %ne3A_165 : i32
      %lt3A = arith.constant 0 : i32
      %lt3A_167 = arith.cmpi slt, %rem3A_164, %lt3A : i32
      %lt3A_168 = arith.constant 0 : i32
      %lt3A_169 = arith.cmpi slt, %select_n3A_163, %lt3A_168 : i32
      %ne3A_170 = arith.xori %lt3A_167, %lt3A_169 : i1
      %and3A_171 = arith.andi %ne3A_170, %ne3A_166 : i1
      %add3A_172 = arith.addi %rem3A_164, %select_n3A_163 : i32
      %select_n3A_173 = arith.select %and3A_171, %add3A_172, %rem3A_164 : i32
      %mul3A_174 = arith.constant 2 : i32
      %mul3A_175 = arith.muli %mul3A_174, %while3A_134 : i32
      %eq3A_176 = arith.constant 0 : i32
      %eq3A_177 = arith.cmpi eq, %select_n3A_173, %eq3A_176 : i32
      %add3A_178 = arith.constant 1 : i32
      %add3A_179 = arith.addi %select_n3A_158, %add3A_178 : i32
      %lt3A_180 = arith.cmpi slt, %add3A_179, %select_n3A_19 : i32
      %and3A_181 = arith.andi %eq3A_177, %lt3A_180 : i1
      %convert_element_type3A = arith.extui %and3A_181 : i1 to i32
      %cond3A = arith.constant 0 : i32
      %cond3A_182 = arith.cmpi ne, %convert_element_type3A, %cond3A : i32
      scf.if %cond3A_182 {
        %add3A_483 = arith.constant 1 : i32
        %add3A_484 = arith.addi %select_n3A_158, %add3A_483 : i32
        %add3A_485 = arith.constant 1 : i32
        %add3A_486 = arith.addi %select_n3A_158, %add3A_485 : i32
        %jit3A_487 = arith.constant 2 : i32
        %eq3A_488 = arith.constant 0 : i32
        %eq3A_489 = arith.cmpi eq, %jit3A_487, %eq3A_488 : i32
        %jit3A_490 = arith.constant 1 : i32
        %select_n3A_491 = arith.select %eq3A_489, %jit3A_490, %jit3A_487 : i32
        %rem3A_492 = arith.remsi %add3A_486, %select_n3A_491 : i32
        %ne3A_493 = arith.constant 0 : i32
        %ne3A_494 = arith.cmpi ne, %rem3A_492, %ne3A_493 : i32
        %lt3A_495 = arith.constant 0 : i32
        %lt3A_496 = arith.cmpi slt, %rem3A_492, %lt3A_495 : i32
        %lt3A_497 = arith.constant 0 : i32
        %lt3A_498 = arith.cmpi slt, %select_n3A_491, %lt3A_497 : i32
        %ne3A_499 = arith.xori %lt3A_496, %lt3A_498 : i1
        %and3A_500 = arith.andi %ne3A_499, %ne3A_494 : i1
        %add3A_501 = arith.addi %rem3A_492, %select_n3A_491 : i32
        %select_n3A_502 = arith.select %and3A_500, %add3A_501, %rem3A_492 : i32
        %mul3A_503 = arith.constant 6 : i32
        %mul3A_504 = arith.muli %add3A_484, %mul3A_503 : i32
        %add3A_505 = arith.addi %select_n3A_26, %mul3A_504 : i32
        %dma_start3A_506 = arith.constant 0 : i32
        %dma_start3A_507 = arith.constant 0 : i32
        %dma_start3A_508 = tpu.memref_slice %arg10[%select_n3A_502, %dma_start3A_506, %dma_start3A_507] : memref<2x6x112xi32, #tpu.memory_space<vmem>> -> memref<1x6x112xi32, #tpu.memory_space<vmem>>
        %dma_start3A_509 = tpu.memref_squeeze %dma_start3A_508 : memref<1x6x112xi32, #tpu.memory_space<vmem>> -> memref<6x112xi32, #tpu.memory_space<vmem>>
        %dma_start3A_510 = arith.constant 0 : i32
        %dma_start3A_511 = tpu.memref_slice %arg2[%add3A_505, %dma_start3A_510] : memref<2880x112xi32, #tpu.memory_space<hbm>> -> memref<6x112xi32, #tpu.memory_space<hbm>>
        %dma_start3A_512 = arith.constant 0 : i32
        %dma_start3A_513 = arith.constant 0 : i32
        %dma_start3A_514 = tpu.memref_slice %arg10[%select_n3A_502, %dma_start3A_512, %dma_start3A_513] : memref<2x6x112xi32, #tpu.memory_space<vmem>> -> memref<1x6x112xi32, #tpu.memory_space<vmem>>
        %dma_start3A_515 = tpu.memref_squeeze %dma_start3A_514 : memref<1x6x112xi32, #tpu.memory_space<vmem>> -> memref<6x112xi32, #tpu.memory_space<vmem>>
        %dma_start3A_516 = arith.constant 0 : i32
        %dma_start3A_517 = tpu.memref_slice %arg2[%add3A_505, %dma_start3A_516] : memref<2880x112xi32, #tpu.memory_space<hbm>> -> memref<6x112xi32, #tpu.memory_space<hbm>>
        tpu.enqueue_dma source(%dma_start3A_517 : memref<6x112xi32, #tpu.memory_space<hbm>>) target(%dma_start3A_515 : memref<6x112xi32, #tpu.memory_space<vmem>>) target_semaphore(%arg17 : memref<!tpu.dma_semaphore, #tpu.memory_space<semaphore_mem>>)
        %mul3A_518 = arith.constant 6 : i32
        %mul3A_519 = arith.muli %add3A_484, %mul3A_518 : i32
        %add3A_520 = arith.addi %select_n3A_26, %mul3A_519 : i32
        %dma_start3A_521 = arith.constant 0 : i32
        %dma_start3A_522 = arith.constant 0 : i32
        %dma_start3A_523 = tpu.memref_slice %arg11[%select_n3A_502, %dma_start3A_521, %dma_start3A_522] : memref<2x6x112xi32, #tpu.memory_space<vmem>> -> memref<1x6x112xi32, #tpu.memory_space<vmem>>
        %dma_start3A_524 = tpu.memref_squeeze %dma_start3A_523 : memref<1x6x112xi32, #tpu.memory_space<vmem>> -> memref<6x112xi32, #tpu.memory_space<vmem>>
        %dma_start3A_525 = arith.constant 0 : i32
        %dma_start3A_526 = tpu.memref_slice %arg3[%add3A_520, %dma_start3A_525] : memref<2880x112xi32, #tpu.memory_space<hbm>> -> memref<6x112xi32, #tpu.memory_space<hbm>>
        %dma_start3A_527 = arith.constant 0 : i32
        %dma_start3A_528 = arith.constant 0 : i32
        %dma_start3A_529 = tpu.memref_slice %arg11[%select_n3A_502, %dma_start3A_527, %dma_start3A_528] : memref<2x6x112xi32, #tpu.memory_space<vmem>> -> memref<1x6x112xi32, #tpu.memory_space<vmem>>
        %dma_start3A_530 = tpu.memref_squeeze %dma_start3A_529 : memref<1x6x112xi32, #tpu.memory_space<vmem>> -> memref<6x112xi32, #tpu.memory_space<vmem>>
        %dma_start3A_531 = arith.constant 0 : i32
        %dma_start3A_532 = tpu.memref_slice %arg3[%add3A_520, %dma_start3A_531] : memref<2880x112xi32, #tpu.memory_space<hbm>> -> memref<6x112xi32, #tpu.memory_space<hbm>>
        tpu.enqueue_dma source(%dma_start3A_532 : memref<6x112xi32, #tpu.memory_space<hbm>>) target(%dma_start3A_530 : memref<6x112xi32, #tpu.memory_space<vmem>>) target_semaphore(%arg17 : memref<!tpu.dma_semaphore, #tpu.memory_space<semaphore_mem>>)
      } else {
      }
      %dma_wait3A_183 = arith.constant 0 : i32
      %dma_wait3A_184 = arith.constant 0 : i32
      %dma_wait3A_185 = arith.constant 0 : i32
      %dma_wait3A_186 = arith.constant 0 : i32
      %dma_wait3A_187 = arith.constant 0 : i32
      %dma_wait3A_188 = tpu.memref_slice %arg12[%dma_wait3A_185, %dma_wait3A_186, %dma_wait3A_187] : memref<2x112x128xf32, #tpu.memory_space<vmem>> -> memref<1x112x128xf32, #tpu.memory_space<vmem>>
      %dma_wait3A_189 = tpu.memref_squeeze %dma_wait3A_188 : memref<1x112x128xf32, #tpu.memory_space<vmem>> -> memref<112x128xf32, #tpu.memory_space<vmem>>
      %dma_wait3A_190 = arith.constant 0 : i32
      %dma_wait3A_191 = tpu.memref_slice %arg10[%dma_wait3A_183, %dma_wait3A_184, %dma_wait3A_190] : memref<2x6x112xi32, #tpu.memory_space<vmem>> -> memref<1x1x112xi32, #tpu.memory_space<vmem>>
      %dma_wait3A_192 = tpu.memref_squeeze %dma_wait3A_191 : memref<1x1x112xi32, #tpu.memory_space<vmem>> -> memref<112xi32, #tpu.memory_space<vmem>>
      %dma_wait3A_193 = arith.constant 0 : i32
      %dma_wait3A_194 = arith.constant 0 : i32
      %dma_wait3A_195 = tpu.memref_slice %arg4[%dma_wait3A_193, %dma_wait3A_194] : memref<30000x128xf32, #tpu.memory_space<hbm>> -> memref<30000x128xf32, #tpu.memory_space<hbm>>
      tpu.wait_indirect_dma semaphore(%arg16 : memref<!tpu.dma_semaphore, #tpu.memory_space<semaphore_mem>>) src(%dma_wait3A_195 : memref<30000x128xf32, #tpu.memory_space<hbm>>) dst(%dma_wait3A_189 : memref<112x128xf32, #tpu.memory_space<vmem>>)
      %add3A_196 = arith.constant 1 : i32
      %add3A_197 = arith.addi %mul3A_175, %add3A_196 : i32
      %jit3A_198 = arith.constant 6 : i32
      %div3A_199 = arith.divsi %add3A_197, %jit3A_198 : i32
      %sign3A_200 = arith.constant 0 : i32
      %sign3A_201 = arith.cmpi sgt, %add3A_197, %sign3A_200 : i32
      %sign3A_202 = arith.extui %sign3A_201 : i1 to i32
      %sign3A_203 = arith.constant 0 : i32
      %sign3A_204 = arith.cmpi slt, %add3A_197, %sign3A_203 : i32
      %sign3A_205 = arith.extui %sign3A_204 : i1 to i32
      %sign3A_206 = arith.subi %sign3A_202, %sign3A_205 : i32
      %sign3A_207 = arith.constant 0 : i32
      %sign3A_208 = arith.cmpi sgt, %jit3A_198, %sign3A_207 : i32
      %sign3A_209 = arith.extui %sign3A_208 : i1 to i32
      %sign3A_210 = arith.constant 0 : i32
      %sign3A_211 = arith.cmpi slt, %jit3A_198, %sign3A_210 : i32
      %sign3A_212 = arith.extui %sign3A_211 : i1 to i32
      %sign3A_213 = arith.subi %sign3A_209, %sign3A_212 : i32
      %ne3A_214 = arith.cmpi ne, %sign3A_206, %sign3A_213 : i32
      %rem3A_215 = arith.remsi %add3A_197, %jit3A_198 : i32
      %ne3A_216 = arith.constant 0 : i32
      %ne3A_217 = arith.cmpi ne, %rem3A_215, %ne3A_216 : i32
      %and3A_218 = arith.andi %ne3A_214, %ne3A_217 : i1
      %sub3A_219 = arith.constant 1 : i32
      %sub3A_220 = arith.subi %div3A_199, %sub3A_219 : i32
      %select_n3A_221 = arith.select %and3A_218, %sub3A_220, %div3A_199 : i32
      %jit3A_222 = arith.constant 2 : i32
      %eq3A_223 = arith.constant 0 : i32
      %eq3A_224 = arith.cmpi eq, %jit3A_222, %eq3A_223 : i32
      %jit3A_225 = arith.constant 1 : i32
      %select_n3A_226 = arith.select %eq3A_224, %jit3A_225, %jit3A_222 : i32
      %rem3A_227 = arith.remsi %select_n3A_221, %select_n3A_226 : i32
      %ne3A_228 = arith.constant 0 : i32
      %ne3A_229 = arith.cmpi ne, %rem3A_227, %ne3A_228 : i32
      %lt3A_230 = arith.constant 0 : i32
      %lt3A_231 = arith.cmpi slt, %rem3A_227, %lt3A_230 : i32
      %lt3A_232 = arith.constant 0 : i32
      %lt3A_233 = arith.cmpi slt, %select_n3A_226, %lt3A_232 : i32
      %ne3A_234 = arith.xori %lt3A_231, %lt3A_233 : i1
      %and3A_235 = arith.andi %ne3A_234, %ne3A_229 : i1
      %add3A_236 = arith.addi %rem3A_227, %select_n3A_226 : i32
      %select_n3A_237 = arith.select %and3A_235, %add3A_236, %rem3A_227 : i32
      %jit3A_238 = arith.constant 6 : i32
      %eq3A_239 = arith.constant 0 : i32
      %eq3A_240 = arith.cmpi eq, %jit3A_238, %eq3A_239 : i32
      %jit3A_241 = arith.constant 1 : i32
      %select_n3A_242 = arith.select %eq3A_240, %jit3A_241, %jit3A_238 : i32
      %rem3A_243 = arith.remsi %add3A_197, %select_n3A_242 : i32
      %ne3A_244 = arith.constant 0 : i32
      %ne3A_245 = arith.cmpi ne, %rem3A_243, %ne3A_244 : i32
      %lt3A_246 = arith.constant 0 : i32
      %lt3A_247 = arith.cmpi slt, %rem3A_243, %lt3A_246 : i32
      %lt3A_248 = arith.constant 0 : i32
      %lt3A_249 = arith.cmpi slt, %select_n3A_242, %lt3A_248 : i32
      %ne3A_250 = arith.xori %lt3A_247, %lt3A_249 : i1
      %and3A_251 = arith.andi %ne3A_250, %ne3A_245 : i1
      %add3A_252 = arith.addi %rem3A_243, %select_n3A_242 : i32
      %select_n3A_253 = arith.select %and3A_251, %add3A_252, %rem3A_243 : i32
      %dma_start3A_254 = arith.constant 1 : i32
      %dma_start3A_255 = arith.constant 0 : i32
      %dma_start3A_256 = arith.constant 0 : i32
      %dma_start3A_257 = tpu.memref_slice %arg12[%dma_start3A_254, %dma_start3A_255, %dma_start3A_256] : memref<2x112x128xf32, #tpu.memory_space<vmem>> -> memref<1x112x128xf32, #tpu.memory_space<vmem>>
      %dma_start3A_258 = tpu.memref_squeeze %dma_start3A_257 : memref<1x112x128xf32, #tpu.memory_space<vmem>> -> memref<112x128xf32, #tpu.memory_space<vmem>>
      %dma_start3A_259 = arith.constant 0 : i32
      %dma_start3A_260 = tpu.memref_slice %arg10[%select_n3A_237, %select_n3A_253, %dma_start3A_259] : memref<2x6x112xi32, #tpu.memory_space<vmem>> -> memref<1x1x112xi32, #tpu.memory_space<vmem>>
      %dma_start3A_261 = tpu.memref_squeeze %dma_start3A_260 : memref<1x1x112xi32, #tpu.memory_space<vmem>> -> memref<112xi32, #tpu.memory_space<vmem>>
      %dma_start3A_262 = arith.constant 0 : i32
      %dma_start3A_263 = arith.constant 0 : i32
      %dma_start3A_264 = tpu.memref_slice %arg4[%dma_start3A_262, %dma_start3A_263] : memref<30000x128xf32, #tpu.memory_space<hbm>> -> memref<30000x128xf32, #tpu.memory_space<hbm>>
      tpu.enqueue_indirect_dma source(%dma_start3A_264 : memref<30000x128xf32, #tpu.memory_space<hbm>>) target(%dma_start3A_258 : memref<112x128xf32, #tpu.memory_space<vmem>>) offsets(%dma_start3A_261 : memref<112xi32, #tpu.memory_space<vmem>>) semaphore(%arg16 : memref<!tpu.dma_semaphore, #tpu.memory_space<semaphore_mem>>)
      %jit3A_265 = arith.constant 6 : i32
      %div3A_266 = arith.divsi %mul3A_175, %jit3A_265 : i32
      %sign3A_267 = arith.constant 0 : i32
      %sign3A_268 = arith.cmpi sgt, %mul3A_175, %sign3A_267 : i32
      %sign3A_269 = arith.extui %sign3A_268 : i1 to i32
      %sign3A_270 = arith.constant 0 : i32
      %sign3A_271 = arith.cmpi slt, %mul3A_175, %sign3A_270 : i32
      %sign3A_272 = arith.extui %sign3A_271 : i1 to i32
      %sign3A_273 = arith.subi %sign3A_269, %sign3A_272 : i32
      %sign3A_274 = arith.constant 0 : i32
      %sign3A_275 = arith.cmpi sgt, %jit3A_265, %sign3A_274 : i32
      %sign3A_276 = arith.extui %sign3A_275 : i1 to i32
      %sign3A_277 = arith.constant 0 : i32
      %sign3A_278 = arith.cmpi slt, %jit3A_265, %sign3A_277 : i32
      %sign3A_279 = arith.extui %sign3A_278 : i1 to i32
      %sign3A_280 = arith.subi %sign3A_276, %sign3A_279 : i32
      %ne3A_281 = arith.cmpi ne, %sign3A_273, %sign3A_280 : i32
      %rem3A_282 = arith.remsi %mul3A_175, %jit3A_265 : i32
      %ne3A_283 = arith.constant 0 : i32
      %ne3A_284 = arith.cmpi ne, %rem3A_282, %ne3A_283 : i32
      %and3A_285 = arith.andi %ne3A_281, %ne3A_284 : i1
      %sub3A_286 = arith.constant 1 : i32
      %sub3A_287 = arith.subi %div3A_266, %sub3A_286 : i32
      %select_n3A_288 = arith.select %and3A_285, %sub3A_287, %div3A_266 : i32
      %jit3A_289 = arith.constant 2 : i32
      %eq3A_290 = arith.constant 0 : i32
      %eq3A_291 = arith.cmpi eq, %jit3A_289, %eq3A_290 : i32
      %jit3A_292 = arith.constant 1 : i32
      %select_n3A_293 = arith.select %eq3A_291, %jit3A_292, %jit3A_289 : i32
      %rem3A_294 = arith.remsi %select_n3A_288, %select_n3A_293 : i32
      %ne3A_295 = arith.constant 0 : i32
      %ne3A_296 = arith.cmpi ne, %rem3A_294, %ne3A_295 : i32
      %lt3A_297 = arith.constant 0 : i32
      %lt3A_298 = arith.cmpi slt, %rem3A_294, %lt3A_297 : i32
      %lt3A_299 = arith.constant 0 : i32
      %lt3A_300 = arith.cmpi slt, %select_n3A_293, %lt3A_299 : i32
      %ne3A_301 = arith.xori %lt3A_298, %lt3A_300 : i1
      %and3A_302 = arith.andi %ne3A_301, %ne3A_296 : i1
      %add3A_303 = arith.addi %rem3A_294, %select_n3A_293 : i32
      %select_n3A_304 = arith.select %and3A_302, %add3A_303, %rem3A_294 : i32
      %jit3A_305 = arith.constant 6 : i32
      %eq3A_306 = arith.constant 0 : i32
      %eq3A_307 = arith.cmpi eq, %jit3A_305, %eq3A_306 : i32
      %jit3A_308 = arith.constant 1 : i32
      %select_n3A_309 = arith.select %eq3A_307, %jit3A_308, %jit3A_305 : i32
      %rem3A_310 = arith.remsi %mul3A_175, %select_n3A_309 : i32
      %ne3A_311 = arith.constant 0 : i32
      %ne3A_312 = arith.cmpi ne, %rem3A_310, %ne3A_311 : i32
      %lt3A_313 = arith.constant 0 : i32
      %lt3A_314 = arith.cmpi slt, %rem3A_310, %lt3A_313 : i32
      %lt3A_315 = arith.constant 0 : i32
      %lt3A_316 = arith.cmpi slt, %select_n3A_309, %lt3A_315 : i32
      %ne3A_317 = arith.xori %lt3A_314, %lt3A_316 : i1
      %and3A_318 = arith.andi %ne3A_317, %ne3A_312 : i1
      %add3A_319 = arith.addi %rem3A_310, %select_n3A_309 : i32
      %select_n3A_320 = arith.select %and3A_318, %add3A_319, %rem3A_310 : i32
      %dma_start3A_321 = arith.constant 0 : i32
      %dma_start3A_322 = arith.constant 0 : i32
      %dma_start3A_323 = arith.constant 0 : i32
      %dma_start3A_324 = tpu.memref_slice %arg12[%dma_start3A_321, %dma_start3A_322, %dma_start3A_323] : memref<2x112x128xf32, #tpu.memory_space<vmem>> -> memref<1x112x128xf32, #tpu.memory_space<vmem>>
      %dma_start3A_325 = tpu.memref_squeeze %dma_start3A_324 : memref<1x112x128xf32, #tpu.memory_space<vmem>> -> memref<112x128xf32, #tpu.memory_space<vmem>>
      %dma_start3A_326 = arith.constant 0 : i32
      %dma_start3A_327 = tpu.memref_slice %arg11[%select_n3A_304, %select_n3A_320, %dma_start3A_326] : memref<2x6x112xi32, #tpu.memory_space<vmem>> -> memref<1x1x112xi32, #tpu.memory_space<vmem>>
      %dma_start3A_328 = tpu.memref_squeeze %dma_start3A_327 : memref<1x1x112xi32, #tpu.memory_space<vmem>> -> memref<112xi32, #tpu.memory_space<vmem>>
      %dma_start3A_329 = arith.constant 0 : i32
      %dma_start3A_330 = arith.constant 0 : i32
      %dma_start3A_331 = tpu.memref_slice %arg14[%dma_start3A_329, %dma_start3A_330] : memref<10112x128xf32, #tpu.memory_space<vmem_shared>> -> memref<10112x128xf32, #tpu.memory_space<vmem_shared>>
      tpu.enqueue_indirect_dma source(%dma_start3A_325 : memref<112x128xf32, #tpu.memory_space<vmem>>) target(%dma_start3A_331 : memref<10112x128xf32, #tpu.memory_space<vmem_shared>>) offsets(%dma_start3A_328 : memref<112xi32, #tpu.memory_space<vmem>>) semaphore(%arg18 : memref<!tpu.dma_semaphore, #tpu.memory_space<semaphore_mem>>) {add = true}
      %dma_start3A_332 = arith.constant 0 : i32
      %dma_start3A_333 = tpu.memref_slice %arg11[%select_n3A_304, %select_n3A_320, %dma_start3A_332] : memref<2x6x112xi32, #tpu.memory_space<vmem>> -> memref<1x1x112xi32, #tpu.memory_space<vmem>>
      %dma_start3A_334 = tpu.memref_squeeze %dma_start3A_333 : memref<1x1x112xi32, #tpu.memory_space<vmem>> -> memref<112xi32, #tpu.memory_space<vmem>>
      %dma_start3A_335 = arith.constant 0 : i32
      %dma_start3A_336 = arith.constant 0 : i32
      %dma_start3A_337 = tpu.memref_slice %arg15[%dma_start3A_335, %dma_start3A_336] : memref<10112x16xf32, #tpu.memory_space<vmem_shared>> -> memref<10112x16xf32, #tpu.memory_space<vmem_shared>>
      tpu.enqueue_indirect_dma source(%arg13 : memref<112x16xf32, #tpu.memory_space<vmem>>) target(%dma_start3A_337 : memref<10112x16xf32, #tpu.memory_space<vmem_shared>>) offsets(%dma_start3A_334 : memref<112xi32, #tpu.memory_space<vmem>>) semaphore(%arg18 : memref<!tpu.dma_semaphore, #tpu.memory_space<semaphore_mem>>) {add = true}
      %eq3A_338 = arith.constant 2 : i32
      %eq3A_339 = arith.cmpi eq, %select_n3A_173, %eq3A_338 : i32
      %add3A_340 = arith.constant 1 : i32
      %add3A_341 = arith.addi %select_n3A_158, %add3A_340 : i32
      %lt3A_342 = arith.cmpi slt, %add3A_341, %select_n3A_19 : i32
      %and3A_343 = arith.andi %eq3A_339, %lt3A_342 : i1
      %convert_element_type3A_344 = arith.extui %and3A_343 : i1 to i32
      %cond3A_345 = arith.constant 0 : i32
      %cond3A_346 = arith.cmpi ne, %convert_element_type3A_344, %cond3A_345 : i32
      scf.if %cond3A_346 {
        %dma_wait3A_483 = arith.constant 0 : i32
        %dma_wait3A_484 = arith.constant 0 : i32
        %dma_wait3A_485 = arith.constant 0 : i32
        %dma_wait3A_486 = tpu.memref_slice %arg10[%dma_wait3A_483, %dma_wait3A_484, %dma_wait3A_485] : memref<2x6x112xi32, #tpu.memory_space<vmem>> -> memref<1x6x112xi32, #tpu.memory_space<vmem>>
        %dma_wait3A_487 = tpu.memref_squeeze %dma_wait3A_486 : memref<1x6x112xi32, #tpu.memory_space<vmem>> -> memref<6x112xi32, #tpu.memory_space<vmem>>
        %dma_wait3A_488 = arith.constant 0 : i32
        %dma_wait3A_489 = arith.constant 0 : i32
        %dma_wait3A_490 = tpu.memref_slice %arg2[%dma_wait3A_488, %dma_wait3A_489] : memref<2880x112xi32, #tpu.memory_space<hbm>> -> memref<6x112xi32, #tpu.memory_space<hbm>>
        %dma_wait3A_491 = arith.constant 0 : i32
        %dma_wait3A_492 = arith.constant 0 : i32
        %dma_wait3A_493 = tpu.memref_slice %arg10[%dma_wait3A_483, %dma_wait3A_491, %dma_wait3A_492] : memref<2x6x112xi32, #tpu.memory_space<vmem>> -> memref<1x6x112xi32, #tpu.memory_space<vmem>>
        %dma_wait3A_494 = tpu.memref_squeeze %dma_wait3A_493 : memref<1x6x112xi32, #tpu.memory_space<vmem>> -> memref<6x112xi32, #tpu.memory_space<vmem>>
        %dma_wait3A_495 = arith.constant 0 : i32
        %dma_wait3A_496 = arith.constant 0 : i32
        %dma_wait3A_497 = tpu.memref_slice %arg2[%dma_wait3A_495, %dma_wait3A_496] : memref<2880x112xi32, #tpu.memory_space<hbm>> -> memref<6x112xi32, #tpu.memory_space<hbm>>
        tpu.wait_dma2 semaphore(%arg17 : memref<!tpu.dma_semaphore, #tpu.memory_space<semaphore_mem>>) src(%dma_wait3A_497 : memref<6x112xi32, #tpu.memory_space<hbm>>) dst(%dma_wait3A_494 : memref<6x112xi32, #tpu.memory_space<vmem>>)
        %dma_wait3A_498 = arith.constant 0 : i32
        %dma_wait3A_499 = arith.constant 0 : i32
        %dma_wait3A_500 = arith.constant 0 : i32
        %dma_wait3A_501 = tpu.memref_slice %arg11[%dma_wait3A_498, %dma_wait3A_499, %dma_wait3A_500] : memref<2x6x112xi32, #tpu.memory_space<vmem>> -> memref<1x6x112xi32, #tpu.memory_space<vmem>>
        %dma_wait3A_502 = tpu.memref_squeeze %dma_wait3A_501 : memref<1x6x112xi32, #tpu.memory_space<vmem>> -> memref<6x112xi32, #tpu.memory_space<vmem>>
        %dma_wait3A_503 = arith.constant 0 : i32
        %dma_wait3A_504 = arith.constant 0 : i32
        %dma_wait3A_505 = tpu.memref_slice %arg3[%dma_wait3A_503, %dma_wait3A_504] : memref<2880x112xi32, #tpu.memory_space<hbm>> -> memref<6x112xi32, #tpu.memory_space<hbm>>
        %dma_wait3A_506 = arith.constant 0 : i32
        %dma_wait3A_507 = arith.constant 0 : i32
        %dma_wait3A_508 = tpu.memref_slice %arg11[%dma_wait3A_498, %dma_wait3A_506, %dma_wait3A_507] : memref<2x6x112xi32, #tpu.memory_space<vmem>> -> memref<1x6x112xi32, #tpu.memory_space<vmem>>
        %dma_wait3A_509 = tpu.memref_squeeze %dma_wait3A_508 : memref<1x6x112xi32, #tpu.memory_space<vmem>> -> memref<6x112xi32, #tpu.memory_space<vmem>>
        %dma_wait3A_510 = arith.constant 0 : i32
        %dma_wait3A_511 = arith.constant 0 : i32
        %dma_wait3A_512 = tpu.memref_slice %arg3[%dma_wait3A_510, %dma_wait3A_511] : memref<2880x112xi32, #tpu.memory_space<hbm>> -> memref<6x112xi32, #tpu.memory_space<hbm>>
        tpu.wait_dma2 semaphore(%arg17 : memref<!tpu.dma_semaphore, #tpu.memory_space<semaphore_mem>>) src(%dma_wait3A_512 : memref<6x112xi32, #tpu.memory_space<hbm>>) dst(%dma_wait3A_509 : memref<6x112xi32, #tpu.memory_space<vmem>>)
      } else {
      }
      %dma_wait3A_347 = arith.constant 0 : i32
      %dma_wait3A_348 = arith.constant 0 : i32
      %dma_wait3A_349 = arith.constant 1 : i32
      %dma_wait3A_350 = arith.constant 0 : i32
      %dma_wait3A_351 = arith.constant 0 : i32
      %dma_wait3A_352 = tpu.memref_slice %arg12[%dma_wait3A_349, %dma_wait3A_350, %dma_wait3A_351] : memref<2x112x128xf32, #tpu.memory_space<vmem>> -> memref<1x112x128xf32, #tpu.memory_space<vmem>>
      %dma_wait3A_353 = tpu.memref_squeeze %dma_wait3A_352 : memref<1x112x128xf32, #tpu.memory_space<vmem>> -> memref<112x128xf32, #tpu.memory_space<vmem>>
      %dma_wait3A_354 = arith.constant 0 : i32
      %dma_wait3A_355 = tpu.memref_slice %arg10[%dma_wait3A_347, %dma_wait3A_348, %dma_wait3A_354] : memref<2x6x112xi32, #tpu.memory_space<vmem>> -> memref<1x1x112xi32, #tpu.memory_space<vmem>>
      %dma_wait3A_356 = tpu.memref_squeeze %dma_wait3A_355 : memref<1x1x112xi32, #tpu.memory_space<vmem>> -> memref<112xi32, #tpu.memory_space<vmem>>
      %dma_wait3A_357 = arith.constant 0 : i32
      %dma_wait3A_358 = arith.constant 0 : i32
      %dma_wait3A_359 = tpu.memref_slice %arg4[%dma_wait3A_357, %dma_wait3A_358] : memref<30000x128xf32, #tpu.memory_space<hbm>> -> memref<30000x128xf32, #tpu.memory_space<hbm>>
      tpu.wait_indirect_dma semaphore(%arg16 : memref<!tpu.dma_semaphore, #tpu.memory_space<semaphore_mem>>) src(%dma_wait3A_359 : memref<30000x128xf32, #tpu.memory_space<hbm>>) dst(%dma_wait3A_353 : memref<112x128xf32, #tpu.memory_space<vmem>>)
      %dma_wait3A_360 = arith.constant 0 : i32
      %dma_wait3A_361 = arith.constant 0 : i32
      %dma_wait3A_362 = arith.constant 0 : i32
      %dma_wait3A_363 = arith.constant 0 : i32
      %dma_wait3A_364 = arith.constant 0 : i32
      %dma_wait3A_365 = tpu.memref_slice %arg12[%dma_wait3A_360, %dma_wait3A_363, %dma_wait3A_364] : memref<2x112x128xf32, #tpu.memory_space<vmem>> -> memref<1x112x128xf32, #tpu.memory_space<vmem>>
      %dma_wait3A_366 = tpu.memref_squeeze %dma_wait3A_365 : memref<1x112x128xf32, #tpu.memory_space<vmem>> -> memref<112x128xf32, #tpu.memory_space<vmem>>
      %dma_wait3A_367 = arith.constant 0 : i32
      %dma_wait3A_368 = tpu.memref_slice %arg11[%dma_wait3A_361, %dma_wait3A_362, %dma_wait3A_367] : memref<2x6x112xi32, #tpu.memory_space<vmem>> -> memref<1x1x112xi32, #tpu.memory_space<vmem>>
      %dma_wait3A_369 = tpu.memref_squeeze %dma_wait3A_368 : memref<1x1x112xi32, #tpu.memory_space<vmem>> -> memref<112xi32, #tpu.memory_space<vmem>>
      %dma_wait3A_370 = arith.constant 0 : i32
      %dma_wait3A_371 = arith.constant 0 : i32
      %dma_wait3A_372 = tpu.memref_slice %arg14[%dma_wait3A_370, %dma_wait3A_371] : memref<10112x128xf32, #tpu.memory_space<vmem_shared>> -> memref<10112x128xf32, #tpu.memory_space<vmem_shared>>
      tpu.wait_indirect_dma semaphore(%arg18 : memref<!tpu.dma_semaphore, #tpu.memory_space<semaphore_mem>>) src(%dma_wait3A_366 : memref<112x128xf32, #tpu.memory_space<vmem>>) dst(%dma_wait3A_372 : memref<10112x128xf32, #tpu.memory_space<vmem_shared>>)
      %dma_wait3A_373 = arith.constant 0 : i32
      %dma_wait3A_374 = arith.constant 0 : i32
      %dma_wait3A_375 = arith.constant 0 : i32
      %dma_wait3A_376 = tpu.memref_slice %arg11[%dma_wait3A_373, %dma_wait3A_374, %dma_wait3A_375] : memref<2x6x112xi32, #tpu.memory_space<vmem>> -> memref<1x1x112xi32, #tpu.memory_space<vmem>>
      %dma_wait3A_377 = tpu.memref_squeeze %dma_wait3A_376 : memref<1x1x112xi32, #tpu.memory_space<vmem>> -> memref<112xi32, #tpu.memory_space<vmem>>
      %dma_wait3A_378 = arith.constant 0 : i32
      %dma_wait3A_379 = arith.constant 0 : i32
      %dma_wait3A_380 = tpu.memref_slice %arg15[%dma_wait3A_378, %dma_wait3A_379] : memref<10112x16xf32, #tpu.memory_space<vmem_shared>> -> memref<10112x16xf32, #tpu.memory_space<vmem_shared>>
      tpu.wait_indirect_dma semaphore(%arg18 : memref<!tpu.dma_semaphore, #tpu.memory_space<semaphore_mem>>) src(%arg13 : memref<112x16xf32, #tpu.memory_space<vmem>>) dst(%dma_wait3A_380 : memref<10112x16xf32, #tpu.memory_space<vmem_shared>>)
      %add3A_381 = arith.constant 2 : i32
      %add3A_382 = arith.addi %mul3A_175, %add3A_381 : i32
      %lt3A_383 = arith.cmpi slt, %add3A_382, %select_n3A_2 : i32
      %convert_element_type3A_384 = arith.extui %lt3A_383 : i1 to i32
      %cond3A_385 = arith.constant 0 : i32
      %cond3A_386 = arith.cmpi ne, %convert_element_type3A_384, %cond3A_385 : i32
      scf.if %cond3A_386 {
        %add3A_483 = arith.constant 2 : i32
        %add3A_484 = arith.addi %mul3A_175, %add3A_483 : i32
        %jit3A_485 = arith.constant 6 : i32
        %div3A_486 = arith.divsi %add3A_484, %jit3A_485 : i32
        %sign3A_487 = arith.constant 0 : i32
        %sign3A_488 = arith.cmpi sgt, %add3A_484, %sign3A_487 : i32
        %sign3A_489 = arith.extui %sign3A_488 : i1 to i32
        %sign3A_490 = arith.constant 0 : i32
        %sign3A_491 = arith.cmpi slt, %add3A_484, %sign3A_490 : i32
        %sign3A_492 = arith.extui %sign3A_491 : i1 to i32
        %sign3A_493 = arith.subi %sign3A_489, %sign3A_492 : i32
        %sign3A_494 = arith.constant 0 : i32
        %sign3A_495 = arith.cmpi sgt, %jit3A_485, %sign3A_494 : i32
        %sign3A_496 = arith.extui %sign3A_495 : i1 to i32
        %sign3A_497 = arith.constant 0 : i32
        %sign3A_498 = arith.cmpi slt, %jit3A_485, %sign3A_497 : i32
        %sign3A_499 = arith.extui %sign3A_498 : i1 to i32
        %sign3A_500 = arith.subi %sign3A_496, %sign3A_499 : i32
        %ne3A_501 = arith.cmpi ne, %sign3A_493, %sign3A_500 : i32
        %rem3A_502 = arith.remsi %add3A_484, %jit3A_485 : i32
        %ne3A_503 = arith.constant 0 : i32
        %ne3A_504 = arith.cmpi ne, %rem3A_502, %ne3A_503 : i32
        %and3A_505 = arith.andi %ne3A_501, %ne3A_504 : i1
        %sub3A_506 = arith.constant 1 : i32
        %sub3A_507 = arith.subi %div3A_486, %sub3A_506 : i32
        %select_n3A_508 = arith.select %and3A_505, %sub3A_507, %div3A_486 : i32
        %jit3A_509 = arith.constant 2 : i32
        %eq3A_510 = arith.constant 0 : i32
        %eq3A_511 = arith.cmpi eq, %jit3A_509, %eq3A_510 : i32
        %jit3A_512 = arith.constant 1 : i32
        %select_n3A_513 = arith.select %eq3A_511, %jit3A_512, %jit3A_509 : i32
        %rem3A_514 = arith.remsi %select_n3A_508, %select_n3A_513 : i32
        %ne3A_515 = arith.constant 0 : i32
        %ne3A_516 = arith.cmpi ne, %rem3A_514, %ne3A_515 : i32
        %lt3A_517 = arith.constant 0 : i32
        %lt3A_518 = arith.cmpi slt, %rem3A_514, %lt3A_517 : i32
        %lt3A_519 = arith.constant 0 : i32
        %lt3A_520 = arith.cmpi slt, %select_n3A_513, %lt3A_519 : i32
        %ne3A_521 = arith.xori %lt3A_518, %lt3A_520 : i1
        %and3A_522 = arith.andi %ne3A_521, %ne3A_516 : i1
        %add3A_523 = arith.addi %rem3A_514, %select_n3A_513 : i32
        %select_n3A_524 = arith.select %and3A_522, %add3A_523, %rem3A_514 : i32
        %jit3A_525 = arith.constant 6 : i32
        %eq3A_526 = arith.constant 0 : i32
        %eq3A_527 = arith.cmpi eq, %jit3A_525, %eq3A_526 : i32
        %jit3A_528 = arith.constant 1 : i32
        %select_n3A_529 = arith.select %eq3A_527, %jit3A_528, %jit3A_525 : i32
        %rem3A_530 = arith.remsi %add3A_484, %select_n3A_529 : i32
        %ne3A_531 = arith.constant 0 : i32
        %ne3A_532 = arith.cmpi ne, %rem3A_530, %ne3A_531 : i32
        %lt3A_533 = arith.constant 0 : i32
        %lt3A_534 = arith.cmpi slt, %rem3A_530, %lt3A_533 : i32
        %lt3A_535 = arith.constant 0 : i32
        %lt3A_536 = arith.cmpi slt, %select_n3A_529, %lt3A_535 : i32
        %ne3A_537 = arith.xori %lt3A_534, %lt3A_536 : i1
        %and3A_538 = arith.andi %ne3A_537, %ne3A_532 : i1
        %add3A_539 = arith.addi %rem3A_530, %select_n3A_529 : i32
        %select_n3A_540 = arith.select %and3A_538, %add3A_539, %rem3A_530 : i32
        %dma_start3A_541 = arith.constant 0 : i32
        %dma_start3A_542 = arith.constant 0 : i32
        %dma_start3A_543 = arith.constant 0 : i32
        %dma_start3A_544 = tpu.memref_slice %arg12[%dma_start3A_541, %dma_start3A_542, %dma_start3A_543] : memref<2x112x128xf32, #tpu.memory_space<vmem>> -> memref<1x112x128xf32, #tpu.memory_space<vmem>>
        %dma_start3A_545 = tpu.memref_squeeze %dma_start3A_544 : memref<1x112x128xf32, #tpu.memory_space<vmem>> -> memref<112x128xf32, #tpu.memory_space<vmem>>
        %dma_start3A_546 = arith.constant 0 : i32
        %dma_start3A_547 = tpu.memref_slice %arg10[%select_n3A_524, %select_n3A_540, %dma_start3A_546] : memref<2x6x112xi32, #tpu.memory_space<vmem>> -> memref<1x1x112xi32, #tpu.memory_space<vmem>>
        %dma_start3A_548 = tpu.memref_squeeze %dma_start3A_547 : memref<1x1x112xi32, #tpu.memory_space<vmem>> -> memref<112xi32, #tpu.memory_space<vmem>>
        %dma_start3A_549 = arith.constant 0 : i32
        %dma_start3A_550 = arith.constant 0 : i32
        %dma_start3A_551 = tpu.memref_slice %arg4[%dma_start3A_549, %dma_start3A_550] : memref<30000x128xf32, #tpu.memory_space<hbm>> -> memref<30000x128xf32, #tpu.memory_space<hbm>>
        tpu.enqueue_indirect_dma source(%dma_start3A_551 : memref<30000x128xf32, #tpu.memory_space<hbm>>) target(%dma_start3A_545 : memref<112x128xf32, #tpu.memory_space<vmem>>) offsets(%dma_start3A_548 : memref<112xi32, #tpu.memory_space<vmem>>) semaphore(%arg16 : memref<!tpu.dma_semaphore, #tpu.memory_space<semaphore_mem>>)
      } else {
      }
      %add3A_387 = arith.constant 1 : i32
      %add3A_388 = arith.addi %mul3A_175, %add3A_387 : i32
      %jit3A_389 = arith.constant 6 : i32
      %div3A_390 = arith.divsi %add3A_388, %jit3A_389 : i32
      %sign3A_391 = arith.constant 0 : i32
      %sign3A_392 = arith.cmpi sgt, %add3A_388, %sign3A_391 : i32
      %sign3A_393 = arith.extui %sign3A_392 : i1 to i32
      %sign3A_394 = arith.constant 0 : i32
      %sign3A_395 = arith.cmpi slt, %add3A_388, %sign3A_394 : i32
      %sign3A_396 = arith.extui %sign3A_395 : i1 to i32
      %sign3A_397 = arith.subi %sign3A_393, %sign3A_396 : i32
      %sign3A_398 = arith.constant 0 : i32
      %sign3A_399 = arith.cmpi sgt, %jit3A_389, %sign3A_398 : i32
      %sign3A_400 = arith.extui %sign3A_399 : i1 to i32
      %sign3A_401 = arith.constant 0 : i32
      %sign3A_402 = arith.cmpi slt, %jit3A_389, %sign3A_401 : i32
      %sign3A_403 = arith.extui %sign3A_402 : i1 to i32
      %sign3A_404 = arith.subi %sign3A_400, %sign3A_403 : i32
      %ne3A_405 = arith.cmpi ne, %sign3A_397, %sign3A_404 : i32
      %rem3A_406 = arith.remsi %add3A_388, %jit3A_389 : i32
      %ne3A_407 = arith.constant 0 : i32
      %ne3A_408 = arith.cmpi ne, %rem3A_406, %ne3A_407 : i32
      %and3A_409 = arith.andi %ne3A_405, %ne3A_408 : i1
      %sub3A_410 = arith.constant 1 : i32
      %sub3A_411 = arith.subi %div3A_390, %sub3A_410 : i32
      %select_n3A_412 = arith.select %and3A_409, %sub3A_411, %div3A_390 : i32
      %jit3A_413 = arith.constant 2 : i32
      %eq3A_414 = arith.constant 0 : i32
      %eq3A_415 = arith.cmpi eq, %jit3A_413, %eq3A_414 : i32
      %jit3A_416 = arith.constant 1 : i32
      %select_n3A_417 = arith.select %eq3A_415, %jit3A_416, %jit3A_413 : i32
      %rem3A_418 = arith.remsi %select_n3A_412, %select_n3A_417 : i32
      %ne3A_419 = arith.constant 0 : i32
      %ne3A_420 = arith.cmpi ne, %rem3A_418, %ne3A_419 : i32
      %lt3A_421 = arith.constant 0 : i32
      %lt3A_422 = arith.cmpi slt, %rem3A_418, %lt3A_421 : i32
      %lt3A_423 = arith.constant 0 : i32
      %lt3A_424 = arith.cmpi slt, %select_n3A_417, %lt3A_423 : i32
      %ne3A_425 = arith.xori %lt3A_422, %lt3A_424 : i1
      %and3A_426 = arith.andi %ne3A_425, %ne3A_420 : i1
      %add3A_427 = arith.addi %rem3A_418, %select_n3A_417 : i32
      %select_n3A_428 = arith.select %and3A_426, %add3A_427, %rem3A_418 : i32
      %jit3A_429 = arith.constant 6 : i32
      %eq3A_430 = arith.constant 0 : i32
      %eq3A_431 = arith.cmpi eq, %jit3A_429, %eq3A_430 : i32
      %jit3A_432 = arith.constant 1 : i32
      %select_n3A_433 = arith.select %eq3A_431, %jit3A_432, %jit3A_429 : i32
      %rem3A_434 = arith.remsi %add3A_388, %select_n3A_433 : i32
      %ne3A_435 = arith.constant 0 : i32
      %ne3A_436 = arith.cmpi ne, %rem3A_434, %ne3A_435 : i32
      %lt3A_437 = arith.constant 0 : i32
      %lt3A_438 = arith.cmpi slt, %rem3A_434, %lt3A_437 : i32
      %lt3A_439 = arith.constant 0 : i32
      %lt3A_440 = arith.cmpi slt, %select_n3A_433, %lt3A_439 : i32
      %ne3A_441 = arith.xori %lt3A_438, %lt3A_440 : i1
      %and3A_442 = arith.andi %ne3A_441, %ne3A_436 : i1
      %add3A_443 = arith.addi %rem3A_434, %select_n3A_433 : i32
      %select_n3A_444 = arith.select %and3A_442, %add3A_443, %rem3A_434 : i32
      %dma_start3A_445 = arith.constant 1 : i32
      %dma_start3A_446 = arith.constant 0 : i32
      %dma_start3A_447 = arith.constant 0 : i32
      %dma_start3A_448 = tpu.memref_slice %arg12[%dma_start3A_445, %dma_start3A_446, %dma_start3A_447] : memref<2x112x128xf32, #tpu.memory_space<vmem>> -> memref<1x112x128xf32, #tpu.memory_space<vmem>>
      %dma_start3A_449 = tpu.memref_squeeze %dma_start3A_448 : memref<1x112x128xf32, #tpu.memory_space<vmem>> -> memref<112x128xf32, #tpu.memory_space<vmem>>
      %dma_start3A_450 = arith.constant 0 : i32
      %dma_start3A_451 = tpu.memref_slice %arg11[%select_n3A_428, %select_n3A_444, %dma_start3A_450] : memref<2x6x112xi32, #tpu.memory_space<vmem>> -> memref<1x1x112xi32, #tpu.memory_space<vmem>>
      %dma_start3A_452 = tpu.memref_squeeze %dma_start3A_451 : memref<1x1x112xi32, #tpu.memory_space<vmem>> -> memref<112xi32, #tpu.memory_space<vmem>>
      %dma_start3A_453 = arith.constant 0 : i32
      %dma_start3A_454 = arith.constant 0 : i32
      %dma_start3A_455 = tpu.memref_slice %arg14[%dma_start3A_453, %dma_start3A_454] : memref<10112x128xf32, #tpu.memory_space<vmem_shared>> -> memref<10112x128xf32, #tpu.memory_space<vmem_shared>>
      tpu.enqueue_indirect_dma source(%dma_start3A_449 : memref<112x128xf32, #tpu.memory_space<vmem>>) target(%dma_start3A_455 : memref<10112x128xf32, #tpu.memory_space<vmem_shared>>) offsets(%dma_start3A_452 : memref<112xi32, #tpu.memory_space<vmem>>) semaphore(%arg18 : memref<!tpu.dma_semaphore, #tpu.memory_space<semaphore_mem>>) {add = true}
      %dma_start3A_456 = arith.constant 0 : i32
      %dma_start3A_457 = tpu.memref_slice %arg11[%select_n3A_428, %select_n3A_444, %dma_start3A_456] : memref<2x6x112xi32, #tpu.memory_space<vmem>> -> memref<1x1x112xi32, #tpu.memory_space<vmem>>
      %dma_start3A_458 = tpu.memref_squeeze %dma_start3A_457 : memref<1x1x112xi32, #tpu.memory_space<vmem>> -> memref<112xi32, #tpu.memory_space<vmem>>
      %dma_start3A_459 = arith.constant 0 : i32
      %dma_start3A_460 = arith.constant 0 : i32
      %dma_start3A_461 = tpu.memref_slice %arg15[%dma_start3A_459, %dma_start3A_460] : memref<10112x16xf32, #tpu.memory_space<vmem_shared>> -> memref<10112x16xf32, #tpu.memory_space<vmem_shared>>
      tpu.enqueue_indirect_dma source(%arg13 : memref<112x16xf32, #tpu.memory_space<vmem>>) target(%dma_start3A_461 : memref<10112x16xf32, #tpu.memory_space<vmem_shared>>) offsets(%dma_start3A_458 : memref<112xi32, #tpu.memory_space<vmem>>) semaphore(%arg18 : memref<!tpu.dma_semaphore, #tpu.memory_space<semaphore_mem>>) {add = true}
      %dma_wait3A_462 = arith.constant 0 : i32
      %dma_wait3A_463 = arith.constant 0 : i32
      %dma_wait3A_464 = arith.constant 0 : i32
      %dma_wait3A_465 = arith.constant 0 : i32
      %dma_wait3A_466 = arith.constant 0 : i32
      %dma_wait3A_467 = tpu.memref_slice %arg12[%dma_wait3A_462, %dma_wait3A_465, %dma_wait3A_466] : memref<2x112x128xf32, #tpu.memory_space<vmem>> -> memref<1x112x128xf32, #tpu.memory_space<vmem>>
      %dma_wait3A_468 = tpu.memref_squeeze %dma_wait3A_467 : memref<1x112x128xf32, #tpu.memory_space<vmem>> -> memref<112x128xf32, #tpu.memory_space<vmem>>
      %dma_wait3A_469 = arith.constant 0 : i32
      %dma_wait3A_470 = tpu.memref_slice %arg11[%dma_wait3A_463, %dma_wait3A_464, %dma_wait3A_469] : memref<2x6x112xi32, #tpu.memory_space<vmem>> -> memref<1x1x112xi32, #tpu.memory_space<vmem>>
      %dma_wait3A_471 = tpu.memref_squeeze %dma_wait3A_470 : memref<1x1x112xi32, #tpu.memory_space<vmem>> -> memref<112xi32, #tpu.memory_space<vmem>>
      %dma_wait3A_472 = arith.constant 0 : i32
      %dma_wait3A_473 = arith.constant 0 : i32
      %dma_wait3A_474 = tpu.memref_slice %arg14[%dma_wait3A_472, %dma_wait3A_473] : memref<10112x128xf32, #tpu.memory_space<vmem_shared>> -> memref<10112x128xf32, #tpu.memory_space<vmem_shared>>
      tpu.wait_indirect_dma semaphore(%arg18 : memref<!tpu.dma_semaphore, #tpu.memory_space<semaphore_mem>>) src(%dma_wait3A_468 : memref<112x128xf32, #tpu.memory_space<vmem>>) dst(%dma_wait3A_474 : memref<10112x128xf32, #tpu.memory_space<vmem_shared>>)
      %dma_wait3A_475 = arith.constant 0 : i32
      %dma_wait3A_476 = arith.constant 0 : i32
      %dma_wait3A_477 = arith.constant 0 : i32
      %dma_wait3A_478 = tpu.memref_slice %arg11[%dma_wait3A_475, %dma_wait3A_476, %dma_wait3A_477] : memref<2x6x112xi32, #tpu.memory_space<vmem>> -> memref<1x1x112xi32, #tpu.memory_space<vmem>>
      %dma_wait3A_479 = tpu.memref_squeeze %dma_wait3A_478 : memref<1x1x112xi32, #tpu.memory_space<vmem>> -> memref<112xi32, #tpu.memory_space<vmem>>
      %dma_wait3A_480 = arith.constant 0 : i32
      %dma_wait3A_481 = arith.constant 0 : i32
      %dma_wait3A_482 = tpu.memref_slice %arg15[%dma_wait3A_480, %dma_wait3A_481] : memref<10112x16xf32, #tpu.memory_space<vmem_shared>> -> memref<10112x16xf32, #tpu.memory_space<vmem_shared>>
      tpu.wait_indirect_dma semaphore(%arg18 : memref<!tpu.dma_semaphore, #tpu.memory_space<semaphore_mem>>) src(%arg13 : memref<112x16xf32, #tpu.memory_space<vmem>>) dst(%dma_wait3A_482 : memref<10112x16xf32, #tpu.memory_space<vmem_shared>>)
    }
    %while3A_132 = arith.constant 1 : i32
    scf.for %while3A_134 = %while3A_130 to %while3A_126 step %while3A_132  : i32 {
      %jit3A_135 = arith.constant 3 : i32
      %div3A_136 = arith.divsi %while3A_134, %jit3A_135 : i32
      %sign3A_137 = arith.constant 0 : i32
      %sign3A_138 = arith.cmpi sgt, %while3A_134, %sign3A_137 : i32
      %sign3A_139 = arith.extui %sign3A_138 : i1 to i32
      %sign3A_140 = arith.constant 0 : i32
      %sign3A_141 = arith.cmpi slt, %while3A_134, %sign3A_140 : i32
      %sign3A_142 = arith.extui %sign3A_141 : i1 to i32
      %sign3A_143 = arith.subi %sign3A_139, %sign3A_142 : i32
      %sign3A_144 = arith.constant 0 : i32
      %sign3A_145 = arith.cmpi sgt, %jit3A_135, %sign3A_144 : i32
      %sign3A_146 = arith.extui %sign3A_145 : i1 to i32
      %sign3A_147 = arith.constant 0 : i32
      %sign3A_148 = arith.cmpi slt, %jit3A_135, %sign3A_147 : i32
      %sign3A_149 = arith.extui %sign3A_148 : i1 to i32
      %sign3A_150 = arith.subi %sign3A_146, %sign3A_149 : i32
      %ne3A_151 = arith.cmpi ne, %sign3A_143, %sign3A_150 : i32
      %rem3A_152 = arith.remsi %while3A_134, %jit3A_135 : i32
      %ne3A_153 = arith.constant 0 : i32
      %ne3A_154 = arith.cmpi ne, %rem3A_152, %ne3A_153 : i32
      %and3A_155 = arith.andi %ne3A_151, %ne3A_154 : i1
      %sub3A_156 = arith.constant 1 : i32
      %sub3A_157 = arith.subi %div3A_136, %sub3A_156 : i32
      %select_n3A_158 = arith.select %and3A_155, %sub3A_157, %div3A_136 : i32
      %jit3A_159 = arith.constant 3 : i32
      %eq3A_160 = arith.constant 0 : i32
      %eq3A_161 = arith.cmpi eq, %jit3A_159, %eq3A_160 : i32
      %jit3A_162 = arith.constant 1 : i32
      %select_n3A_163 = arith.select %eq3A_161, %jit3A_162, %jit3A_159 : i32
      %rem3A_164 = arith.remsi %while3A_134, %select_n3A_163 : i32
      %ne3A_165 = arith.constant 0 : i32
      %ne3A_166 = arith.cmpi ne, %rem3A_164, %ne3A_165 : i32
      %lt3A = arith.constant 0 : i32
      %lt3A_167 = arith.cmpi slt, %rem3A_164, %lt3A : i32
      %lt3A_168 = arith.constant 0 : i32
      %lt3A_169 = arith.cmpi slt, %select_n3A_163, %lt3A_168 : i32
      %ne3A_170 = arith.xori %lt3A_167, %lt3A_169 : i1
      %and3A_171 = arith.andi %ne3A_170, %ne3A_166 : i1
      %add3A_172 = arith.addi %rem3A_164, %select_n3A_163 : i32
      %select_n3A_173 = arith.select %and3A_171, %add3A_172, %rem3A_164 : i32
      %mul3A_174 = arith.constant 2 : i32
      %mul3A_175 = arith.muli %mul3A_174, %while3A_134 : i32
      %eq3A_176 = arith.constant 0 : i32
      %eq3A_177 = arith.cmpi eq, %select_n3A_173, %eq3A_176 : i32
      %add3A_178 = arith.constant 1 : i32
      %add3A_179 = arith.addi %select_n3A_158, %add3A_178 : i32
      %lt3A_180 = arith.cmpi slt, %add3A_179, %select_n3A_19 : i32
      %and3A_181 = arith.andi %eq3A_177, %lt3A_180 : i1
      %convert_element_type3A = arith.extui %and3A_181 : i1 to i32
      %cond3A = arith.constant 0 : i32
      %cond3A_182 = arith.cmpi ne, %convert_element_type3A, %cond3A : i32
      scf.if %cond3A_182 {
        %add3A_483 = arith.constant 1 : i32
        %add3A_484 = arith.addi %select_n3A_158, %add3A_483 : i32
        %add3A_485 = arith.constant 1 : i32
        %add3A_486 = arith.addi %select_n3A_158, %add3A_485 : i32
        %jit3A_487 = arith.constant 2 : i32
        %eq3A_488 = arith.constant 0 : i32
        %eq3A_489 = arith.cmpi eq, %jit3A_487, %eq3A_488 : i32
        %jit3A_490 = arith.constant 1 : i32
        %select_n3A_491 = arith.select %eq3A_489, %jit3A_490, %jit3A_487 : i32
        %rem3A_492 = arith.remsi %add3A_486, %select_n3A_491 : i32
        %ne3A_493 = arith.constant 0 : i32
        %ne3A_494 = arith.cmpi ne, %rem3A_492, %ne3A_493 : i32
        %lt3A_495 = arith.constant 0 : i32
        %lt3A_496 = arith.cmpi slt, %rem3A_492, %lt3A_495 : i32
        %lt3A_497 = arith.constant 0 : i32
        %lt3A_498 = arith.cmpi slt, %select_n3A_491, %lt3A_497 : i32
        %ne3A_499 = arith.xori %lt3A_496, %lt3A_498 : i1
        %and3A_500 = arith.andi %ne3A_499, %ne3A_494 : i1
        %add3A_501 = arith.addi %rem3A_492, %select_n3A_491 : i32
        %select_n3A_502 = arith.select %and3A_500, %add3A_501, %rem3A_492 : i32
        %mul3A_503 = arith.constant 6 : i32
        %mul3A_504 = arith.muli %add3A_484, %mul3A_503 : i32
        %add3A_505 = arith.addi %select_n3A_26, %mul3A_504 : i32
        %dma_start3A_506 = arith.constant 0 : i32
        %dma_start3A_507 = arith.constant 0 : i32
        %dma_start3A_508 = tpu.memref_slice %arg10[%select_n3A_502, %dma_start3A_506, %dma_start3A_507] : memref<2x6x112xi32, #tpu.memory_space<vmem>> -> memref<1x6x112xi32, #tpu.memory_space<vmem>>
        %dma_start3A_509 = tpu.memref_squeeze %dma_start3A_508 : memref<1x6x112xi32, #tpu.memory_space<vmem>> -> memref<6x112xi32, #tpu.memory_space<vmem>>
        %dma_start3A_510 = arith.constant 0 : i32
        %dma_start3A_511 = tpu.memref_slice %arg2[%add3A_505, %dma_start3A_510] : memref<2880x112xi32, #tpu.memory_space<hbm>> -> memref<6x112xi32, #tpu.memory_space<hbm>>
        %dma_start3A_512 = arith.constant 0 : i32
        %dma_start3A_513 = arith.constant 0 : i32
        %dma_start3A_514 = tpu.memref_slice %arg10[%select_n3A_502, %dma_start3A_512, %dma_start3A_513] : memref<2x6x112xi32, #tpu.memory_space<vmem>> -> memref<1x6x112xi32, #tpu.memory_space<vmem>>
        %dma_start3A_515 = tpu.memref_squeeze %dma_start3A_514 : memref<1x6x112xi32, #tpu.memory_space<vmem>> -> memref<6x112xi32, #tpu.memory_space<vmem>>
        %dma_start3A_516 = arith.constant 0 : i32
        %dma_start3A_517 = tpu.memref_slice %arg2[%add3A_505, %dma_start3A_516] : memref<2880x112xi32, #tpu.memory_space<hbm>> -> memref<6x112xi32, #tpu.memory_space<hbm>>
        tpu.enqueue_dma source(%dma_start3A_517 : memref<6x112xi32, #tpu.memory_space<hbm>>) target(%dma_start3A_515 : memref<6x112xi32, #tpu.memory_space<vmem>>) target_semaphore(%arg17 : memref<!tpu.dma_semaphore, #tpu.memory_space<semaphore_mem>>)
        %mul3A_518 = arith.constant 6 : i32
        %mul3A_519 = arith.muli %add3A_484, %mul3A_518 : i32
        %add3A_520 = arith.addi %select_n3A_26, %mul3A_519 : i32
        %dma_start3A_521 = arith.constant 0 : i32
        %dma_start3A_522 = arith.constant 0 : i32
        %dma_start3A_523 = tpu.memref_slice %arg11[%select_n3A_502, %dma_start3A_521, %dma_start3A_522] : memref<2x6x112xi32, #tpu.memory_space<vmem>> -> memref<1x6x112xi32, #tpu.memory_space<vmem>>
        %dma_start3A_524 = tpu.memref_squeeze %dma_start3A_523 : memref<1x6x112xi32, #tpu.memory_space<vmem>> -> memref<6x112xi32, #tpu.memory_space<vmem>>
        %dma_start3A_525 = arith.constant 0 : i32
        %dma_start3A_526 = tpu.memref_slice %arg3[%add3A_520, %dma_start3A_525] : memref<2880x112xi32, #tpu.memory_space<hbm>> -> memref<6x112xi32, #tpu.memory_space<hbm>>
        %dma_start3A_527 = arith.constant 0 : i32
        %dma_start3A_528 = arith.constant 0 : i32
        %dma_start3A_529 = tpu.memref_slice %arg11[%select_n3A_502, %dma_start3A_527, %dma_start3A_528] : memref<2x6x112xi32, #tpu.memory_space<vmem>> -> memref<1x6x112xi32, #tpu.memory_space<vmem>>
        %dma_start3A_530 = tpu.memref_squeeze %dma_start3A_529 : memref<1x6x112xi32, #tpu.memory_space<vmem>> -> memref<6x112xi32, #tpu.memory_space<vmem>>
        %dma_start3A_531 = arith.constant 0 : i32
        %dma_start3A_532 = tpu.memref_slice %arg3[%add3A_520, %dma_start3A_531] : memref<2880x112xi32, #tpu.memory_space<hbm>> -> memref<6x112xi32, #tpu.memory_space<hbm>>
        tpu.enqueue_dma source(%dma_start3A_532 : memref<6x112xi32, #tpu.memory_space<hbm>>) target(%dma_start3A_530 : memref<6x112xi32, #tpu.memory_space<vmem>>) target_semaphore(%arg17 : memref<!tpu.dma_semaphore, #tpu.memory_space<semaphore_mem>>)
      } else {
      }
      %dma_wait3A_183 = arith.constant 0 : i32
      %dma_wait3A_184 = arith.constant 0 : i32
      %dma_wait3A_185 = arith.constant 0 : i32
      %dma_wait3A_186 = arith.constant 0 : i32
      %dma_wait3A_187 = arith.constant 0 : i32
      %dma_wait3A_188 = tpu.memref_slice %arg12[%dma_wait3A_185, %dma_wait3A_186, %dma_wait3A_187] : memref<2x112x128xf32, #tpu.memory_space<vmem>> -> memref<1x112x128xf32, #tpu.memory_space<vmem>>
      %dma_wait3A_189 = tpu.memref_squeeze %dma_wait3A_188 : memref<1x112x128xf32, #tpu.memory_space<vmem>> -> memref<112x128xf32, #tpu.memory_space<vmem>>
      %dma_wait3A_190 = arith.constant 0 : i32
      %dma_wait3A_191 = tpu.memref_slice %arg10[%dma_wait3A_183, %dma_wait3A_184, %dma_wait3A_190] : memref<2x6x112xi32, #tpu.memory_space<vmem>> -> memref<1x1x112xi32, #tpu.memory_space<vmem>>
      %dma_wait3A_192 = tpu.memref_squeeze %dma_wait3A_191 : memref<1x1x112xi32, #tpu.memory_space<vmem>> -> memref<112xi32, #tpu.memory_space<vmem>>
      %dma_wait3A_193 = arith.constant 0 : i32
      %dma_wait3A_194 = arith.constant 0 : i32
      %dma_wait3A_195 = tpu.memref_slice %arg4[%dma_wait3A_193, %dma_wait3A_194] : memref<30000x128xf32, #tpu.memory_space<hbm>> -> memref<30000x128xf32, #tpu.memory_space<hbm>>
      tpu.wait_indirect_dma semaphore(%arg16 : memref<!tpu.dma_semaphore, #tpu.memory_space<semaphore_mem>>) src(%dma_wait3A_195 : memref<30000x128xf32, #tpu.memory_space<hbm>>) dst(%dma_wait3A_189 : memref<112x128xf32, #tpu.memory_space<vmem>>)
      %add3A_196 = arith.constant 1 : i32
      %add3A_197 = arith.addi %mul3A_175, %add3A_196 : i32
      %jit3A_198 = arith.constant 6 : i32
      %div3A_199 = arith.divsi %add3A_197, %jit3A_198 : i32
      %sign3A_200 = arith.constant 0 : i32
      %sign3A_201 = arith.cmpi sgt, %add3A_197, %sign3A_200 : i32
      %sign3A_202 = arith.extui %sign3A_201 : i1 to i32
      %sign3A_203 = arith.constant 0 : i32
      %sign3A_204 = arith.cmpi slt, %add3A_197, %sign3A_203 : i32
      %sign3A_205 = arith.extui %sign3A_204 : i1 to i32
      %sign3A_206 = arith.subi %sign3A_202, %sign3A_205 : i32
      %sign3A_207 = arith.constant 0 : i32
      %sign3A_208 = arith.cmpi sgt, %jit3A_198, %sign3A_207 : i32
      %sign3A_209 = arith.extui %sign3A_208 : i1 to i32
      %sign3A_210 = arith.constant 0 : i32
      %sign3A_211 = arith.cmpi slt, %jit3A_198, %sign3A_210 : i32
      %sign3A_212 = arith.extui %sign3A_211 : i1 to i32
      %sign3A_213 = arith.subi %sign3A_209, %sign3A_212 : i32
      %ne3A_214 = arith.cmpi ne, %sign3A_206, %sign3A_213 : i32
      %rem3A_215 = arith.remsi %add3A_197, %jit3A_198 : i32
      %ne3A_216 = arith.constant 0 : i32
      %ne3A_217 = arith.cmpi ne, %rem3A_215, %ne3A_216 : i32
      %and3A_218 = arith.andi %ne3A_214, %ne3A_217 : i1
      %sub3A_219 = arith.constant 1 : i32
      %sub3A_220 = arith.subi %div3A_199, %sub3A_219 : i32
      %select_n3A_221 = arith.select %and3A_218, %sub3A_220, %div3A_199 : i32
      %jit3A_222 = arith.constant 2 : i32
      %eq3A_223 = arith.constant 0 : i32
      %eq3A_224 = arith.cmpi eq, %jit3A_222, %eq3A_223 : i32
      %jit3A_225 = arith.constant 1 : i32
      %select_n3A_226 = arith.select %eq3A_224, %jit3A_225, %jit3A_222 : i32
      %rem3A_227 = arith.remsi %select_n3A_221, %select_n3A_226 : i32
      %ne3A_228 = arith.constant 0 : i32
      %ne3A_229 = arith.cmpi ne, %rem3A_227, %ne3A_228 : i32
      %lt3A_230 = arith.constant 0 : i32
      %lt3A_231 = arith.cmpi slt, %rem3A_227, %lt3A_230 : i32
      %lt3A_232 = arith.constant 0 : i32
      %lt3A_233 = arith.cmpi slt, %select_n3A_226, %lt3A_232 : i32
      %ne3A_234 = arith.xori %lt3A_231, %lt3A_233 : i1
      %and3A_235 = arith.andi %ne3A_234, %ne3A_229 : i1
      %add3A_236 = arith.addi %rem3A_227, %select_n3A_226 : i32
      %select_n3A_237 = arith.select %and3A_235, %add3A_236, %rem3A_227 : i32
      %jit3A_238 = arith.constant 6 : i32
      %eq3A_239 = arith.constant 0 : i32
      %eq3A_240 = arith.cmpi eq, %jit3A_238, %eq3A_239 : i32
      %jit3A_241 = arith.constant 1 : i32
      %select_n3A_242 = arith.select %eq3A_240, %jit3A_241, %jit3A_238 : i32
      %rem3A_243 = arith.remsi %add3A_197, %select_n3A_242 : i32
      %ne3A_244 = arith.constant 0 : i32
      %ne3A_245 = arith.cmpi ne, %rem3A_243, %ne3A_244 : i32
      %lt3A_246 = arith.constant 0 : i32
      %lt3A_247 = arith.cmpi slt, %rem3A_243, %lt3A_246 : i32
      %lt3A_248 = arith.constant 0 : i32
      %lt3A_249 = arith.cmpi slt, %select_n3A_242, %lt3A_248 : i32
      %ne3A_250 = arith.xori %lt3A_247, %lt3A_249 : i1
      %and3A_251 = arith.andi %ne3A_250, %ne3A_245 : i1
      %add3A_252 = arith.addi %rem3A_243, %select_n3A_242 : i32
      %select_n3A_253 = arith.select %and3A_251, %add3A_252, %rem3A_243 : i32
      %dma_start3A_254 = arith.constant 1 : i32
      %dma_start3A_255 = arith.constant 0 : i32
      %dma_start3A_256 = arith.constant 0 : i32
      %dma_start3A_257 = tpu.memref_slice %arg12[%dma_start3A_254, %dma_start3A_255, %dma_start3A_256] : memref<2x112x128xf32, #tpu.memory_space<vmem>> -> memref<1x112x128xf32, #tpu.memory_space<vmem>>
      %dma_start3A_258 = tpu.memref_squeeze %dma_start3A_257 : memref<1x112x128xf32, #tpu.memory_space<vmem>> -> memref<112x128xf32, #tpu.memory_space<vmem>>
      %dma_start3A_259 = arith.constant 0 : i32
      %dma_start3A_260 = tpu.memref_slice %arg10[%select_n3A_237, %select_n3A_253, %dma_start3A_259] : memref<2x6x112xi32, #tpu.memory_space<vmem>> -> memref<1x1x112xi32, #tpu.memory_space<vmem>>
      %dma_start3A_261 = tpu.memref_squeeze %dma_start3A_260 : memref<1x1x112xi32, #tpu.memory_space<vmem>> -> memref<112xi32, #tpu.memory_space<vmem>>
      %dma_start3A_262 = arith.constant 0 : i32
      %dma_start3A_263 = arith.constant 0 : i32
      %dma_start3A_264 = tpu.memref_slice %arg4[%dma_start3A_262, %dma_start3A_263] : memref<30000x128xf32, #tpu.memory_space<hbm>> -> memref<30000x128xf32, #tpu.memory_space<hbm>>
      tpu.enqueue_indirect_dma source(%dma_start3A_264 : memref<30000x128xf32, #tpu.memory_space<hbm>>) target(%dma_start3A_258 : memref<112x128xf32, #tpu.memory_space<vmem>>) offsets(%dma_start3A_261 : memref<112xi32, #tpu.memory_space<vmem>>) semaphore(%arg16 : memref<!tpu.dma_semaphore, #tpu.memory_space<semaphore_mem>>)
      %jit3A_265 = arith.constant 6 : i32
      %div3A_266 = arith.divsi %mul3A_175, %jit3A_265 : i32
      %sign3A_267 = arith.constant 0 : i32
      %sign3A_268 = arith.cmpi sgt, %mul3A_175, %sign3A_267 : i32
      %sign3A_269 = arith.extui %sign3A_268 : i1 to i32
      %sign3A_270 = arith.constant 0 : i32
      %sign3A_271 = arith.cmpi slt, %mul3A_175, %sign3A_270 : i32
      %sign3A_272 = arith.extui %sign3A_271 : i1 to i32
      %sign3A_273 = arith.subi %sign3A_269, %sign3A_272 : i32
      %sign3A_274 = arith.constant 0 : i32
      %sign3A_275 = arith.cmpi sgt, %jit3A_265, %sign3A_274 : i32
      %sign3A_276 = arith.extui %sign3A_275 : i1 to i32
      %sign3A_277 = arith.constant 0 : i32
      %sign3A_278 = arith.cmpi slt, %jit3A_265, %sign3A_277 : i32
      %sign3A_279 = arith.extui %sign3A_278 : i1 to i32
      %sign3A_280 = arith.subi %sign3A_276, %sign3A_279 : i32
      %ne3A_281 = arith.cmpi ne, %sign3A_273, %sign3A_280 : i32
      %rem3A_282 = arith.remsi %mul3A_175, %jit3A_265 : i32
      %ne3A_283 = arith.constant 0 : i32
      %ne3A_284 = arith.cmpi ne, %rem3A_282, %ne3A_283 : i32
      %and3A_285 = arith.andi %ne3A_281, %ne3A_284 : i1
      %sub3A_286 = arith.constant 1 : i32
      %sub3A_287 = arith.subi %div3A_266, %sub3A_286 : i32
      %select_n3A_288 = arith.select %and3A_285, %sub3A_287, %div3A_266 : i32
      %jit3A_289 = arith.constant 2 : i32
      %eq3A_290 = arith.constant 0 : i32
      %eq3A_291 = arith.cmpi eq, %jit3A_289, %eq3A_290 : i32
      %jit3A_292 = arith.constant 1 : i32
      %select_n3A_293 = arith.select %eq3A_291, %jit3A_292, %jit3A_289 : i32
      %rem3A_294 = arith.remsi %select_n3A_288, %select_n3A_293 : i32
      %ne3A_295 = arith.constant 0 : i32
      %ne3A_296 = arith.cmpi ne, %rem3A_294, %ne3A_295 : i32
      %lt3A_297 = arith.constant 0 : i32
      %lt3A_298 = arith.cmpi slt, %rem3A_294, %lt3A_297 : i32
      %lt3A_299 = arith.constant 0 : i32
      %lt3A_300 = arith.cmpi slt, %select_n3A_293, %lt3A_299 : i32
      %ne3A_301 = arith.xori %lt3A_298, %lt3A_300 : i1
      %and3A_302 = arith.andi %ne3A_301, %ne3A_296 : i1
      %add3A_303 = arith.addi %rem3A_294, %select_n3A_293 : i32
      %select_n3A_304 = arith.select %and3A_302, %add3A_303, %rem3A_294 : i32
      %jit3A_305 = arith.constant 6 : i32
      %eq3A_306 = arith.constant 0 : i32
      %eq3A_307 = arith.cmpi eq, %jit3A_305, %eq3A_306 : i32
      %jit3A_308 = arith.constant 1 : i32
      %select_n3A_309 = arith.select %eq3A_307, %jit3A_308, %jit3A_305 : i32
      %rem3A_310 = arith.remsi %mul3A_175, %select_n3A_309 : i32
      %ne3A_311 = arith.constant 0 : i32
      %ne3A_312 = arith.cmpi ne, %rem3A_310, %ne3A_311 : i32
      %lt3A_313 = arith.constant 0 : i32
      %lt3A_314 = arith.cmpi slt, %rem3A_310, %lt3A_313 : i32
      %lt3A_315 = arith.constant 0 : i32
      %lt3A_316 = arith.cmpi slt, %select_n3A_309, %lt3A_315 : i32
      %ne3A_317 = arith.xori %lt3A_314, %lt3A_316 : i1
      %and3A_318 = arith.andi %ne3A_317, %ne3A_312 : i1
      %add3A_319 = arith.addi %rem3A_310, %select_n3A_309 : i32
      %select_n3A_320 = arith.select %and3A_318, %add3A_319, %rem3A_310 : i32
      %dma_start3A_321 = arith.constant 0 : i32
      %dma_start3A_322 = arith.constant 0 : i32
      %dma_start3A_323 = arith.constant 0 : i32
      %dma_start3A_324 = tpu.memref_slice %arg12[%dma_start3A_321, %dma_start3A_322, %dma_start3A_323] : memref<2x112x128xf32, #tpu.memory_space<vmem>> -> memref<1x112x128xf32, #tpu.memory_space<vmem>>
      %dma_start3A_325 = tpu.memref_squeeze %dma_start3A_324 : memref<1x112x128xf32, #tpu.memory_space<vmem>> -> memref<112x128xf32, #tpu.memory_space<vmem>>
      %dma_start3A_326 = arith.constant 0 : i32
      %dma_start3A_327 = tpu.memref_slice %arg11[%select_n3A_304, %select_n3A_320, %dma_start3A_326] : memref<2x6x112xi32, #tpu.memory_space<vmem>> -> memref<1x1x112xi32, #tpu.memory_space<vmem>>
      %dma_start3A_328 = tpu.memref_squeeze %dma_start3A_327 : memref<1x1x112xi32, #tpu.memory_space<vmem>> -> memref<112xi32, #tpu.memory_space<vmem>>
      %dma_start3A_329 = arith.constant 0 : i32
      %dma_start3A_330 = arith.constant 0 : i32
      %dma_start3A_331 = tpu.memref_slice %arg14[%dma_start3A_329, %dma_start3A_330] : memref<10112x128xf32, #tpu.memory_space<vmem_shared>> -> memref<10112x128xf32, #tpu.memory_space<vmem_shared>>
      tpu.enqueue_indirect_dma source(%dma_start3A_325 : memref<112x128xf32, #tpu.memory_space<vmem>>) target(%dma_start3A_331 : memref<10112x128xf32, #tpu.memory_space<vmem_shared>>) offsets(%dma_start3A_328 : memref<112xi32, #tpu.memory_space<vmem>>) semaphore(%arg18 : memref<!tpu.dma_semaphore, #tpu.memory_space<semaphore_mem>>) {add = true}
      %dma_start3A_332 = arith.constant 0 : i32
      %dma_start3A_333 = tpu.memref_slice %arg11[%select_n3A_304, %select_n3A_320, %dma_start3A_332] : memref<2x6x112xi32, #tpu.memory_space<vmem>> -> memref<1x1x112xi32, #tpu.memory_space<vmem>>
      %dma_start3A_334 = tpu.memref_squeeze %dma_start3A_333 : memref<1x1x112xi32, #tpu.memory_space<vmem>> -> memref<112xi32, #tpu.memory_space<vmem>>
      %dma_start3A_335 = arith.constant 0 : i32
      %dma_start3A_336 = arith.constant 0 : i32
      %dma_start3A_337 = tpu.memref_slice %arg15[%dma_start3A_335, %dma_start3A_336] : memref<10112x16xf32, #tpu.memory_space<vmem_shared>> -> memref<10112x16xf32, #tpu.memory_space<vmem_shared>>
      tpu.enqueue_indirect_dma source(%arg13 : memref<112x16xf32, #tpu.memory_space<vmem>>) target(%dma_start3A_337 : memref<10112x16xf32, #tpu.memory_space<vmem_shared>>) offsets(%dma_start3A_334 : memref<112xi32, #tpu.memory_space<vmem>>) semaphore(%arg18 : memref<!tpu.dma_semaphore, #tpu.memory_space<semaphore_mem>>) {add = true}
      %eq3A_338 = arith.constant 2 : i32
      %eq3A_339 = arith.cmpi eq, %select_n3A_173, %eq3A_338 : i32
      %add3A_340 = arith.constant 1 : i32
      %add3A_341 = arith.addi %select_n3A_158, %add3A_340 : i32
      %lt3A_342 = arith.cmpi slt, %add3A_341, %select_n3A_19 : i32
      %and3A_343 = arith.andi %eq3A_339, %lt3A_342 : i1
      %convert_element_type3A_344 = arith.extui %and3A_343 : i1 to i32
      %cond3A_345 = arith.constant 0 : i32
      %cond3A_346 = arith.cmpi ne, %convert_element_type3A_344, %cond3A_345 : i32
      scf.if %cond3A_346 {
        %dma_wait3A_483 = arith.constant 0 : i32
        %dma_wait3A_484 = arith.constant 0 : i32
        %dma_wait3A_485 = arith.constant 0 : i32
        %dma_wait3A_486 = tpu.memref_slice %arg10[%dma_wait3A_483, %dma_wait3A_484, %dma_wait3A_485] : memref<2x6x112xi32, #tpu.memory_space<vmem>> -> memref<1x6x112xi32, #tpu.memory_space<vmem>>
        %dma_wait3A_487 = tpu.memref_squeeze %dma_wait3A_486 : memref<1x6x112xi32, #tpu.memory_space<vmem>> -> memref<6x112xi32, #tpu.memory_space<vmem>>
        %dma_wait3A_488 = arith.constant 0 : i32
        %dma_wait3A_489 = arith.constant 0 : i32
        %dma_wait3A_490 = tpu.memref_slice %arg2[%dma_wait3A_488, %dma_wait3A_489] : memref<2880x112xi32, #tpu.memory_space<hbm>> -> memref<6x112xi32, #tpu.memory_space<hbm>>
        %dma_wait3A_491 = arith.constant 0 : i32
        %dma_wait3A_492 = arith.constant 0 : i32
        %dma_wait3A_493 = tpu.memref_slice %arg10[%dma_wait3A_483, %dma_wait3A_491, %dma_wait3A_492] : memref<2x6x112xi32, #tpu.memory_space<vmem>> -> memref<1x6x112xi32, #tpu.memory_space<vmem>>
        %dma_wait3A_494 = tpu.memref_squeeze %dma_wait3A_493 : memref<1x6x112xi32, #tpu.memory_space<vmem>> -> memref<6x112xi32, #tpu.memory_space<vmem>>
        %dma_wait3A_495 = arith.constant 0 : i32
        %dma_wait3A_496 = arith.constant 0 : i32
        %dma_wait3A_497 = tpu.memref_slice %arg2[%dma_wait3A_495, %dma_wait3A_496] : memref<2880x112xi32, #tpu.memory_space<hbm>> -> memref<6x112xi32, #tpu.memory_space<hbm>>
        tpu.wait_dma2 semaphore(%arg17 : memref<!tpu.dma_semaphore, #tpu.memory_space<semaphore_mem>>) src(%dma_wait3A_497 : memref<6x112xi32, #tpu.memory_space<hbm>>) dst(%dma_wait3A_494 : memref<6x112xi32, #tpu.memory_space<vmem>>)
        %dma_wait3A_498 = arith.constant 0 : i32
        %dma_wait3A_499 = arith.constant 0 : i32
        %dma_wait3A_500 = arith.constant 0 : i32
        %dma_wait3A_501 = tpu.memref_slice %arg11[%dma_wait3A_498, %dma_wait3A_499, %dma_wait3A_500] : memref<2x6x112xi32, #tpu.memory_space<vmem>> -> memref<1x6x112xi32, #tpu.memory_space<vmem>>
        %dma_wait3A_502 = tpu.memref_squeeze %dma_wait3A_501 : memref<1x6x112xi32, #tpu.memory_space<vmem>> -> memref<6x112xi32, #tpu.memory_space<vmem>>
        %dma_wait3A_503 = arith.constant 0 : i32
        %dma_wait3A_504 = arith.constant 0 : i32
        %dma_wait3A_505 = tpu.memref_slice %arg3[%dma_wait3A_503, %dma_wait3A_504] : memref<2880x112xi32, #tpu.memory_space<hbm>> -> memref<6x112xi32, #tpu.memory_space<hbm>>
        %dma_wait3A_506 = arith.constant 0 : i32
        %dma_wait3A_507 = arith.constant 0 : i32
        %dma_wait3A_508 = tpu.memref_slice %arg11[%dma_wait3A_498, %dma_wait3A_506, %dma_wait3A_507] : memref<2x6x112xi32, #tpu.memory_space<vmem>> -> memref<1x6x112xi32, #tpu.memory_space<vmem>>
        %dma_wait3A_509 = tpu.memref_squeeze %dma_wait3A_508 : memref<1x6x112xi32, #tpu.memory_space<vmem>> -> memref<6x112xi32, #tpu.memory_space<vmem>>
        %dma_wait3A_510 = arith.constant 0 : i32
        %dma_wait3A_511 = arith.constant 0 : i32
        %dma_wait3A_512 = tpu.memref_slice %arg3[%dma_wait3A_510, %dma_wait3A_511] : memref<2880x112xi32, #tpu.memory_space<hbm>> -> memref<6x112xi32, #tpu.memory_space<hbm>>
        tpu.wait_dma2 semaphore(%arg17 : memref<!tpu.dma_semaphore, #tpu.memory_space<semaphore_mem>>) src(%dma_wait3A_512 : memref<6x112xi32, #tpu.memory_space<hbm>>) dst(%dma_wait3A_509 : memref<6x112xi32, #tpu.memory_space<vmem>>)
      } else {
      }
      %dma_wait3A_347 = arith.constant 0 : i32
      %dma_wait3A_348 = arith.constant 0 : i32
      %dma_wait3A_349 = arith.constant 1 : i32
      %dma_wait3A_350 = arith.constant 0 : i32
      %dma_wait3A_351 = arith.constant 0 : i32
      %dma_wait3A_352 = tpu.memref_slice %arg12[%dma_wait3A_349, %dma_wait3A_350, %dma_wait3A_351] : memref<2x112x128xf32, #tpu.memory_space<vmem>> -> memref<1x112x128xf32, #tpu.memory_space<vmem>>
      %dma_wait3A_353 = tpu.memref_squeeze %dma_wait3A_352 : memref<1x112x128xf32, #tpu.memory_space<vmem>> -> memref<112x128xf32, #tpu.memory_space<vmem>>
      %dma_wait3A_354 = arith.constant 0 : i32
      %dma_wait3A_355 = tpu.memref_slice %arg10[%dma_wait3A_347, %dma_wait3A_348, %dma_wait3A_354] : memref<2x6x112xi32, #tpu.memory_space<vmem>> -> memref<1x1x112xi32, #tpu.memory_space<vmem>>
      %dma_wait3A_356 = tpu.memref_squeeze %dma_wait3A_355 : memref<1x1x112xi32, #tpu.memory_space<vmem>> -> memref<112xi32, #tpu.memory_space<vmem>>
      %dma_wait3A_357 = arith.constant 0 : i32
      %dma_wait3A_358 = arith.constant 0 : i32
      %dma_wait3A_359 = tpu.memref_slice %arg4[%dma_wait3A_357, %dma_wait3A_358] : memref<30000x128xf32, #tpu.memory_space<hbm>> -> memref<30000x128xf32, #tpu.memory_space<hbm>>
      tpu.wait_indirect_dma semaphore(%arg16 : memref<!tpu.dma_semaphore, #tpu.memory_space<semaphore_mem>>) src(%dma_wait3A_359 : memref<30000x128xf32, #tpu.memory_space<hbm>>) dst(%dma_wait3A_353 : memref<112x128xf32, #tpu.memory_space<vmem>>)
      %dma_wait3A_360 = arith.constant 0 : i32
      %dma_wait3A_361 = arith.constant 0 : i32
      %dma_wait3A_362 = arith.constant 0 : i32
      %dma_wait3A_363 = arith.constant 0 : i32
      %dma_wait3A_364 = arith.constant 0 : i32
      %dma_wait3A_365 = tpu.memref_slice %arg12[%dma_wait3A_360, %dma_wait3A_363, %dma_wait3A_364] : memref<2x112x128xf32, #tpu.memory_space<vmem>> -> memref<1x112x128xf32, #tpu.memory_space<vmem>>
      %dma_wait3A_366 = tpu.memref_squeeze %dma_wait3A_365 : memref<1x112x128xf32, #tpu.memory_space<vmem>> -> memref<112x128xf32, #tpu.memory_space<vmem>>
      %dma_wait3A_367 = arith.constant 0 : i32
      %dma_wait3A_368 = tpu.memref_slice %arg11[%dma_wait3A_361, %dma_wait3A_362, %dma_wait3A_367] : memref<2x6x112xi32, #tpu.memory_space<vmem>> -> memref<1x1x112xi32, #tpu.memory_space<vmem>>
      %dma_wait3A_369 = tpu.memref_squeeze %dma_wait3A_368 : memref<1x1x112xi32, #tpu.memory_space<vmem>> -> memref<112xi32, #tpu.memory_space<vmem>>
      %dma_wait3A_370 = arith.constant 0 : i32
      %dma_wait3A_371 = arith.constant 0 : i32
      %dma_wait3A_372 = tpu.memref_slice %arg14[%dma_wait3A_370, %dma_wait3A_371] : memref<10112x128xf32, #tpu.memory_space<vmem_shared>> -> memref<10112x128xf32, #tpu.memory_space<vmem_shared>>
      tpu.wait_indirect_dma semaphore(%arg18 : memref<!tpu.dma_semaphore, #tpu.memory_space<semaphore_mem>>) src(%dma_wait3A_366 : memref<112x128xf32, #tpu.memory_space<vmem>>) dst(%dma_wait3A_372 : memref<10112x128xf32, #tpu.memory_space<vmem_shared>>)
      %dma_wait3A_373 = arith.constant 0 : i32
      %dma_wait3A_374 = arith.constant 0 : i32
      %dma_wait3A_375 = arith.constant 0 : i32
      %dma_wait3A_376 = tpu.memref_slice %arg11[%dma_wait3A_373, %dma_wait3A_374, %dma_wait3A_375] : memref<2x6x112xi32, #tpu.memory_space<vmem>> -> memref<1x1x112xi32, #tpu.memory_space<vmem>>
      %dma_wait3A_377 = tpu.memref_squeeze %dma_wait3A_376 : memref<1x1x112xi32, #tpu.memory_space<vmem>> -> memref<112xi32, #tpu.memory_space<vmem>>
      %dma_wait3A_378 = arith.constant 0 : i32
      %dma_wait3A_379 = arith.constant 0 : i32
      %dma_wait3A_380 = tpu.memref_slice %arg15[%dma_wait3A_378, %dma_wait3A_379] : memref<10112x16xf32, #tpu.memory_space<vmem_shared>> -> memref<10112x16xf32, #tpu.memory_space<vmem_shared>>
      tpu.wait_indirect_dma semaphore(%arg18 : memref<!tpu.dma_semaphore, #tpu.memory_space<semaphore_mem>>) src(%arg13 : memref<112x16xf32, #tpu.memory_space<vmem>>) dst(%dma_wait3A_380 : memref<10112x16xf32, #tpu.memory_space<vmem_shared>>)
      %add3A_381 = arith.constant 2 : i32
      %add3A_382 = arith.addi %mul3A_175, %add3A_381 : i32
      %lt3A_383 = arith.cmpi slt, %add3A_382, %select_n3A_2 : i32
      %convert_element_type3A_384 = arith.extui %lt3A_383 : i1 to i32
      %cond3A_385 = arith.constant 0 : i32
      %cond3A_386 = arith.cmpi ne, %convert_element_type3A_384, %cond3A_385 : i32
      scf.if %cond3A_386 {
        %add3A_483 = arith.constant 2 : i32
        %add3A_484 = arith.addi %mul3A_175, %add3A_483 : i32
        %jit3A_485 = arith.constant 6 : i32
        %div3A_486 = arith.divsi %add3A_484, %jit3A_485 : i32
        %sign3A_487 = arith.constant 0 : i32
        %sign3A_488 = arith.cmpi sgt, %add3A_484, %sign3A_487 : i32
        %sign3A_489 = arith.extui %sign3A_488 : i1 to i32
        %sign3A_490 = arith.constant 0 : i32
        %sign3A_491 = arith.cmpi slt, %add3A_484, %sign3A_490 : i32
        %sign3A_492 = arith.extui %sign3A_491 : i1 to i32
        %sign3A_493 = arith.subi %sign3A_489, %sign3A_492 : i32
        %sign3A_494 = arith.constant 0 : i32
        %sign3A_495 = arith.cmpi sgt, %jit3A_485, %sign3A_494 : i32
        %sign3A_496 = arith.extui %sign3A_495 : i1 to i32
        %sign3A_497 = arith.constant 0 : i32
        %sign3A_498 = arith.cmpi slt, %jit3A_485, %sign3A_497 : i32
        %sign3A_499 = arith.extui %sign3A_498 : i1 to i32
        %sign3A_500 = arith.subi %sign3A_496, %sign3A_499 : i32
        %ne3A_501 = arith.cmpi ne, %sign3A_493, %sign3A_500 : i32
        %rem3A_502 = arith.remsi %add3A_484, %jit3A_485 : i32
        %ne3A_503 = arith.constant 0 : i32
        %ne3A_504 = arith.cmpi ne, %rem3A_502, %ne3A_503 : i32
        %and3A_505 = arith.andi %ne3A_501, %ne3A_504 : i1
        %sub3A_506 = arith.constant 1 : i32
        %sub3A_507 = arith.subi %div3A_486, %sub3A_506 : i32
        %select_n3A_508 = arith.select %and3A_505, %sub3A_507, %div3A_486 : i32
        %jit3A_509 = arith.constant 2 : i32
        %eq3A_510 = arith.constant 0 : i32
        %eq3A_511 = arith.cmpi eq, %jit3A_509, %eq3A_510 : i32
        %jit3A_512 = arith.constant 1 : i32
        %select_n3A_513 = arith.select %eq3A_511, %jit3A_512, %jit3A_509 : i32
        %rem3A_514 = arith.remsi %select_n3A_508, %select_n3A_513 : i32
        %ne3A_515 = arith.constant 0 : i32
        %ne3A_516 = arith.cmpi ne, %rem3A_514, %ne3A_515 : i32
        %lt3A_517 = arith.constant 0 : i32
        %lt3A_518 = arith.cmpi slt, %rem3A_514, %lt3A_517 : i32
        %lt3A_519 = arith.constant 0 : i32
        %lt3A_520 = arith.cmpi slt, %select_n3A_513, %lt3A_519 : i32
        %ne3A_521 = arith.xori %lt3A_518, %lt3A_520 : i1
        %and3A_522 = arith.andi %ne3A_521, %ne3A_516 : i1
        %add3A_523 = arith.addi %rem3A_514, %select_n3A_513 : i32
        %select_n3A_524 = arith.select %and3A_522, %add3A_523, %rem3A_514 : i32
        %jit3A_525 = arith.constant 6 : i32
        %eq3A_526 = arith.constant 0 : i32
        %eq3A_527 = arith.cmpi eq, %jit3A_525, %eq3A_526 : i32
        %jit3A_528 = arith.constant 1 : i32
        %select_n3A_529 = arith.select %eq3A_527, %jit3A_528, %jit3A_525 : i32
        %rem3A_530 = arith.remsi %add3A_484, %select_n3A_529 : i32
        %ne3A_531 = arith.constant 0 : i32
        %ne3A_532 = arith.cmpi ne, %rem3A_530, %ne3A_531 : i32
        %lt3A_533 = arith.constant 0 : i32
        %lt3A_534 = arith.cmpi slt, %rem3A_530, %lt3A_533 : i32
        %lt3A_535 = arith.constant 0 : i32
        %lt3A_536 = arith.cmpi slt, %select_n3A_529, %lt3A_535 : i32
        %ne3A_537 = arith.xori %lt3A_534, %lt3A_536 : i1
        %and3A_538 = arith.andi %ne3A_537, %ne3A_532 : i1
        %add3A_539 = arith.addi %rem3A_530, %select_n3A_529 : i32
        %select_n3A_540 = arith.select %and3A_538, %add3A_539, %rem3A_530 : i32
        %dma_start3A_541 = arith.constant 0 : i32
        %dma_start3A_542 = arith.constant 0 : i32
        %dma_start3A_543 = arith.constant 0 : i32
        %dma_start3A_544 = tpu.memref_slice %arg12[%dma_start3A_541, %dma_start3A_542, %dma_start3A_543] : memref<2x112x128xf32, #tpu.memory_space<vmem>> -> memref<1x112x128xf32, #tpu.memory_space<vmem>>
        %dma_start3A_545 = tpu.memref_squeeze %dma_start3A_544 : memref<1x112x128xf32, #tpu.memory_space<vmem>> -> memref<112x128xf32, #tpu.memory_space<vmem>>
        %dma_start3A_546 = arith.constant 0 : i32
        %dma_start3A_547 = tpu.memref_slice %arg10[%select_n3A_524, %select_n3A_540, %dma_start3A_546] : memref<2x6x112xi32, #tpu.memory_space<vmem>> -> memref<1x1x112xi32, #tpu.memory_space<vmem>>
        %dma_start3A_548 = tpu.memref_squeeze %dma_start3A_547 : memref<1x1x112xi32, #tpu.memory_space<vmem>> -> memref<112xi32, #tpu.memory_space<vmem>>
        %dma_start3A_549 = arith.constant 0 : i32
        %dma_start3A_550 = arith.constant 0 : i32
        %dma_start3A_551 = tpu.memref_slice %arg4[%dma_start3A_549, %dma_start3A_550] : memref<30000x128xf32, #tpu.memory_space<hbm>> -> memref<30000x128xf32, #tpu.memory_space<hbm>>
        tpu.enqueue_indirect_dma source(%dma_start3A_551 : memref<30000x128xf32, #tpu.memory_space<hbm>>) target(%dma_start3A_545 : memref<112x128xf32, #tpu.memory_space<vmem>>) offsets(%dma_start3A_548 : memref<112xi32, #tpu.memory_space<vmem>>) semaphore(%arg16 : memref<!tpu.dma_semaphore, #tpu.memory_space<semaphore_mem>>)
      } else {
      }
      %add3A_387 = arith.constant 1 : i32
      %add3A_388 = arith.addi %mul3A_175, %add3A_387 : i32
      %jit3A_389 = arith.constant 6 : i32
      %div3A_390 = arith.divsi %add3A_388, %jit3A_389 : i32
      %sign3A_391 = arith.constant 0 : i32
      %sign3A_392 = arith.cmpi sgt, %add3A_388, %sign3A_391 : i32
      %sign3A_393 = arith.extui %sign3A_392 : i1 to i32
      %sign3A_394 = arith.constant 0 : i32
      %sign3A_395 = arith.cmpi slt, %add3A_388, %sign3A_394 : i32
      %sign3A_396 = arith.extui %sign3A_395 : i1 to i32
      %sign3A_397 = arith.subi %sign3A_393, %sign3A_396 : i32
      %sign3A_398 = arith.constant 0 : i32
      %sign3A_399 = arith.cmpi sgt, %jit3A_389, %sign3A_398 : i32
      %sign3A_400 = arith.extui %sign3A_399 : i1 to i32
      %sign3A_401 = arith.constant 0 : i32
      %sign3A_402 = arith.cmpi slt, %jit3A_389, %sign3A_401 : i32
      %sign3A_403 = arith.extui %sign3A_402 : i1 to i32
      %sign3A_404 = arith.subi %sign3A_400, %sign3A_403 : i32
      %ne3A_405 = arith.cmpi ne, %sign3A_397, %sign3A_404 : i32
      %rem3A_406 = arith.remsi %add3A_388, %jit3A_389 : i32
      %ne3A_407 = arith.constant 0 : i32
      %ne3A_408 = arith.cmpi ne, %rem3A_406, %ne3A_407 : i32
      %and3A_409 = arith.andi %ne3A_405, %ne3A_408 : i1
      %sub3A_410 = arith.constant 1 : i32
      %sub3A_411 = arith.subi %div3A_390, %sub3A_410 : i32
      %select_n3A_412 = arith.select %and3A_409, %sub3A_411, %div3A_390 : i32
      %jit3A_413 = arith.constant 2 : i32
      %eq3A_414 = arith.constant 0 : i32
      %eq3A_415 = arith.cmpi eq, %jit3A_413, %eq3A_414 : i32
      %jit3A_416 = arith.constant 1 : i32
      %select_n3A_417 = arith.select %eq3A_415, %jit3A_416, %jit3A_413 : i32
      %rem3A_418 = arith.remsi %select_n3A_412, %select_n3A_417 : i32
      %ne3A_419 = arith.constant 0 : i32
      %ne3A_420 = arith.cmpi ne, %rem3A_418, %ne3A_419 : i32
      %lt3A_421 = arith.constant 0 : i32
      %lt3A_422 = arith.cmpi slt, %rem3A_418, %lt3A_421 : i32
      %lt3A_423 = arith.constant 0 : i32
      %lt3A_424 = arith.cmpi slt, %select_n3A_417, %lt3A_423 : i32
      %ne3A_425 = arith.xori %lt3A_422, %lt3A_424 : i1
      %and3A_426 = arith.andi %ne3A_425, %ne3A_420 : i1
      %add3A_427 = arith.addi %rem3A_418, %select_n3A_417 : i32
      %select_n3A_428 = arith.select %and3A_426, %add3A_427, %rem3A_418 : i32
      %jit3A_429 = arith.constant 6 : i32
      %eq3A_430 = arith.constant 0 : i32
      %eq3A_431 = arith.cmpi eq, %jit3A_429, %eq3A_430 : i32
      %jit3A_432 = arith.constant 1 : i32
      %select_n3A_433 = arith.select %eq3A_431, %jit3A_432, %jit3A_429 : i32
      %rem3A_434 = arith.remsi %add3A_388, %select_n3A_433 : i32
      %ne3A_435 = arith.constant 0 : i32
      %ne3A_436 = arith.cmpi ne, %rem3A_434, %ne3A_435 : i32
      %lt3A_437 = arith.constant 0 : i32
      %lt3A_438 = arith.cmpi slt, %rem3A_434, %lt3A_437 : i32
      %lt3A_439 = arith.constant 0 : i32
      %lt3A_440 = arith.cmpi slt, %select_n3A_433, %lt3A_439 : i32
      %ne3A_441 = arith.xori %lt3A_438, %lt3A_440 : i1
      %and3A_442 = arith.andi %ne3A_441, %ne3A_436 : i1
      %add3A_443 = arith.addi %rem3A_434, %select_n3A_433 : i32
      %select_n3A_444 = arith.select %and3A_442, %add3A_443, %rem3A_434 : i32
      %dma_start3A_445 = arith.constant 1 : i32
      %dma_start3A_446 = arith.constant 0 : i32
      %dma_start3A_447 = arith.constant 0 : i32
      %dma_start3A_448 = tpu.memref_slice %arg12[%dma_start3A_445, %dma_start3A_446, %dma_start3A_447] : memref<2x112x128xf32, #tpu.memory_space<vmem>> -> memref<1x112x128xf32, #tpu.memory_space<vmem>>
      %dma_start3A_449 = tpu.memref_squeeze %dma_start3A_448 : memref<1x112x128xf32, #tpu.memory_space<vmem>> -> memref<112x128xf32, #tpu.memory_space<vmem>>
      %dma_start3A_450 = arith.constant 0 : i32
      %dma_start3A_451 = tpu.memref_slice %arg11[%select_n3A_428, %select_n3A_444, %dma_start3A_450] : memref<2x6x112xi32, #tpu.memory_space<vmem>> -> memref<1x1x112xi32, #tpu.memory_space<vmem>>
      %dma_start3A_452 = tpu.memref_squeeze %dma_start3A_451 : memref<1x1x112xi32, #tpu.memory_space<vmem>> -> memref<112xi32, #tpu.memory_space<vmem>>
      %dma_start3A_453 = arith.constant 0 : i32
      %dma_start3A_454 = arith.constant 0 : i32
      %dma_start3A_455 = tpu.memref_slice %arg14[%dma_start3A_453, %dma_start3A_454] : memref<10112x128xf32, #tpu.memory_space<vmem_shared>> -> memref<10112x128xf32, #tpu.memory_space<vmem_shared>>
      tpu.enqueue_indirect_dma source(%dma_start3A_449 : memref<112x128xf32, #tpu.memory_space<vmem>>) target(%dma_start3A_455 : memref<10112x128xf32, #tpu.memory_space<vmem_shared>>) offsets(%dma_start3A_452 : memref<112xi32, #tpu.memory_space<vmem>>) semaphore(%arg18 : memref<!tpu.dma_semaphore, #tpu.memory_space<semaphore_mem>>) {add = true}
      %dma_start3A_456 = arith.constant 0 : i32
      %dma_start3A_457 = tpu.memref_slice %arg11[%select_n3A_428, %select_n3A_444, %dma_start3A_456] : memref<2x6x112xi32, #tpu.memory_space<vmem>> -> memref<1x1x112xi32, #tpu.memory_space<vmem>>
      %dma_start3A_458 = tpu.memref_squeeze %dma_start3A_457 : memref<1x1x112xi32, #tpu.memory_space<vmem>> -> memref<112xi32, #tpu.memory_space<vmem>>
      %dma_start3A_459 = arith.constant 0 : i32
      %dma_start3A_460 = arith.constant 0 : i32
      %dma_start3A_461 = tpu.memref_slice %arg15[%dma_start3A_459, %dma_start3A_460] : memref<10112x16xf32, #tpu.memory_space<vmem_shared>> -> memref<10112x16xf32, #tpu.memory_space<vmem_shared>>
      tpu.enqueue_indirect_dma source(%arg13 : memref<112x16xf32, #tpu.memory_space<vmem>>) target(%dma_start3A_461 : memref<10112x16xf32, #tpu.memory_space<vmem_shared>>) offsets(%dma_start3A_458 : memref<112xi32, #tpu.memory_space<vmem>>) semaphore(%arg18 : memref<!tpu.dma_semaphore, #tpu.memory_space<semaphore_mem>>) {add = true}
      %dma_wait3A_462 = arith.constant 0 : i32
      %dma_wait3A_463 = arith.constant 0 : i32
      %dma_wait3A_464 = arith.constant 0 : i32
      %dma_wait3A_465 = arith.constant 0 : i32
      %dma_wait3A_466 = arith.constant 0 : i32
      %dma_wait3A_467 = tpu.memref_slice %arg12[%dma_wait3A_462, %dma_wait3A_465, %dma_wait3A_466] : memref<2x112x128xf32, #tpu.memory_space<vmem>> -> memref<1x112x128xf32, #tpu.memory_space<vmem>>
      %dma_wait3A_468 = tpu.memref_squeeze %dma_wait3A_467 : memref<1x112x128xf32, #tpu.memory_space<vmem>> -> memref<112x128xf32, #tpu.memory_space<vmem>>
      %dma_wait3A_469 = arith.constant 0 : i32
      %dma_wait3A_470 = tpu.memref_slice %arg11[%dma_wait3A_463, %dma_wait3A_464, %dma_wait3A_469] : memref<2x6x112xi32, #tpu.memory_space<vmem>> -> memref<1x1x112xi32, #tpu.memory_space<vmem>>
      %dma_wait3A_471 = tpu.memref_squeeze %dma_wait3A_470 : memref<1x1x112xi32, #tpu.memory_space<vmem>> -> memref<112xi32, #tpu.memory_space<vmem>>
      %dma_wait3A_472 = arith.constant 0 : i32
      %dma_wait3A_473 = arith.constant 0 : i32
      %dma_wait3A_474 = tpu.memref_slice %arg14[%dma_wait3A_472, %dma_wait3A_473] : memref<10112x128xf32, #tpu.memory_space<vmem_shared>> -> memref<10112x128xf32, #tpu.memory_space<vmem_shared>>
      tpu.wait_indirect_dma semaphore(%arg18 : memref<!tpu.dma_semaphore, #tpu.memory_space<semaphore_mem>>) src(%dma_wait3A_468 : memref<112x128xf32, #tpu.memory_space<vmem>>) dst(%dma_wait3A_474 : memref<10112x128xf32, #tpu.memory_space<vmem_shared>>)
      %dma_wait3A_475 = arith.constant 0 : i32
      %dma_wait3A_476 = arith.constant 0 : i32
      %dma_wait3A_477 = arith.constant 0 : i32
      %dma_wait3A_478 = tpu.memref_slice %arg11[%dma_wait3A_475, %dma_wait3A_476, %dma_wait3A_477] : memref<2x6x112xi32, #tpu.memory_space<vmem>> -> memref<1x1x112xi32, #tpu.memory_space<vmem>>
      %dma_wait3A_479 = tpu.memref_squeeze %dma_wait3A_478 : memref<1x1x112xi32, #tpu.memory_space<vmem>> -> memref<112xi32, #tpu.memory_space<vmem>>
      %dma_wait3A_480 = arith.constant 0 : i32
      %dma_wait3A_481 = arith.constant 0 : i32
      %dma_wait3A_482 = tpu.memref_slice %arg15[%dma_wait3A_480, %dma_wait3A_481] : memref<10112x16xf32, #tpu.memory_space<vmem_shared>> -> memref<10112x16xf32, #tpu.memory_space<vmem_shared>>
      tpu.wait_indirect_dma semaphore(%arg18 : memref<!tpu.dma_semaphore, #tpu.memory_space<semaphore_mem>>) src(%arg13 : memref<112x16xf32, #tpu.memory_space<vmem>>) dst(%dma_wait3A_482 : memref<10112x16xf32, #tpu.memory_space<vmem_shared>>)
    }
    %barrier3A_133 = arith.constant 0 : index
    tpu.barrier barrier_id(%barrier3A_133)
    "tpu.region"() ({
      %run_scoped3A = tpu.sem_alloc : memref<!tpu.dma_semaphore, #tpu.memory_space<semaphore_mem>>
      %dma_start3A_134 = arith.constant 0 : i32
      %dma_start3A_135 = tpu.memref_slice %arg8[%arg0, %mul3A_28, %dma_start3A_134] : memref<2x10112x128xf32, #tpu.memory_space<hbm>> -> memref<1x632x128xf32, #tpu.memory_space<hbm>>
      %dma_start3A_136 = tpu.memref_squeeze %dma_start3A_135 : memref<1x632x128xf32, #tpu.memory_space<hbm>> -> memref<632x128xf32, #tpu.memory_space<hbm>>
      %dma_start3A_137 = arith.constant 0 : i32
      %dma_start3A_138 = tpu.memref_slice %arg14[%mul3A_28, %dma_start3A_137] : memref<10112x128xf32, #tpu.memory_space<vmem_shared>> -> memref<632x128xf32, #tpu.memory_space<vmem_shared>>
      tpu.enqueue_dma source(%dma_start3A_138 : memref<632x128xf32, #tpu.memory_space<vmem_shared>>) target(%dma_start3A_136 : memref<632x128xf32, #tpu.memory_space<hbm>>) target_semaphore(%run_scoped3A : memref<!tpu.dma_semaphore, #tpu.memory_space<semaphore_mem>>)
      %dma_wait3A_139 = arith.constant 0 : i32
      %dma_wait3A_140 = tpu.memref_slice %arg8[%arg0, %mul3A_28, %dma_wait3A_139] : memref<2x10112x128xf32, #tpu.memory_space<hbm>> -> memref<1x632x128xf32, #tpu.memory_space<hbm>>
      %dma_wait3A_141 = tpu.memref_squeeze %dma_wait3A_140 : memref<1x632x128xf32, #tpu.memory_space<hbm>> -> memref<632x128xf32, #tpu.memory_space<hbm>>
      %dma_wait3A_142 = arith.constant 0 : i32
      %dma_wait3A_143 = tpu.memref_slice %arg14[%mul3A_28, %dma_wait3A_142] : memref<10112x128xf32, #tpu.memory_space<vmem_shared>> -> memref<632x128xf32, #tpu.memory_space<vmem_shared>>
      tpu.wait_dma2 semaphore(%run_scoped3A : memref<!tpu.dma_semaphore, #tpu.memory_space<semaphore_mem>>) src(%dma_wait3A_143 : memref<632x128xf32, #tpu.memory_space<vmem_shared>>) dst(%dma_wait3A_141 : memref<632x128xf32, #tpu.memory_space<hbm>>)
      tpu.yield
    }) : () -> ()
    "tpu.region"() ({
      %run_scoped3A = tpu.sem_alloc : memref<!tpu.dma_semaphore, #tpu.memory_space<semaphore_mem>>
      %dma_start3A_134 = arith.constant 0 : i32
      %dma_start3A_135 = tpu.memref_slice %arg9[%arg0, %mul3A_28, %dma_start3A_134] : memref<2x10112x16xf32, #tpu.memory_space<hbm>> -> memref<1x632x16xf32, #tpu.memory_space<hbm>>
      %dma_start3A_136 = tpu.memref_squeeze %dma_start3A_135 : memref<1x632x16xf32, #tpu.memory_space<hbm>> -> memref<632x16xf32, #tpu.memory_space<hbm>>
      %dma_start3A_137 = arith.constant 0 : i32
      %dma_start3A_138 = tpu.memref_slice %arg15[%mul3A_28, %dma_start3A_137] : memref<10112x16xf32, #tpu.memory_space<vmem_shared>> -> memref<632x16xf32, #tpu.memory_space<vmem_shared>>
      tpu.enqueue_dma source(%dma_start3A_138 : memref<632x16xf32, #tpu.memory_space<vmem_shared>>) target(%dma_start3A_136 : memref<632x16xf32, #tpu.memory_space<hbm>>) target_semaphore(%run_scoped3A : memref<!tpu.dma_semaphore, #tpu.memory_space<semaphore_mem>>)
      %dma_wait3A_139 = arith.constant 0 : i32
      %dma_wait3A_140 = tpu.memref_slice %arg9[%arg0, %mul3A_28, %dma_wait3A_139] : memref<2x10112x16xf32, #tpu.memory_space<hbm>> -> memref<1x632x16xf32, #tpu.memory_space<hbm>>
      %dma_wait3A_141 = tpu.memref_squeeze %dma_wait3A_140 : memref<1x632x16xf32, #tpu.memory_space<hbm>> -> memref<632x16xf32, #tpu.memory_space<hbm>>
      %dma_wait3A_142 = arith.constant 0 : i32
      %dma_wait3A_143 = tpu.memref_slice %arg15[%mul3A_28, %dma_wait3A_142] : memref<10112x16xf32, #tpu.memory_space<vmem_shared>> -> memref<632x16xf32, #tpu.memory_space<vmem_shared>>
      tpu.wait_dma2 semaphore(%run_scoped3A : memref<!tpu.dma_semaphore, #tpu.memory_space<semaphore_mem>>) src(%dma_wait3A_143 : memref<632x16xf32, #tpu.memory_space<vmem_shared>>) dst(%dma_wait3A_141 : memref<632x16xf32, #tpu.memory_space<hbm>>)
      tpu.yield
    }) : () -> ()
    return
  }
}

#map = affine_map<(d0, d1) -> (0, 0)>
#map1 = affine_map<(d0, d1) -> (0, 0, 0)>
module attributes {stable_mosaic.version = 14 : i64} {
  func.func @_sc_body_nocnt(%arg0: i32, %arg1: i32, %arg2: memref<2880x112xi32, #tpu.memory_space<hbm>>, %arg3: memref<2880x112xi32, #tpu.memory_space<hbm>>, %arg4: memref<30000x128xf32, #tpu.memory_space<hbm>>, %arg5: memref<632x128xf32, #tpu.memory_space<hbm>>, %arg6: memref<632x16xf32, #tpu.memory_space<hbm>>, %arg7: memref<112x16xf32, #tpu.memory_space<hbm>>, %arg8: memref<2x10112x128xf32, #tpu.memory_space<hbm>>, %arg9: memref<2x6x112xi32, #tpu.memory_space<vmem>>, %arg10: memref<2x6x112xi32, #tpu.memory_space<vmem>>, %arg11: memref<2x112x128xf32, #tpu.memory_space<vmem>>, %arg12: memref<112x16xf32, #tpu.memory_space<vmem>>, %arg13: memref<10112x128xf32, #tpu.memory_space<vmem_shared>>, %arg14: memref<10112x16xf32, #tpu.memory_space<vmem_shared>>, %arg15: memref<!tpu.dma_semaphore, #tpu.memory_space<semaphore_mem>>, %arg16: memref<!tpu.dma_semaphore, #tpu.memory_space<semaphore_mem>>, %arg17: memref<!tpu.dma_semaphore, #tpu.memory_space<semaphore_mem>>) attributes {dimension_semantics = [#tpu.dimension_semantics<core_parallel>, #tpu.dimension_semantics<subcore_parallel>], iteration_bounds = array<i64: 2, 16>, scalar_prefetch = 0 : i64, scratch_operands = 9 : i64, tpu.core_type = #tpu.core_type<sc_vector_subcore>, window_params = [{transform_indices = #map}, {transform_indices = #map}, {transform_indices = #map}, {transform_indices = #map}, {transform_indices = #map}, {transform_indices = #map}, {transform_indices = #map1}]} {
    %eq3A = arith.constant 0 : i32
    %eq3A_0 = arith.cmpi eq, %arg0, %eq3A : i32
    %select_n3A = arith.constant 48 : i32
    %select_n3A_1 = arith.constant 132 : i32
    %select_n3A_2 = arith.select %eq3A_0, %select_n3A_1, %select_n3A : i32
    %jit3A = arith.constant 6 : i32
    %div3A = arith.divsi %select_n3A_2, %jit3A : i32
    %sign3A = arith.constant 0 : i32
    %sign3A_3 = arith.cmpi sgt, %select_n3A_2, %sign3A : i32
    %sign3A_4 = arith.extui %sign3A_3 : i1 to i32
    %sign3A_5 = arith.constant 0 : i32
    %sign3A_6 = arith.cmpi slt, %select_n3A_2, %sign3A_5 : i32
    %sign3A_7 = arith.extui %sign3A_6 : i1 to i32
    %sign3A_8 = arith.subi %sign3A_4, %sign3A_7 : i32
    %sign3A_9 = arith.constant 0 : i32
    %sign3A_10 = arith.cmpi sgt, %jit3A, %sign3A_9 : i32
    %sign3A_11 = arith.extui %sign3A_10 : i1 to i32
    %sign3A_12 = arith.constant 0 : i32
    %sign3A_13 = arith.cmpi slt, %jit3A, %sign3A_12 : i32
    %sign3A_14 = arith.extui %sign3A_13 : i1 to i32
    %sign3A_15 = arith.subi %sign3A_11, %sign3A_14 : i32
    %ne3A = arith.cmpi ne, %sign3A_8, %sign3A_15 : i32
    %rem3A = arith.remsi %select_n3A_2, %jit3A : i32
    %ne3A_16 = arith.constant 0 : i32
    %ne3A_17 = arith.cmpi ne, %rem3A, %ne3A_16 : i32
    %and3A = arith.andi %ne3A, %ne3A_17 : i1
    %sub3A = arith.constant 1 : i32
    %sub3A_18 = arith.subi %div3A, %sub3A : i32
    %select_n3A_19 = arith.select %and3A, %sub3A_18, %div3A : i32
    %eq3A_20 = arith.constant 0 : i32
    %eq3A_21 = arith.cmpi eq, %arg0, %eq3A_20 : i32
    %mul3A = arith.constant 132 : i32
    %mul3A_22 = arith.muli %arg1, %mul3A : i32
    %mul3A_23 = arith.constant 48 : i32
    %mul3A_24 = arith.muli %arg1, %mul3A_23 : i32
    %add3A = arith.constant 2112 : i32
    %add3A_25 = arith.addi %add3A, %mul3A_24 : i32
    %select_n3A_26 = arith.select %eq3A_21, %mul3A_22, %add3A_25 : i32
    %mul3A_27 = arith.constant 632 : i32
    %mul3A_28 = arith.muli %arg1, %mul3A_27 : i32
    "tpu.region"() ({
      %run_scoped3A = tpu.sem_alloc : memref<!tpu.dma_semaphore, #tpu.memory_space<semaphore_mem>>
      %dma_start3A_134 = arith.constant 0 : i32
      %dma_start3A_135 = tpu.memref_slice %arg13[%mul3A_28, %dma_start3A_134] : memref<10112x128xf32, #tpu.memory_space<vmem_shared>> -> memref<632x128xf32, #tpu.memory_space<vmem_shared>>
      tpu.enqueue_dma source(%arg5 : memref<632x128xf32, #tpu.memory_space<hbm>>) target(%dma_start3A_135 : memref<632x128xf32, #tpu.memory_space<vmem_shared>>) target_semaphore(%run_scoped3A : memref<!tpu.dma_semaphore, #tpu.memory_space<semaphore_mem>>)
      %dma_wait3A_136 = arith.constant 0 : i32
      %dma_wait3A_137 = tpu.memref_slice %arg13[%mul3A_28, %dma_wait3A_136] : memref<10112x128xf32, #tpu.memory_space<vmem_shared>> -> memref<632x128xf32, #tpu.memory_space<vmem_shared>>
      tpu.wait_dma2 semaphore(%run_scoped3A : memref<!tpu.dma_semaphore, #tpu.memory_space<semaphore_mem>>) src(%arg5 : memref<632x128xf32, #tpu.memory_space<hbm>>) dst(%dma_wait3A_137 : memref<632x128xf32, #tpu.memory_space<vmem_shared>>)
      tpu.yield
    }) : () -> ()
    %barrier3A = arith.constant 0 : index
    tpu.barrier barrier_id(%barrier3A)
    %add3A_29 = arith.constant 0 : i32
    %add3A_30 = arith.addi %select_n3A_26, %add3A_29 : i32
    %dma_start3A = arith.constant 0 : i32
    %dma_start3A_31 = arith.constant 0 : i32
    %dma_start3A_32 = arith.constant 0 : i32
    %dma_start3A_33 = tpu.memref_slice %arg9[%dma_start3A, %dma_start3A_31, %dma_start3A_32] : memref<2x6x112xi32, #tpu.memory_space<vmem>> -> memref<1x6x112xi32, #tpu.memory_space<vmem>>
    %dma_start3A_34 = tpu.memref_squeeze %dma_start3A_33 : memref<1x6x112xi32, #tpu.memory_space<vmem>> -> memref<6x112xi32, #tpu.memory_space<vmem>>
    %dma_start3A_35 = arith.constant 0 : i32
    %dma_start3A_36 = tpu.memref_slice %arg2[%add3A_30, %dma_start3A_35] : memref<2880x112xi32, #tpu.memory_space<hbm>> -> memref<6x112xi32, #tpu.memory_space<hbm>>
    %dma_start3A_37 = arith.constant 0 : i32
    %dma_start3A_38 = arith.constant 0 : i32
    %dma_start3A_39 = tpu.memref_slice %arg9[%dma_start3A, %dma_start3A_37, %dma_start3A_38] : memref<2x6x112xi32, #tpu.memory_space<vmem>> -> memref<1x6x112xi32, #tpu.memory_space<vmem>>
    %dma_start3A_40 = tpu.memref_squeeze %dma_start3A_39 : memref<1x6x112xi32, #tpu.memory_space<vmem>> -> memref<6x112xi32, #tpu.memory_space<vmem>>
    %dma_start3A_41 = arith.constant 0 : i32
    %dma_start3A_42 = tpu.memref_slice %arg2[%add3A_30, %dma_start3A_41] : memref<2880x112xi32, #tpu.memory_space<hbm>> -> memref<6x112xi32, #tpu.memory_space<hbm>>
    tpu.enqueue_dma source(%dma_start3A_42 : memref<6x112xi32, #tpu.memory_space<hbm>>) target(%dma_start3A_40 : memref<6x112xi32, #tpu.memory_space<vmem>>) target_semaphore(%arg16 : memref<!tpu.dma_semaphore, #tpu.memory_space<semaphore_mem>>)
    %add3A_43 = arith.constant 0 : i32
    %add3A_44 = arith.addi %select_n3A_26, %add3A_43 : i32
    %dma_start3A_45 = arith.constant 0 : i32
    %dma_start3A_46 = arith.constant 0 : i32
    %dma_start3A_47 = arith.constant 0 : i32
    %dma_start3A_48 = tpu.memref_slice %arg10[%dma_start3A_45, %dma_start3A_46, %dma_start3A_47] : memref<2x6x112xi32, #tpu.memory_space<vmem>> -> memref<1x6x112xi32, #tpu.memory_space<vmem>>
    %dma_start3A_49 = tpu.memref_squeeze %dma_start3A_48 : memref<1x6x112xi32, #tpu.memory_space<vmem>> -> memref<6x112xi32, #tpu.memory_space<vmem>>
    %dma_start3A_50 = arith.constant 0 : i32
    %dma_start3A_51 = tpu.memref_slice %arg3[%add3A_44, %dma_start3A_50] : memref<2880x112xi32, #tpu.memory_space<hbm>> -> memref<6x112xi32, #tpu.memory_space<hbm>>
    %dma_start3A_52 = arith.constant 0 : i32
    %dma_start3A_53 = arith.constant 0 : i32
    %dma_start3A_54 = tpu.memref_slice %arg10[%dma_start3A_45, %dma_start3A_52, %dma_start3A_53] : memref<2x6x112xi32, #tpu.memory_space<vmem>> -> memref<1x6x112xi32, #tpu.memory_space<vmem>>
    %dma_start3A_55 = tpu.memref_squeeze %dma_start3A_54 : memref<1x6x112xi32, #tpu.memory_space<vmem>> -> memref<6x112xi32, #tpu.memory_space<vmem>>
    %dma_start3A_56 = arith.constant 0 : i32
    %dma_start3A_57 = tpu.memref_slice %arg3[%add3A_44, %dma_start3A_56] : memref<2880x112xi32, #tpu.memory_space<hbm>> -> memref<6x112xi32, #tpu.memory_space<hbm>>
    tpu.enqueue_dma source(%dma_start3A_57 : memref<6x112xi32, #tpu.memory_space<hbm>>) target(%dma_start3A_55 : memref<6x112xi32, #tpu.memory_space<vmem>>) target_semaphore(%arg16 : memref<!tpu.dma_semaphore, #tpu.memory_space<semaphore_mem>>)
    %dma_wait3A = arith.constant 0 : i32
    %dma_wait3A_58 = arith.constant 0 : i32
    %dma_wait3A_59 = arith.constant 0 : i32
    %dma_wait3A_60 = tpu.memref_slice %arg9[%dma_wait3A, %dma_wait3A_58, %dma_wait3A_59] : memref<2x6x112xi32, #tpu.memory_space<vmem>> -> memref<1x6x112xi32, #tpu.memory_space<vmem>>
    %dma_wait3A_61 = tpu.memref_squeeze %dma_wait3A_60 : memref<1x6x112xi32, #tpu.memory_space<vmem>> -> memref<6x112xi32, #tpu.memory_space<vmem>>
    %dma_wait3A_62 = arith.constant 0 : i32
    %dma_wait3A_63 = arith.constant 0 : i32
    %dma_wait3A_64 = tpu.memref_slice %arg2[%dma_wait3A_62, %dma_wait3A_63] : memref<2880x112xi32, #tpu.memory_space<hbm>> -> memref<6x112xi32, #tpu.memory_space<hbm>>
    %dma_wait3A_65 = arith.constant 0 : i32
    %dma_wait3A_66 = arith.constant 0 : i32
    %dma_wait3A_67 = tpu.memref_slice %arg9[%dma_wait3A, %dma_wait3A_65, %dma_wait3A_66] : memref<2x6x112xi32, #tpu.memory_space<vmem>> -> memref<1x6x112xi32, #tpu.memory_space<vmem>>
    %dma_wait3A_68 = tpu.memref_squeeze %dma_wait3A_67 : memref<1x6x112xi32, #tpu.memory_space<vmem>> -> memref<6x112xi32, #tpu.memory_space<vmem>>
    %dma_wait3A_69 = arith.constant 0 : i32
    %dma_wait3A_70 = arith.constant 0 : i32
    %dma_wait3A_71 = tpu.memref_slice %arg2[%dma_wait3A_69, %dma_wait3A_70] : memref<2880x112xi32, #tpu.memory_space<hbm>> -> memref<6x112xi32, #tpu.memory_space<hbm>>
    tpu.wait_dma2 semaphore(%arg16 : memref<!tpu.dma_semaphore, #tpu.memory_space<semaphore_mem>>) src(%dma_wait3A_71 : memref<6x112xi32, #tpu.memory_space<hbm>>) dst(%dma_wait3A_68 : memref<6x112xi32, #tpu.memory_space<vmem>>)
    %dma_wait3A_72 = arith.constant 0 : i32
    %dma_wait3A_73 = arith.constant 0 : i32
    %dma_wait3A_74 = arith.constant 0 : i32
    %dma_wait3A_75 = tpu.memref_slice %arg10[%dma_wait3A_72, %dma_wait3A_73, %dma_wait3A_74] : memref<2x6x112xi32, #tpu.memory_space<vmem>> -> memref<1x6x112xi32, #tpu.memory_space<vmem>>
    %dma_wait3A_76 = tpu.memref_squeeze %dma_wait3A_75 : memref<1x6x112xi32, #tpu.memory_space<vmem>> -> memref<6x112xi32, #tpu.memory_space<vmem>>
    %dma_wait3A_77 = arith.constant 0 : i32
    %dma_wait3A_78 = arith.constant 0 : i32
    %dma_wait3A_79 = tpu.memref_slice %arg3[%dma_wait3A_77, %dma_wait3A_78] : memref<2880x112xi32, #tpu.memory_space<hbm>> -> memref<6x112xi32, #tpu.memory_space<hbm>>
    %dma_wait3A_80 = arith.constant 0 : i32
    %dma_wait3A_81 = arith.constant 0 : i32
    %dma_wait3A_82 = tpu.memref_slice %arg10[%dma_wait3A_72, %dma_wait3A_80, %dma_wait3A_81] : memref<2x6x112xi32, #tpu.memory_space<vmem>> -> memref<1x6x112xi32, #tpu.memory_space<vmem>>
    %dma_wait3A_83 = tpu.memref_squeeze %dma_wait3A_82 : memref<1x6x112xi32, #tpu.memory_space<vmem>> -> memref<6x112xi32, #tpu.memory_space<vmem>>
    %dma_wait3A_84 = arith.constant 0 : i32
    %dma_wait3A_85 = arith.constant 0 : i32
    %dma_wait3A_86 = tpu.memref_slice %arg3[%dma_wait3A_84, %dma_wait3A_85] : memref<2880x112xi32, #tpu.memory_space<hbm>> -> memref<6x112xi32, #tpu.memory_space<hbm>>
    tpu.wait_dma2 semaphore(%arg16 : memref<!tpu.dma_semaphore, #tpu.memory_space<semaphore_mem>>) src(%dma_wait3A_86 : memref<6x112xi32, #tpu.memory_space<hbm>>) dst(%dma_wait3A_83 : memref<6x112xi32, #tpu.memory_space<vmem>>)
    %dma_start3A_87 = arith.constant 0 : i32
    %dma_start3A_88 = arith.constant 0 : i32
    %dma_start3A_89 = arith.constant 0 : i32
    %dma_start3A_90 = arith.constant 0 : i32
    %dma_start3A_91 = arith.constant 0 : i32
    %dma_start3A_92 = tpu.memref_slice %arg11[%dma_start3A_89, %dma_start3A_90, %dma_start3A_91] : memref<2x112x128xf32, #tpu.memory_space<vmem>> -> memref<1x112x128xf32, #tpu.memory_space<vmem>>
    %dma_start3A_93 = tpu.memref_squeeze %dma_start3A_92 : memref<1x112x128xf32, #tpu.memory_space<vmem>> -> memref<112x128xf32, #tpu.memory_space<vmem>>
    %dma_start3A_94 = arith.constant 0 : i32
    %dma_start3A_95 = tpu.memref_slice %arg9[%dma_start3A_87, %dma_start3A_88, %dma_start3A_94] : memref<2x6x112xi32, #tpu.memory_space<vmem>> -> memref<1x1x112xi32, #tpu.memory_space<vmem>>
    %dma_start3A_96 = tpu.memref_squeeze %dma_start3A_95 : memref<1x1x112xi32, #tpu.memory_space<vmem>> -> memref<112xi32, #tpu.memory_space<vmem>>
    %dma_start3A_97 = arith.constant 0 : i32
    %dma_start3A_98 = arith.constant 0 : i32
    %dma_start3A_99 = tpu.memref_slice %arg4[%dma_start3A_97, %dma_start3A_98] : memref<30000x128xf32, #tpu.memory_space<hbm>> -> memref<30000x128xf32, #tpu.memory_space<hbm>>
    tpu.enqueue_indirect_dma source(%dma_start3A_99 : memref<30000x128xf32, #tpu.memory_space<hbm>>) target(%dma_start3A_93 : memref<112x128xf32, #tpu.memory_space<vmem>>) offsets(%dma_start3A_96 : memref<112xi32, #tpu.memory_space<vmem>>) semaphore(%arg15 : memref<!tpu.dma_semaphore, #tpu.memory_space<semaphore_mem>>)
    %jit3A_100 = arith.constant 2 : i32
    %div3A_101 = arith.divsi %select_n3A_2, %jit3A_100 : i32
    %sign3A_102 = arith.constant 0 : i32
    %sign3A_103 = arith.cmpi sgt, %select_n3A_2, %sign3A_102 : i32
    %sign3A_104 = arith.extui %sign3A_103 : i1 to i32
    %sign3A_105 = arith.constant 0 : i32
    %sign3A_106 = arith.cmpi slt, %select_n3A_2, %sign3A_105 : i32
    %sign3A_107 = arith.extui %sign3A_106 : i1 to i32
    %sign3A_108 = arith.subi %sign3A_104, %sign3A_107 : i32
    %sign3A_109 = arith.constant 0 : i32
    %sign3A_110 = arith.cmpi sgt, %jit3A_100, %sign3A_109 : i32
    %sign3A_111 = arith.extui %sign3A_110 : i1 to i32
    %sign3A_112 = arith.constant 0 : i32
    %sign3A_113 = arith.cmpi slt, %jit3A_100, %sign3A_112 : i32
    %sign3A_114 = arith.extui %sign3A_113 : i1 to i32
    %sign3A_115 = arith.subi %sign3A_111, %sign3A_114 : i32
    %ne3A_116 = arith.cmpi ne, %sign3A_108, %sign3A_115 : i32
    %rem3A_117 = arith.remsi %select_n3A_2, %jit3A_100 : i32
    %ne3A_118 = arith.constant 0 : i32
    %ne3A_119 = arith.cmpi ne, %rem3A_117, %ne3A_118 : i32
    %and3A_120 = arith.andi %ne3A_116, %ne3A_119 : i1
    %sub3A_121 = arith.constant 1 : i32
    %sub3A_122 = arith.subi %div3A_101, %sub3A_121 : i32
    %select_n3A_123 = arith.select %and3A_120, %sub3A_122, %div3A_101 : i32
    %while3A = arith.constant 0 : i32
    %while3A_124 = arith.constant 0 : i32
    %while3A_125 = arith.subi %select_n3A_123, %while3A_124 : i32
    %while3A_126 = arith.addi %while3A_124, %while3A_125 : i32
    %while3A_127 = arith.constant 1 : i32
    %while3A_128 = arith.divsi %while3A_125, %while3A_127 : i32
    %while3A_129 = arith.muli %while3A_128, %while3A_127 : i32
    %while3A_130 = arith.addi %while3A_124, %while3A_129 : i32
    %while3A_131 = arith.constant 1 : i32
    scf.for %while3A_134 = %while3A_124 to %while3A_130 step %while3A_131  : i32 {
      %jit3A_135 = arith.constant 3 : i32
      %div3A_136 = arith.divsi %while3A_134, %jit3A_135 : i32
      %sign3A_137 = arith.constant 0 : i32
      %sign3A_138 = arith.cmpi sgt, %while3A_134, %sign3A_137 : i32
      %sign3A_139 = arith.extui %sign3A_138 : i1 to i32
      %sign3A_140 = arith.constant 0 : i32
      %sign3A_141 = arith.cmpi slt, %while3A_134, %sign3A_140 : i32
      %sign3A_142 = arith.extui %sign3A_141 : i1 to i32
      %sign3A_143 = arith.subi %sign3A_139, %sign3A_142 : i32
      %sign3A_144 = arith.constant 0 : i32
      %sign3A_145 = arith.cmpi sgt, %jit3A_135, %sign3A_144 : i32
      %sign3A_146 = arith.extui %sign3A_145 : i1 to i32
      %sign3A_147 = arith.constant 0 : i32
      %sign3A_148 = arith.cmpi slt, %jit3A_135, %sign3A_147 : i32
      %sign3A_149 = arith.extui %sign3A_148 : i1 to i32
      %sign3A_150 = arith.subi %sign3A_146, %sign3A_149 : i32
      %ne3A_151 = arith.cmpi ne, %sign3A_143, %sign3A_150 : i32
      %rem3A_152 = arith.remsi %while3A_134, %jit3A_135 : i32
      %ne3A_153 = arith.constant 0 : i32
      %ne3A_154 = arith.cmpi ne, %rem3A_152, %ne3A_153 : i32
      %and3A_155 = arith.andi %ne3A_151, %ne3A_154 : i1
      %sub3A_156 = arith.constant 1 : i32
      %sub3A_157 = arith.subi %div3A_136, %sub3A_156 : i32
      %select_n3A_158 = arith.select %and3A_155, %sub3A_157, %div3A_136 : i32
      %jit3A_159 = arith.constant 3 : i32
      %eq3A_160 = arith.constant 0 : i32
      %eq3A_161 = arith.cmpi eq, %jit3A_159, %eq3A_160 : i32
      %jit3A_162 = arith.constant 1 : i32
      %select_n3A_163 = arith.select %eq3A_161, %jit3A_162, %jit3A_159 : i32
      %rem3A_164 = arith.remsi %while3A_134, %select_n3A_163 : i32
      %ne3A_165 = arith.constant 0 : i32
      %ne3A_166 = arith.cmpi ne, %rem3A_164, %ne3A_165 : i32
      %lt3A = arith.constant 0 : i32
      %lt3A_167 = arith.cmpi slt, %rem3A_164, %lt3A : i32
      %lt3A_168 = arith.constant 0 : i32
      %lt3A_169 = arith.cmpi slt, %select_n3A_163, %lt3A_168 : i32
      %ne3A_170 = arith.xori %lt3A_167, %lt3A_169 : i1
      %and3A_171 = arith.andi %ne3A_170, %ne3A_166 : i1
      %add3A_172 = arith.addi %rem3A_164, %select_n3A_163 : i32
      %select_n3A_173 = arith.select %and3A_171, %add3A_172, %rem3A_164 : i32
      %mul3A_174 = arith.constant 2 : i32
      %mul3A_175 = arith.muli %mul3A_174, %while3A_134 : i32
      %eq3A_176 = arith.constant 0 : i32
      %eq3A_177 = arith.cmpi eq, %select_n3A_173, %eq3A_176 : i32
      %add3A_178 = arith.constant 1 : i32
      %add3A_179 = arith.addi %select_n3A_158, %add3A_178 : i32
      %lt3A_180 = arith.cmpi slt, %add3A_179, %select_n3A_19 : i32
      %and3A_181 = arith.andi %eq3A_177, %lt3A_180 : i1
      %convert_element_type3A = arith.extui %and3A_181 : i1 to i32
      %cond3A = arith.constant 0 : i32
      %cond3A_182 = arith.cmpi ne, %convert_element_type3A, %cond3A : i32
      scf.if %cond3A_182 {
        %add3A_455 = arith.constant 1 : i32
        %add3A_456 = arith.addi %select_n3A_158, %add3A_455 : i32
        %add3A_457 = arith.constant 1 : i32
        %add3A_458 = arith.addi %select_n3A_158, %add3A_457 : i32
        %jit3A_459 = arith.constant 2 : i32
        %eq3A_460 = arith.constant 0 : i32
        %eq3A_461 = arith.cmpi eq, %jit3A_459, %eq3A_460 : i32
        %jit3A_462 = arith.constant 1 : i32
        %select_n3A_463 = arith.select %eq3A_461, %jit3A_462, %jit3A_459 : i32
        %rem3A_464 = arith.remsi %add3A_458, %select_n3A_463 : i32
        %ne3A_465 = arith.constant 0 : i32
        %ne3A_466 = arith.cmpi ne, %rem3A_464, %ne3A_465 : i32
        %lt3A_467 = arith.constant 0 : i32
        %lt3A_468 = arith.cmpi slt, %rem3A_464, %lt3A_467 : i32
        %lt3A_469 = arith.constant 0 : i32
        %lt3A_470 = arith.cmpi slt, %select_n3A_463, %lt3A_469 : i32
        %ne3A_471 = arith.xori %lt3A_468, %lt3A_470 : i1
        %and3A_472 = arith.andi %ne3A_471, %ne3A_466 : i1
        %add3A_473 = arith.addi %rem3A_464, %select_n3A_463 : i32
        %select_n3A_474 = arith.select %and3A_472, %add3A_473, %rem3A_464 : i32
        %mul3A_475 = arith.constant 6 : i32
        %mul3A_476 = arith.muli %add3A_456, %mul3A_475 : i32
        %add3A_477 = arith.addi %select_n3A_26, %mul3A_476 : i32
        %dma_start3A_478 = arith.constant 0 : i32
        %dma_start3A_479 = arith.constant 0 : i32
        %dma_start3A_480 = tpu.memref_slice %arg9[%select_n3A_474, %dma_start3A_478, %dma_start3A_479] : memref<2x6x112xi32, #tpu.memory_space<vmem>> -> memref<1x6x112xi32, #tpu.memory_space<vmem>>
        %dma_start3A_481 = tpu.memref_squeeze %dma_start3A_480 : memref<1x6x112xi32, #tpu.memory_space<vmem>> -> memref<6x112xi32, #tpu.memory_space<vmem>>
        %dma_start3A_482 = arith.constant 0 : i32
        %dma_start3A_483 = tpu.memref_slice %arg2[%add3A_477, %dma_start3A_482] : memref<2880x112xi32, #tpu.memory_space<hbm>> -> memref<6x112xi32, #tpu.memory_space<hbm>>
        %dma_start3A_484 = arith.constant 0 : i32
        %dma_start3A_485 = arith.constant 0 : i32
        %dma_start3A_486 = tpu.memref_slice %arg9[%select_n3A_474, %dma_start3A_484, %dma_start3A_485] : memref<2x6x112xi32, #tpu.memory_space<vmem>> -> memref<1x6x112xi32, #tpu.memory_space<vmem>>
        %dma_start3A_487 = tpu.memref_squeeze %dma_start3A_486 : memref<1x6x112xi32, #tpu.memory_space<vmem>> -> memref<6x112xi32, #tpu.memory_space<vmem>>
        %dma_start3A_488 = arith.constant 0 : i32
        %dma_start3A_489 = tpu.memref_slice %arg2[%add3A_477, %dma_start3A_488] : memref<2880x112xi32, #tpu.memory_space<hbm>> -> memref<6x112xi32, #tpu.memory_space<hbm>>
        tpu.enqueue_dma source(%dma_start3A_489 : memref<6x112xi32, #tpu.memory_space<hbm>>) target(%dma_start3A_487 : memref<6x112xi32, #tpu.memory_space<vmem>>) target_semaphore(%arg16 : memref<!tpu.dma_semaphore, #tpu.memory_space<semaphore_mem>>)
        %mul3A_490 = arith.constant 6 : i32
        %mul3A_491 = arith.muli %add3A_456, %mul3A_490 : i32
        %add3A_492 = arith.addi %select_n3A_26, %mul3A_491 : i32
        %dma_start3A_493 = arith.constant 0 : i32
        %dma_start3A_494 = arith.constant 0 : i32
        %dma_start3A_495 = tpu.memref_slice %arg10[%select_n3A_474, %dma_start3A_493, %dma_start3A_494] : memref<2x6x112xi32, #tpu.memory_space<vmem>> -> memref<1x6x112xi32, #tpu.memory_space<vmem>>
        %dma_start3A_496 = tpu.memref_squeeze %dma_start3A_495 : memref<1x6x112xi32, #tpu.memory_space<vmem>> -> memref<6x112xi32, #tpu.memory_space<vmem>>
        %dma_start3A_497 = arith.constant 0 : i32
        %dma_start3A_498 = tpu.memref_slice %arg3[%add3A_492, %dma_start3A_497] : memref<2880x112xi32, #tpu.memory_space<hbm>> -> memref<6x112xi32, #tpu.memory_space<hbm>>
        %dma_start3A_499 = arith.constant 0 : i32
        %dma_start3A_500 = arith.constant 0 : i32
        %dma_start3A_501 = tpu.memref_slice %arg10[%select_n3A_474, %dma_start3A_499, %dma_start3A_500] : memref<2x6x112xi32, #tpu.memory_space<vmem>> -> memref<1x6x112xi32, #tpu.memory_space<vmem>>
        %dma_start3A_502 = tpu.memref_squeeze %dma_start3A_501 : memref<1x6x112xi32, #tpu.memory_space<vmem>> -> memref<6x112xi32, #tpu.memory_space<vmem>>
        %dma_start3A_503 = arith.constant 0 : i32
        %dma_start3A_504 = tpu.memref_slice %arg3[%add3A_492, %dma_start3A_503] : memref<2880x112xi32, #tpu.memory_space<hbm>> -> memref<6x112xi32, #tpu.memory_space<hbm>>
        tpu.enqueue_dma source(%dma_start3A_504 : memref<6x112xi32, #tpu.memory_space<hbm>>) target(%dma_start3A_502 : memref<6x112xi32, #tpu.memory_space<vmem>>) target_semaphore(%arg16 : memref<!tpu.dma_semaphore, #tpu.memory_space<semaphore_mem>>)
      } else {
      }
      %dma_wait3A_183 = arith.constant 0 : i32
      %dma_wait3A_184 = arith.constant 0 : i32
      %dma_wait3A_185 = arith.constant 0 : i32
      %dma_wait3A_186 = arith.constant 0 : i32
      %dma_wait3A_187 = arith.constant 0 : i32
      %dma_wait3A_188 = tpu.memref_slice %arg11[%dma_wait3A_185, %dma_wait3A_186, %dma_wait3A_187] : memref<2x112x128xf32, #tpu.memory_space<vmem>> -> memref<1x112x128xf32, #tpu.memory_space<vmem>>
      %dma_wait3A_189 = tpu.memref_squeeze %dma_wait3A_188 : memref<1x112x128xf32, #tpu.memory_space<vmem>> -> memref<112x128xf32, #tpu.memory_space<vmem>>
      %dma_wait3A_190 = arith.constant 0 : i32
      %dma_wait3A_191 = tpu.memref_slice %arg9[%dma_wait3A_183, %dma_wait3A_184, %dma_wait3A_190] : memref<2x6x112xi32, #tpu.memory_space<vmem>> -> memref<1x1x112xi32, #tpu.memory_space<vmem>>
      %dma_wait3A_192 = tpu.memref_squeeze %dma_wait3A_191 : memref<1x1x112xi32, #tpu.memory_space<vmem>> -> memref<112xi32, #tpu.memory_space<vmem>>
      %dma_wait3A_193 = arith.constant 0 : i32
      %dma_wait3A_194 = arith.constant 0 : i32
      %dma_wait3A_195 = tpu.memref_slice %arg4[%dma_wait3A_193, %dma_wait3A_194] : memref<30000x128xf32, #tpu.memory_space<hbm>> -> memref<30000x128xf32, #tpu.memory_space<hbm>>
      tpu.wait_indirect_dma semaphore(%arg15 : memref<!tpu.dma_semaphore, #tpu.memory_space<semaphore_mem>>) src(%dma_wait3A_195 : memref<30000x128xf32, #tpu.memory_space<hbm>>) dst(%dma_wait3A_189 : memref<112x128xf32, #tpu.memory_space<vmem>>)
      %add3A_196 = arith.constant 1 : i32
      %add3A_197 = arith.addi %mul3A_175, %add3A_196 : i32
      %jit3A_198 = arith.constant 6 : i32
      %div3A_199 = arith.divsi %add3A_197, %jit3A_198 : i32
      %sign3A_200 = arith.constant 0 : i32
      %sign3A_201 = arith.cmpi sgt, %add3A_197, %sign3A_200 : i32
      %sign3A_202 = arith.extui %sign3A_201 : i1 to i32
      %sign3A_203 = arith.constant 0 : i32
      %sign3A_204 = arith.cmpi slt, %add3A_197, %sign3A_203 : i32
      %sign3A_205 = arith.extui %sign3A_204 : i1 to i32
      %sign3A_206 = arith.subi %sign3A_202, %sign3A_205 : i32
      %sign3A_207 = arith.constant 0 : i32
      %sign3A_208 = arith.cmpi sgt, %jit3A_198, %sign3A_207 : i32
      %sign3A_209 = arith.extui %sign3A_208 : i1 to i32
      %sign3A_210 = arith.constant 0 : i32
      %sign3A_211 = arith.cmpi slt, %jit3A_198, %sign3A_210 : i32
      %sign3A_212 = arith.extui %sign3A_211 : i1 to i32
      %sign3A_213 = arith.subi %sign3A_209, %sign3A_212 : i32
      %ne3A_214 = arith.cmpi ne, %sign3A_206, %sign3A_213 : i32
      %rem3A_215 = arith.remsi %add3A_197, %jit3A_198 : i32
      %ne3A_216 = arith.constant 0 : i32
      %ne3A_217 = arith.cmpi ne, %rem3A_215, %ne3A_216 : i32
      %and3A_218 = arith.andi %ne3A_214, %ne3A_217 : i1
      %sub3A_219 = arith.constant 1 : i32
      %sub3A_220 = arith.subi %div3A_199, %sub3A_219 : i32
      %select_n3A_221 = arith.select %and3A_218, %sub3A_220, %div3A_199 : i32
      %jit3A_222 = arith.constant 2 : i32
      %eq3A_223 = arith.constant 0 : i32
      %eq3A_224 = arith.cmpi eq, %jit3A_222, %eq3A_223 : i32
      %jit3A_225 = arith.constant 1 : i32
      %select_n3A_226 = arith.select %eq3A_224, %jit3A_225, %jit3A_222 : i32
      %rem3A_227 = arith.remsi %select_n3A_221, %select_n3A_226 : i32
      %ne3A_228 = arith.constant 0 : i32
      %ne3A_229 = arith.cmpi ne, %rem3A_227, %ne3A_228 : i32
      %lt3A_230 = arith.constant 0 : i32
      %lt3A_231 = arith.cmpi slt, %rem3A_227, %lt3A_230 : i32
      %lt3A_232 = arith.constant 0 : i32
      %lt3A_233 = arith.cmpi slt, %select_n3A_226, %lt3A_232 : i32
      %ne3A_234 = arith.xori %lt3A_231, %lt3A_233 : i1
      %and3A_235 = arith.andi %ne3A_234, %ne3A_229 : i1
      %add3A_236 = arith.addi %rem3A_227, %select_n3A_226 : i32
      %select_n3A_237 = arith.select %and3A_235, %add3A_236, %rem3A_227 : i32
      %jit3A_238 = arith.constant 6 : i32
      %eq3A_239 = arith.constant 0 : i32
      %eq3A_240 = arith.cmpi eq, %jit3A_238, %eq3A_239 : i32
      %jit3A_241 = arith.constant 1 : i32
      %select_n3A_242 = arith.select %eq3A_240, %jit3A_241, %jit3A_238 : i32
      %rem3A_243 = arith.remsi %add3A_197, %select_n3A_242 : i32
      %ne3A_244 = arith.constant 0 : i32
      %ne3A_245 = arith.cmpi ne, %rem3A_243, %ne3A_244 : i32
      %lt3A_246 = arith.constant 0 : i32
      %lt3A_247 = arith.cmpi slt, %rem3A_243, %lt3A_246 : i32
      %lt3A_248 = arith.constant 0 : i32
      %lt3A_249 = arith.cmpi slt, %select_n3A_242, %lt3A_248 : i32
      %ne3A_250 = arith.xori %lt3A_247, %lt3A_249 : i1
      %and3A_251 = arith.andi %ne3A_250, %ne3A_245 : i1
      %add3A_252 = arith.addi %rem3A_243, %select_n3A_242 : i32
      %select_n3A_253 = arith.select %and3A_251, %add3A_252, %rem3A_243 : i32
      %dma_start3A_254 = arith.constant 1 : i32
      %dma_start3A_255 = arith.constant 0 : i32
      %dma_start3A_256 = arith.constant 0 : i32
      %dma_start3A_257 = tpu.memref_slice %arg11[%dma_start3A_254, %dma_start3A_255, %dma_start3A_256] : memref<2x112x128xf32, #tpu.memory_space<vmem>> -> memref<1x112x128xf32, #tpu.memory_space<vmem>>
      %dma_start3A_258 = tpu.memref_squeeze %dma_start3A_257 : memref<1x112x128xf32, #tpu.memory_space<vmem>> -> memref<112x128xf32, #tpu.memory_space<vmem>>
      %dma_start3A_259 = arith.constant 0 : i32
      %dma_start3A_260 = tpu.memref_slice %arg9[%select_n3A_237, %select_n3A_253, %dma_start3A_259] : memref<2x6x112xi32, #tpu.memory_space<vmem>> -> memref<1x1x112xi32, #tpu.memory_space<vmem>>
      %dma_start3A_261 = tpu.memref_squeeze %dma_start3A_260 : memref<1x1x112xi32, #tpu.memory_space<vmem>> -> memref<112xi32, #tpu.memory_space<vmem>>
      %dma_start3A_262 = arith.constant 0 : i32
      %dma_start3A_263 = arith.constant 0 : i32
      %dma_start3A_264 = tpu.memref_slice %arg4[%dma_start3A_262, %dma_start3A_263] : memref<30000x128xf32, #tpu.memory_space<hbm>> -> memref<30000x128xf32, #tpu.memory_space<hbm>>
      tpu.enqueue_indirect_dma source(%dma_start3A_264 : memref<30000x128xf32, #tpu.memory_space<hbm>>) target(%dma_start3A_258 : memref<112x128xf32, #tpu.memory_space<vmem>>) offsets(%dma_start3A_261 : memref<112xi32, #tpu.memory_space<vmem>>) semaphore(%arg15 : memref<!tpu.dma_semaphore, #tpu.memory_space<semaphore_mem>>)
      %jit3A_265 = arith.constant 6 : i32
      %div3A_266 = arith.divsi %mul3A_175, %jit3A_265 : i32
      %sign3A_267 = arith.constant 0 : i32
      %sign3A_268 = arith.cmpi sgt, %mul3A_175, %sign3A_267 : i32
      %sign3A_269 = arith.extui %sign3A_268 : i1 to i32
      %sign3A_270 = arith.constant 0 : i32
      %sign3A_271 = arith.cmpi slt, %mul3A_175, %sign3A_270 : i32
      %sign3A_272 = arith.extui %sign3A_271 : i1 to i32
      %sign3A_273 = arith.subi %sign3A_269, %sign3A_272 : i32
      %sign3A_274 = arith.constant 0 : i32
      %sign3A_275 = arith.cmpi sgt, %jit3A_265, %sign3A_274 : i32
      %sign3A_276 = arith.extui %sign3A_275 : i1 to i32
      %sign3A_277 = arith.constant 0 : i32
      %sign3A_278 = arith.cmpi slt, %jit3A_265, %sign3A_277 : i32
      %sign3A_279 = arith.extui %sign3A_278 : i1 to i32
      %sign3A_280 = arith.subi %sign3A_276, %sign3A_279 : i32
      %ne3A_281 = arith.cmpi ne, %sign3A_273, %sign3A_280 : i32
      %rem3A_282 = arith.remsi %mul3A_175, %jit3A_265 : i32
      %ne3A_283 = arith.constant 0 : i32
      %ne3A_284 = arith.cmpi ne, %rem3A_282, %ne3A_283 : i32
      %and3A_285 = arith.andi %ne3A_281, %ne3A_284 : i1
      %sub3A_286 = arith.constant 1 : i32
      %sub3A_287 = arith.subi %div3A_266, %sub3A_286 : i32
      %select_n3A_288 = arith.select %and3A_285, %sub3A_287, %div3A_266 : i32
      %jit3A_289 = arith.constant 2 : i32
      %eq3A_290 = arith.constant 0 : i32
      %eq3A_291 = arith.cmpi eq, %jit3A_289, %eq3A_290 : i32
      %jit3A_292 = arith.constant 1 : i32
      %select_n3A_293 = arith.select %eq3A_291, %jit3A_292, %jit3A_289 : i32
      %rem3A_294 = arith.remsi %select_n3A_288, %select_n3A_293 : i32
      %ne3A_295 = arith.constant 0 : i32
      %ne3A_296 = arith.cmpi ne, %rem3A_294, %ne3A_295 : i32
      %lt3A_297 = arith.constant 0 : i32
      %lt3A_298 = arith.cmpi slt, %rem3A_294, %lt3A_297 : i32
      %lt3A_299 = arith.constant 0 : i32
      %lt3A_300 = arith.cmpi slt, %select_n3A_293, %lt3A_299 : i32
      %ne3A_301 = arith.xori %lt3A_298, %lt3A_300 : i1
      %and3A_302 = arith.andi %ne3A_301, %ne3A_296 : i1
      %add3A_303 = arith.addi %rem3A_294, %select_n3A_293 : i32
      %select_n3A_304 = arith.select %and3A_302, %add3A_303, %rem3A_294 : i32
      %jit3A_305 = arith.constant 6 : i32
      %eq3A_306 = arith.constant 0 : i32
      %eq3A_307 = arith.cmpi eq, %jit3A_305, %eq3A_306 : i32
      %jit3A_308 = arith.constant 1 : i32
      %select_n3A_309 = arith.select %eq3A_307, %jit3A_308, %jit3A_305 : i32
      %rem3A_310 = arith.remsi %mul3A_175, %select_n3A_309 : i32
      %ne3A_311 = arith.constant 0 : i32
      %ne3A_312 = arith.cmpi ne, %rem3A_310, %ne3A_311 : i32
      %lt3A_313 = arith.constant 0 : i32
      %lt3A_314 = arith.cmpi slt, %rem3A_310, %lt3A_313 : i32
      %lt3A_315 = arith.constant 0 : i32
      %lt3A_316 = arith.cmpi slt, %select_n3A_309, %lt3A_315 : i32
      %ne3A_317 = arith.xori %lt3A_314, %lt3A_316 : i1
      %and3A_318 = arith.andi %ne3A_317, %ne3A_312 : i1
      %add3A_319 = arith.addi %rem3A_310, %select_n3A_309 : i32
      %select_n3A_320 = arith.select %and3A_318, %add3A_319, %rem3A_310 : i32
      %dma_start3A_321 = arith.constant 0 : i32
      %dma_start3A_322 = arith.constant 0 : i32
      %dma_start3A_323 = arith.constant 0 : i32
      %dma_start3A_324 = tpu.memref_slice %arg11[%dma_start3A_321, %dma_start3A_322, %dma_start3A_323] : memref<2x112x128xf32, #tpu.memory_space<vmem>> -> memref<1x112x128xf32, #tpu.memory_space<vmem>>
      %dma_start3A_325 = tpu.memref_squeeze %dma_start3A_324 : memref<1x112x128xf32, #tpu.memory_space<vmem>> -> memref<112x128xf32, #tpu.memory_space<vmem>>
      %dma_start3A_326 = arith.constant 0 : i32
      %dma_start3A_327 = tpu.memref_slice %arg10[%select_n3A_304, %select_n3A_320, %dma_start3A_326] : memref<2x6x112xi32, #tpu.memory_space<vmem>> -> memref<1x1x112xi32, #tpu.memory_space<vmem>>
      %dma_start3A_328 = tpu.memref_squeeze %dma_start3A_327 : memref<1x1x112xi32, #tpu.memory_space<vmem>> -> memref<112xi32, #tpu.memory_space<vmem>>
      %dma_start3A_329 = arith.constant 0 : i32
      %dma_start3A_330 = arith.constant 0 : i32
      %dma_start3A_331 = tpu.memref_slice %arg13[%dma_start3A_329, %dma_start3A_330] : memref<10112x128xf32, #tpu.memory_space<vmem_shared>> -> memref<10112x128xf32, #tpu.memory_space<vmem_shared>>
      tpu.enqueue_indirect_dma source(%dma_start3A_325 : memref<112x128xf32, #tpu.memory_space<vmem>>) target(%dma_start3A_331 : memref<10112x128xf32, #tpu.memory_space<vmem_shared>>) offsets(%dma_start3A_328 : memref<112xi32, #tpu.memory_space<vmem>>) semaphore(%arg17 : memref<!tpu.dma_semaphore, #tpu.memory_space<semaphore_mem>>) {add = true}
      %eq3A_332 = arith.constant 2 : i32
      %eq3A_333 = arith.cmpi eq, %select_n3A_173, %eq3A_332 : i32
      %add3A_334 = arith.constant 1 : i32
      %add3A_335 = arith.addi %select_n3A_158, %add3A_334 : i32
      %lt3A_336 = arith.cmpi slt, %add3A_335, %select_n3A_19 : i32
      %and3A_337 = arith.andi %eq3A_333, %lt3A_336 : i1
      %convert_element_type3A_338 = arith.extui %and3A_337 : i1 to i32
      %cond3A_339 = arith.constant 0 : i32
      %cond3A_340 = arith.cmpi ne, %convert_element_type3A_338, %cond3A_339 : i32
      scf.if %cond3A_340 {
        %dma_wait3A_455 = arith.constant 0 : i32
        %dma_wait3A_456 = arith.constant 0 : i32
        %dma_wait3A_457 = arith.constant 0 : i32
        %dma_wait3A_458 = tpu.memref_slice %arg9[%dma_wait3A_455, %dma_wait3A_456, %dma_wait3A_457] : memref<2x6x112xi32, #tpu.memory_space<vmem>> -> memref<1x6x112xi32, #tpu.memory_space<vmem>>
        %dma_wait3A_459 = tpu.memref_squeeze %dma_wait3A_458 : memref<1x6x112xi32, #tpu.memory_space<vmem>> -> memref<6x112xi32, #tpu.memory_space<vmem>>
        %dma_wait3A_460 = arith.constant 0 : i32
        %dma_wait3A_461 = arith.constant 0 : i32
        %dma_wait3A_462 = tpu.memref_slice %arg2[%dma_wait3A_460, %dma_wait3A_461] : memref<2880x112xi32, #tpu.memory_space<hbm>> -> memref<6x112xi32, #tpu.memory_space<hbm>>
        %dma_wait3A_463 = arith.constant 0 : i32
        %dma_wait3A_464 = arith.constant 0 : i32
        %dma_wait3A_465 = tpu.memref_slice %arg9[%dma_wait3A_455, %dma_wait3A_463, %dma_wait3A_464] : memref<2x6x112xi32, #tpu.memory_space<vmem>> -> memref<1x6x112xi32, #tpu.memory_space<vmem>>
        %dma_wait3A_466 = tpu.memref_squeeze %dma_wait3A_465 : memref<1x6x112xi32, #tpu.memory_space<vmem>> -> memref<6x112xi32, #tpu.memory_space<vmem>>
        %dma_wait3A_467 = arith.constant 0 : i32
        %dma_wait3A_468 = arith.constant 0 : i32
        %dma_wait3A_469 = tpu.memref_slice %arg2[%dma_wait3A_467, %dma_wait3A_468] : memref<2880x112xi32, #tpu.memory_space<hbm>> -> memref<6x112xi32, #tpu.memory_space<hbm>>
        tpu.wait_dma2 semaphore(%arg16 : memref<!tpu.dma_semaphore, #tpu.memory_space<semaphore_mem>>) src(%dma_wait3A_469 : memref<6x112xi32, #tpu.memory_space<hbm>>) dst(%dma_wait3A_466 : memref<6x112xi32, #tpu.memory_space<vmem>>)
        %dma_wait3A_470 = arith.constant 0 : i32
        %dma_wait3A_471 = arith.constant 0 : i32
        %dma_wait3A_472 = arith.constant 0 : i32
        %dma_wait3A_473 = tpu.memref_slice %arg10[%dma_wait3A_470, %dma_wait3A_471, %dma_wait3A_472] : memref<2x6x112xi32, #tpu.memory_space<vmem>> -> memref<1x6x112xi32, #tpu.memory_space<vmem>>
        %dma_wait3A_474 = tpu.memref_squeeze %dma_wait3A_473 : memref<1x6x112xi32, #tpu.memory_space<vmem>> -> memref<6x112xi32, #tpu.memory_space<vmem>>
        %dma_wait3A_475 = arith.constant 0 : i32
        %dma_wait3A_476 = arith.constant 0 : i32
        %dma_wait3A_477 = tpu.memref_slice %arg3[%dma_wait3A_475, %dma_wait3A_476] : memref<2880x112xi32, #tpu.memory_space<hbm>> -> memref<6x112xi32, #tpu.memory_space<hbm>>
        %dma_wait3A_478 = arith.constant 0 : i32
        %dma_wait3A_479 = arith.constant 0 : i32
        %dma_wait3A_480 = tpu.memref_slice %arg10[%dma_wait3A_470, %dma_wait3A_478, %dma_wait3A_479] : memref<2x6x112xi32, #tpu.memory_space<vmem>> -> memref<1x6x112xi32, #tpu.memory_space<vmem>>
        %dma_wait3A_481 = tpu.memref_squeeze %dma_wait3A_480 : memref<1x6x112xi32, #tpu.memory_space<vmem>> -> memref<6x112xi32, #tpu.memory_space<vmem>>
        %dma_wait3A_482 = arith.constant 0 : i32
        %dma_wait3A_483 = arith.constant 0 : i32
        %dma_wait3A_484 = tpu.memref_slice %arg3[%dma_wait3A_482, %dma_wait3A_483] : memref<2880x112xi32, #tpu.memory_space<hbm>> -> memref<6x112xi32, #tpu.memory_space<hbm>>
        tpu.wait_dma2 semaphore(%arg16 : memref<!tpu.dma_semaphore, #tpu.memory_space<semaphore_mem>>) src(%dma_wait3A_484 : memref<6x112xi32, #tpu.memory_space<hbm>>) dst(%dma_wait3A_481 : memref<6x112xi32, #tpu.memory_space<vmem>>)
      } else {
      }
      %dma_wait3A_341 = arith.constant 0 : i32
      %dma_wait3A_342 = arith.constant 0 : i32
      %dma_wait3A_343 = arith.constant 1 : i32
      %dma_wait3A_344 = arith.constant 0 : i32
      %dma_wait3A_345 = arith.constant 0 : i32
      %dma_wait3A_346 = tpu.memref_slice %arg11[%dma_wait3A_343, %dma_wait3A_344, %dma_wait3A_345] : memref<2x112x128xf32, #tpu.memory_space<vmem>> -> memref<1x112x128xf32, #tpu.memory_space<vmem>>
      %dma_wait3A_347 = tpu.memref_squeeze %dma_wait3A_346 : memref<1x112x128xf32, #tpu.memory_space<vmem>> -> memref<112x128xf32, #tpu.memory_space<vmem>>
      %dma_wait3A_348 = arith.constant 0 : i32
      %dma_wait3A_349 = tpu.memref_slice %arg9[%dma_wait3A_341, %dma_wait3A_342, %dma_wait3A_348] : memref<2x6x112xi32, #tpu.memory_space<vmem>> -> memref<1x1x112xi32, #tpu.memory_space<vmem>>
      %dma_wait3A_350 = tpu.memref_squeeze %dma_wait3A_349 : memref<1x1x112xi32, #tpu.memory_space<vmem>> -> memref<112xi32, #tpu.memory_space<vmem>>
      %dma_wait3A_351 = arith.constant 0 : i32
      %dma_wait3A_352 = arith.constant 0 : i32
      %dma_wait3A_353 = tpu.memref_slice %arg4[%dma_wait3A_351, %dma_wait3A_352] : memref<30000x128xf32, #tpu.memory_space<hbm>> -> memref<30000x128xf32, #tpu.memory_space<hbm>>
      tpu.wait_indirect_dma semaphore(%arg15 : memref<!tpu.dma_semaphore, #tpu.memory_space<semaphore_mem>>) src(%dma_wait3A_353 : memref<30000x128xf32, #tpu.memory_space<hbm>>) dst(%dma_wait3A_347 : memref<112x128xf32, #tpu.memory_space<vmem>>)
      %dma_wait3A_354 = arith.constant 0 : i32
      %dma_wait3A_355 = arith.constant 0 : i32
      %dma_wait3A_356 = arith.constant 0 : i32
      %dma_wait3A_357 = arith.constant 0 : i32
      %dma_wait3A_358 = arith.constant 0 : i32
      %dma_wait3A_359 = tpu.memref_slice %arg11[%dma_wait3A_354, %dma_wait3A_357, %dma_wait3A_358] : memref<2x112x128xf32, #tpu.memory_space<vmem>> -> memref<1x112x128xf32, #tpu.memory_space<vmem>>
      %dma_wait3A_360 = tpu.memref_squeeze %dma_wait3A_359 : memref<1x112x128xf32, #tpu.memory_space<vmem>> -> memref<112x128xf32, #tpu.memory_space<vmem>>
      %dma_wait3A_361 = arith.constant 0 : i32
      %dma_wait3A_362 = tpu.memref_slice %arg10[%dma_wait3A_355, %dma_wait3A_356, %dma_wait3A_361] : memref<2x6x112xi32, #tpu.memory_space<vmem>> -> memref<1x1x112xi32, #tpu.memory_space<vmem>>
      %dma_wait3A_363 = tpu.memref_squeeze %dma_wait3A_362 : memref<1x1x112xi32, #tpu.memory_space<vmem>> -> memref<112xi32, #tpu.memory_space<vmem>>
      %dma_wait3A_364 = arith.constant 0 : i32
      %dma_wait3A_365 = arith.constant 0 : i32
      %dma_wait3A_366 = tpu.memref_slice %arg13[%dma_wait3A_364, %dma_wait3A_365] : memref<10112x128xf32, #tpu.memory_space<vmem_shared>> -> memref<10112x128xf32, #tpu.memory_space<vmem_shared>>
      tpu.wait_indirect_dma semaphore(%arg17 : memref<!tpu.dma_semaphore, #tpu.memory_space<semaphore_mem>>) src(%dma_wait3A_360 : memref<112x128xf32, #tpu.memory_space<vmem>>) dst(%dma_wait3A_366 : memref<10112x128xf32, #tpu.memory_space<vmem_shared>>)
      %add3A_367 = arith.constant 2 : i32
      %add3A_368 = arith.addi %mul3A_175, %add3A_367 : i32
      %lt3A_369 = arith.cmpi slt, %add3A_368, %select_n3A_2 : i32
      %convert_element_type3A_370 = arith.extui %lt3A_369 : i1 to i32
      %cond3A_371 = arith.constant 0 : i32
      %cond3A_372 = arith.cmpi ne, %convert_element_type3A_370, %cond3A_371 : i32
      scf.if %cond3A_372 {
        %add3A_455 = arith.constant 2 : i32
        %add3A_456 = arith.addi %mul3A_175, %add3A_455 : i32
        %jit3A_457 = arith.constant 6 : i32
        %div3A_458 = arith.divsi %add3A_456, %jit3A_457 : i32
        %sign3A_459 = arith.constant 0 : i32
        %sign3A_460 = arith.cmpi sgt, %add3A_456, %sign3A_459 : i32
        %sign3A_461 = arith.extui %sign3A_460 : i1 to i32
        %sign3A_462 = arith.constant 0 : i32
        %sign3A_463 = arith.cmpi slt, %add3A_456, %sign3A_462 : i32
        %sign3A_464 = arith.extui %sign3A_463 : i1 to i32
        %sign3A_465 = arith.subi %sign3A_461, %sign3A_464 : i32
        %sign3A_466 = arith.constant 0 : i32
        %sign3A_467 = arith.cmpi sgt, %jit3A_457, %sign3A_466 : i32
        %sign3A_468 = arith.extui %sign3A_467 : i1 to i32
        %sign3A_469 = arith.constant 0 : i32
        %sign3A_470 = arith.cmpi slt, %jit3A_457, %sign3A_469 : i32
        %sign3A_471 = arith.extui %sign3A_470 : i1 to i32
        %sign3A_472 = arith.subi %sign3A_468, %sign3A_471 : i32
        %ne3A_473 = arith.cmpi ne, %sign3A_465, %sign3A_472 : i32
        %rem3A_474 = arith.remsi %add3A_456, %jit3A_457 : i32
        %ne3A_475 = arith.constant 0 : i32
        %ne3A_476 = arith.cmpi ne, %rem3A_474, %ne3A_475 : i32
        %and3A_477 = arith.andi %ne3A_473, %ne3A_476 : i1
        %sub3A_478 = arith.constant 1 : i32
        %sub3A_479 = arith.subi %div3A_458, %sub3A_478 : i32
        %select_n3A_480 = arith.select %and3A_477, %sub3A_479, %div3A_458 : i32
        %jit3A_481 = arith.constant 2 : i32
        %eq3A_482 = arith.constant 0 : i32
        %eq3A_483 = arith.cmpi eq, %jit3A_481, %eq3A_482 : i32
        %jit3A_484 = arith.constant 1 : i32
        %select_n3A_485 = arith.select %eq3A_483, %jit3A_484, %jit3A_481 : i32
        %rem3A_486 = arith.remsi %select_n3A_480, %select_n3A_485 : i32
        %ne3A_487 = arith.constant 0 : i32
        %ne3A_488 = arith.cmpi ne, %rem3A_486, %ne3A_487 : i32
        %lt3A_489 = arith.constant 0 : i32
        %lt3A_490 = arith.cmpi slt, %rem3A_486, %lt3A_489 : i32
        %lt3A_491 = arith.constant 0 : i32
        %lt3A_492 = arith.cmpi slt, %select_n3A_485, %lt3A_491 : i32
        %ne3A_493 = arith.xori %lt3A_490, %lt3A_492 : i1
        %and3A_494 = arith.andi %ne3A_493, %ne3A_488 : i1
        %add3A_495 = arith.addi %rem3A_486, %select_n3A_485 : i32
        %select_n3A_496 = arith.select %and3A_494, %add3A_495, %rem3A_486 : i32
        %jit3A_497 = arith.constant 6 : i32
        %eq3A_498 = arith.constant 0 : i32
        %eq3A_499 = arith.cmpi eq, %jit3A_497, %eq3A_498 : i32
        %jit3A_500 = arith.constant 1 : i32
        %select_n3A_501 = arith.select %eq3A_499, %jit3A_500, %jit3A_497 : i32
        %rem3A_502 = arith.remsi %add3A_456, %select_n3A_501 : i32
        %ne3A_503 = arith.constant 0 : i32
        %ne3A_504 = arith.cmpi ne, %rem3A_502, %ne3A_503 : i32
        %lt3A_505 = arith.constant 0 : i32
        %lt3A_506 = arith.cmpi slt, %rem3A_502, %lt3A_505 : i32
        %lt3A_507 = arith.constant 0 : i32
        %lt3A_508 = arith.cmpi slt, %select_n3A_501, %lt3A_507 : i32
        %ne3A_509 = arith.xori %lt3A_506, %lt3A_508 : i1
        %and3A_510 = arith.andi %ne3A_509, %ne3A_504 : i1
        %add3A_511 = arith.addi %rem3A_502, %select_n3A_501 : i32
        %select_n3A_512 = arith.select %and3A_510, %add3A_511, %rem3A_502 : i32
        %dma_start3A_513 = arith.constant 0 : i32
        %dma_start3A_514 = arith.constant 0 : i32
        %dma_start3A_515 = arith.constant 0 : i32
        %dma_start3A_516 = tpu.memref_slice %arg11[%dma_start3A_513, %dma_start3A_514, %dma_start3A_515] : memref<2x112x128xf32, #tpu.memory_space<vmem>> -> memref<1x112x128xf32, #tpu.memory_space<vmem>>
        %dma_start3A_517 = tpu.memref_squeeze %dma_start3A_516 : memref<1x112x128xf32, #tpu.memory_space<vmem>> -> memref<112x128xf32, #tpu.memory_space<vmem>>
        %dma_start3A_518 = arith.constant 0 : i32
        %dma_start3A_519 = tpu.memref_slice %arg9[%select_n3A_496, %select_n3A_512, %dma_start3A_518] : memref<2x6x112xi32, #tpu.memory_space<vmem>> -> memref<1x1x112xi32, #tpu.memory_space<vmem>>
        %dma_start3A_520 = tpu.memref_squeeze %dma_start3A_519 : memref<1x1x112xi32, #tpu.memory_space<vmem>> -> memref<112xi32, #tpu.memory_space<vmem>>
        %dma_start3A_521 = arith.constant 0 : i32
        %dma_start3A_522 = arith.constant 0 : i32
        %dma_start3A_523 = tpu.memref_slice %arg4[%dma_start3A_521, %dma_start3A_522] : memref<30000x128xf32, #tpu.memory_space<hbm>> -> memref<30000x128xf32, #tpu.memory_space<hbm>>
        tpu.enqueue_indirect_dma source(%dma_start3A_523 : memref<30000x128xf32, #tpu.memory_space<hbm>>) target(%dma_start3A_517 : memref<112x128xf32, #tpu.memory_space<vmem>>) offsets(%dma_start3A_520 : memref<112xi32, #tpu.memory_space<vmem>>) semaphore(%arg15 : memref<!tpu.dma_semaphore, #tpu.memory_space<semaphore_mem>>)
      } else {
      }
      %add3A_373 = arith.constant 1 : i32
      %add3A_374 = arith.addi %mul3A_175, %add3A_373 : i32
      %jit3A_375 = arith.constant 6 : i32
      %div3A_376 = arith.divsi %add3A_374, %jit3A_375 : i32
      %sign3A_377 = arith.constant 0 : i32
      %sign3A_378 = arith.cmpi sgt, %add3A_374, %sign3A_377 : i32
      %sign3A_379 = arith.extui %sign3A_378 : i1 to i32
      %sign3A_380 = arith.constant 0 : i32
      %sign3A_381 = arith.cmpi slt, %add3A_374, %sign3A_380 : i32
      %sign3A_382 = arith.extui %sign3A_381 : i1 to i32
      %sign3A_383 = arith.subi %sign3A_379, %sign3A_382 : i32
      %sign3A_384 = arith.constant 0 : i32
      %sign3A_385 = arith.cmpi sgt, %jit3A_375, %sign3A_384 : i32
      %sign3A_386 = arith.extui %sign3A_385 : i1 to i32
      %sign3A_387 = arith.constant 0 : i32
      %sign3A_388 = arith.cmpi slt, %jit3A_375, %sign3A_387 : i32
      %sign3A_389 = arith.extui %sign3A_388 : i1 to i32
      %sign3A_390 = arith.subi %sign3A_386, %sign3A_389 : i32
      %ne3A_391 = arith.cmpi ne, %sign3A_383, %sign3A_390 : i32
      %rem3A_392 = arith.remsi %add3A_374, %jit3A_375 : i32
      %ne3A_393 = arith.constant 0 : i32
      %ne3A_394 = arith.cmpi ne, %rem3A_392, %ne3A_393 : i32
      %and3A_395 = arith.andi %ne3A_391, %ne3A_394 : i1
      %sub3A_396 = arith.constant 1 : i32
      %sub3A_397 = arith.subi %div3A_376, %sub3A_396 : i32
      %select_n3A_398 = arith.select %and3A_395, %sub3A_397, %div3A_376 : i32
      %jit3A_399 = arith.constant 2 : i32
      %eq3A_400 = arith.constant 0 : i32
      %eq3A_401 = arith.cmpi eq, %jit3A_399, %eq3A_400 : i32
      %jit3A_402 = arith.constant 1 : i32
      %select_n3A_403 = arith.select %eq3A_401, %jit3A_402, %jit3A_399 : i32
      %rem3A_404 = arith.remsi %select_n3A_398, %select_n3A_403 : i32
      %ne3A_405 = arith.constant 0 : i32
      %ne3A_406 = arith.cmpi ne, %rem3A_404, %ne3A_405 : i32
      %lt3A_407 = arith.constant 0 : i32
      %lt3A_408 = arith.cmpi slt, %rem3A_404, %lt3A_407 : i32
      %lt3A_409 = arith.constant 0 : i32
      %lt3A_410 = arith.cmpi slt, %select_n3A_403, %lt3A_409 : i32
      %ne3A_411 = arith.xori %lt3A_408, %lt3A_410 : i1
      %and3A_412 = arith.andi %ne3A_411, %ne3A_406 : i1
      %add3A_413 = arith.addi %rem3A_404, %select_n3A_403 : i32
      %select_n3A_414 = arith.select %and3A_412, %add3A_413, %rem3A_404 : i32
      %jit3A_415 = arith.constant 6 : i32
      %eq3A_416 = arith.constant 0 : i32
      %eq3A_417 = arith.cmpi eq, %jit3A_415, %eq3A_416 : i32
      %jit3A_418 = arith.constant 1 : i32
      %select_n3A_419 = arith.select %eq3A_417, %jit3A_418, %jit3A_415 : i32
      %rem3A_420 = arith.remsi %add3A_374, %select_n3A_419 : i32
      %ne3A_421 = arith.constant 0 : i32
      %ne3A_422 = arith.cmpi ne, %rem3A_420, %ne3A_421 : i32
      %lt3A_423 = arith.constant 0 : i32
      %lt3A_424 = arith.cmpi slt, %rem3A_420, %lt3A_423 : i32
      %lt3A_425 = arith.constant 0 : i32
      %lt3A_426 = arith.cmpi slt, %select_n3A_419, %lt3A_425 : i32
      %ne3A_427 = arith.xori %lt3A_424, %lt3A_426 : i1
      %and3A_428 = arith.andi %ne3A_427, %ne3A_422 : i1
      %add3A_429 = arith.addi %rem3A_420, %select_n3A_419 : i32
      %select_n3A_430 = arith.select %and3A_428, %add3A_429, %rem3A_420 : i32
      %dma_start3A_431 = arith.constant 1 : i32
      %dma_start3A_432 = arith.constant 0 : i32
      %dma_start3A_433 = arith.constant 0 : i32
      %dma_start3A_434 = tpu.memref_slice %arg11[%dma_start3A_431, %dma_start3A_432, %dma_start3A_433] : memref<2x112x128xf32, #tpu.memory_space<vmem>> -> memref<1x112x128xf32, #tpu.memory_space<vmem>>
      %dma_start3A_435 = tpu.memref_squeeze %dma_start3A_434 : memref<1x112x128xf32, #tpu.memory_space<vmem>> -> memref<112x128xf32, #tpu.memory_space<vmem>>
      %dma_start3A_436 = arith.constant 0 : i32
      %dma_start3A_437 = tpu.memref_slice %arg10[%select_n3A_414, %select_n3A_430, %dma_start3A_436] : memref<2x6x112xi32, #tpu.memory_space<vmem>> -> memref<1x1x112xi32, #tpu.memory_space<vmem>>
      %dma_start3A_438 = tpu.memref_squeeze %dma_start3A_437 : memref<1x1x112xi32, #tpu.memory_space<vmem>> -> memref<112xi32, #tpu.memory_space<vmem>>
      %dma_start3A_439 = arith.constant 0 : i32
      %dma_start3A_440 = arith.constant 0 : i32
      %dma_start3A_441 = tpu.memref_slice %arg13[%dma_start3A_439, %dma_start3A_440] : memref<10112x128xf32, #tpu.memory_space<vmem_shared>> -> memref<10112x128xf32, #tpu.memory_space<vmem_shared>>
      tpu.enqueue_indirect_dma source(%dma_start3A_435 : memref<112x128xf32, #tpu.memory_space<vmem>>) target(%dma_start3A_441 : memref<10112x128xf32, #tpu.memory_space<vmem_shared>>) offsets(%dma_start3A_438 : memref<112xi32, #tpu.memory_space<vmem>>) semaphore(%arg17 : memref<!tpu.dma_semaphore, #tpu.memory_space<semaphore_mem>>) {add = true}
      %dma_wait3A_442 = arith.constant 0 : i32
      %dma_wait3A_443 = arith.constant 0 : i32
      %dma_wait3A_444 = arith.constant 0 : i32
      %dma_wait3A_445 = arith.constant 0 : i32
      %dma_wait3A_446 = arith.constant 0 : i32
      %dma_wait3A_447 = tpu.memref_slice %arg11[%dma_wait3A_442, %dma_wait3A_445, %dma_wait3A_446] : memref<2x112x128xf32, #tpu.memory_space<vmem>> -> memref<1x112x128xf32, #tpu.memory_space<vmem>>
      %dma_wait3A_448 = tpu.memref_squeeze %dma_wait3A_447 : memref<1x112x128xf32, #tpu.memory_space<vmem>> -> memref<112x128xf32, #tpu.memory_space<vmem>>
      %dma_wait3A_449 = arith.constant 0 : i32
      %dma_wait3A_450 = tpu.memref_slice %arg10[%dma_wait3A_443, %dma_wait3A_444, %dma_wait3A_449] : memref<2x6x112xi32, #tpu.memory_space<vmem>> -> memref<1x1x112xi32, #tpu.memory_space<vmem>>
      %dma_wait3A_451 = tpu.memref_squeeze %dma_wait3A_450 : memref<1x1x112xi32, #tpu.memory_space<vmem>> -> memref<112xi32, #tpu.memory_space<vmem>>
      %dma_wait3A_452 = arith.constant 0 : i32
      %dma_wait3A_453 = arith.constant 0 : i32
      %dma_wait3A_454 = tpu.memref_slice %arg13[%dma_wait3A_452, %dma_wait3A_453] : memref<10112x128xf32, #tpu.memory_space<vmem_shared>> -> memref<10112x128xf32, #tpu.memory_space<vmem_shared>>
      tpu.wait_indirect_dma semaphore(%arg17 : memref<!tpu.dma_semaphore, #tpu.memory_space<semaphore_mem>>) src(%dma_wait3A_448 : memref<112x128xf32, #tpu.memory_space<vmem>>) dst(%dma_wait3A_454 : memref<10112x128xf32, #tpu.memory_space<vmem_shared>>)
    }
    %while3A_132 = arith.constant 1 : i32
    scf.for %while3A_134 = %while3A_130 to %while3A_126 step %while3A_132  : i32 {
      %jit3A_135 = arith.constant 3 : i32
      %div3A_136 = arith.divsi %while3A_134, %jit3A_135 : i32
      %sign3A_137 = arith.constant 0 : i32
      %sign3A_138 = arith.cmpi sgt, %while3A_134, %sign3A_137 : i32
      %sign3A_139 = arith.extui %sign3A_138 : i1 to i32
      %sign3A_140 = arith.constant 0 : i32
      %sign3A_141 = arith.cmpi slt, %while3A_134, %sign3A_140 : i32
      %sign3A_142 = arith.extui %sign3A_141 : i1 to i32
      %sign3A_143 = arith.subi %sign3A_139, %sign3A_142 : i32
      %sign3A_144 = arith.constant 0 : i32
      %sign3A_145 = arith.cmpi sgt, %jit3A_135, %sign3A_144 : i32
      %sign3A_146 = arith.extui %sign3A_145 : i1 to i32
      %sign3A_147 = arith.constant 0 : i32
      %sign3A_148 = arith.cmpi slt, %jit3A_135, %sign3A_147 : i32
      %sign3A_149 = arith.extui %sign3A_148 : i1 to i32
      %sign3A_150 = arith.subi %sign3A_146, %sign3A_149 : i32
      %ne3A_151 = arith.cmpi ne, %sign3A_143, %sign3A_150 : i32
      %rem3A_152 = arith.remsi %while3A_134, %jit3A_135 : i32
      %ne3A_153 = arith.constant 0 : i32
      %ne3A_154 = arith.cmpi ne, %rem3A_152, %ne3A_153 : i32
      %and3A_155 = arith.andi %ne3A_151, %ne3A_154 : i1
      %sub3A_156 = arith.constant 1 : i32
      %sub3A_157 = arith.subi %div3A_136, %sub3A_156 : i32
      %select_n3A_158 = arith.select %and3A_155, %sub3A_157, %div3A_136 : i32
      %jit3A_159 = arith.constant 3 : i32
      %eq3A_160 = arith.constant 0 : i32
      %eq3A_161 = arith.cmpi eq, %jit3A_159, %eq3A_160 : i32
      %jit3A_162 = arith.constant 1 : i32
      %select_n3A_163 = arith.select %eq3A_161, %jit3A_162, %jit3A_159 : i32
      %rem3A_164 = arith.remsi %while3A_134, %select_n3A_163 : i32
      %ne3A_165 = arith.constant 0 : i32
      %ne3A_166 = arith.cmpi ne, %rem3A_164, %ne3A_165 : i32
      %lt3A = arith.constant 0 : i32
      %lt3A_167 = arith.cmpi slt, %rem3A_164, %lt3A : i32
      %lt3A_168 = arith.constant 0 : i32
      %lt3A_169 = arith.cmpi slt, %select_n3A_163, %lt3A_168 : i32
      %ne3A_170 = arith.xori %lt3A_167, %lt3A_169 : i1
      %and3A_171 = arith.andi %ne3A_170, %ne3A_166 : i1
      %add3A_172 = arith.addi %rem3A_164, %select_n3A_163 : i32
      %select_n3A_173 = arith.select %and3A_171, %add3A_172, %rem3A_164 : i32
      %mul3A_174 = arith.constant 2 : i32
      %mul3A_175 = arith.muli %mul3A_174, %while3A_134 : i32
      %eq3A_176 = arith.constant 0 : i32
      %eq3A_177 = arith.cmpi eq, %select_n3A_173, %eq3A_176 : i32
      %add3A_178 = arith.constant 1 : i32
      %add3A_179 = arith.addi %select_n3A_158, %add3A_178 : i32
      %lt3A_180 = arith.cmpi slt, %add3A_179, %select_n3A_19 : i32
      %and3A_181 = arith.andi %eq3A_177, %lt3A_180 : i1
      %convert_element_type3A = arith.extui %and3A_181 : i1 to i32
      %cond3A = arith.constant 0 : i32
      %cond3A_182 = arith.cmpi ne, %convert_element_type3A, %cond3A : i32
      scf.if %cond3A_182 {
        %add3A_455 = arith.constant 1 : i32
        %add3A_456 = arith.addi %select_n3A_158, %add3A_455 : i32
        %add3A_457 = arith.constant 1 : i32
        %add3A_458 = arith.addi %select_n3A_158, %add3A_457 : i32
        %jit3A_459 = arith.constant 2 : i32
        %eq3A_460 = arith.constant 0 : i32
        %eq3A_461 = arith.cmpi eq, %jit3A_459, %eq3A_460 : i32
        %jit3A_462 = arith.constant 1 : i32
        %select_n3A_463 = arith.select %eq3A_461, %jit3A_462, %jit3A_459 : i32
        %rem3A_464 = arith.remsi %add3A_458, %select_n3A_463 : i32
        %ne3A_465 = arith.constant 0 : i32
        %ne3A_466 = arith.cmpi ne, %rem3A_464, %ne3A_465 : i32
        %lt3A_467 = arith.constant 0 : i32
        %lt3A_468 = arith.cmpi slt, %rem3A_464, %lt3A_467 : i32
        %lt3A_469 = arith.constant 0 : i32
        %lt3A_470 = arith.cmpi slt, %select_n3A_463, %lt3A_469 : i32
        %ne3A_471 = arith.xori %lt3A_468, %lt3A_470 : i1
        %and3A_472 = arith.andi %ne3A_471, %ne3A_466 : i1
        %add3A_473 = arith.addi %rem3A_464, %select_n3A_463 : i32
        %select_n3A_474 = arith.select %and3A_472, %add3A_473, %rem3A_464 : i32
        %mul3A_475 = arith.constant 6 : i32
        %mul3A_476 = arith.muli %add3A_456, %mul3A_475 : i32
        %add3A_477 = arith.addi %select_n3A_26, %mul3A_476 : i32
        %dma_start3A_478 = arith.constant 0 : i32
        %dma_start3A_479 = arith.constant 0 : i32
        %dma_start3A_480 = tpu.memref_slice %arg9[%select_n3A_474, %dma_start3A_478, %dma_start3A_479] : memref<2x6x112xi32, #tpu.memory_space<vmem>> -> memref<1x6x112xi32, #tpu.memory_space<vmem>>
        %dma_start3A_481 = tpu.memref_squeeze %dma_start3A_480 : memref<1x6x112xi32, #tpu.memory_space<vmem>> -> memref<6x112xi32, #tpu.memory_space<vmem>>
        %dma_start3A_482 = arith.constant 0 : i32
        %dma_start3A_483 = tpu.memref_slice %arg2[%add3A_477, %dma_start3A_482] : memref<2880x112xi32, #tpu.memory_space<hbm>> -> memref<6x112xi32, #tpu.memory_space<hbm>>
        %dma_start3A_484 = arith.constant 0 : i32
        %dma_start3A_485 = arith.constant 0 : i32
        %dma_start3A_486 = tpu.memref_slice %arg9[%select_n3A_474, %dma_start3A_484, %dma_start3A_485] : memref<2x6x112xi32, #tpu.memory_space<vmem>> -> memref<1x6x112xi32, #tpu.memory_space<vmem>>
        %dma_start3A_487 = tpu.memref_squeeze %dma_start3A_486 : memref<1x6x112xi32, #tpu.memory_space<vmem>> -> memref<6x112xi32, #tpu.memory_space<vmem>>
        %dma_start3A_488 = arith.constant 0 : i32
        %dma_start3A_489 = tpu.memref_slice %arg2[%add3A_477, %dma_start3A_488] : memref<2880x112xi32, #tpu.memory_space<hbm>> -> memref<6x112xi32, #tpu.memory_space<hbm>>
        tpu.enqueue_dma source(%dma_start3A_489 : memref<6x112xi32, #tpu.memory_space<hbm>>) target(%dma_start3A_487 : memref<6x112xi32, #tpu.memory_space<vmem>>) target_semaphore(%arg16 : memref<!tpu.dma_semaphore, #tpu.memory_space<semaphore_mem>>)
        %mul3A_490 = arith.constant 6 : i32
        %mul3A_491 = arith.muli %add3A_456, %mul3A_490 : i32
        %add3A_492 = arith.addi %select_n3A_26, %mul3A_491 : i32
        %dma_start3A_493 = arith.constant 0 : i32
        %dma_start3A_494 = arith.constant 0 : i32
        %dma_start3A_495 = tpu.memref_slice %arg10[%select_n3A_474, %dma_start3A_493, %dma_start3A_494] : memref<2x6x112xi32, #tpu.memory_space<vmem>> -> memref<1x6x112xi32, #tpu.memory_space<vmem>>
        %dma_start3A_496 = tpu.memref_squeeze %dma_start3A_495 : memref<1x6x112xi32, #tpu.memory_space<vmem>> -> memref<6x112xi32, #tpu.memory_space<vmem>>
        %dma_start3A_497 = arith.constant 0 : i32
        %dma_start3A_498 = tpu.memref_slice %arg3[%add3A_492, %dma_start3A_497] : memref<2880x112xi32, #tpu.memory_space<hbm>> -> memref<6x112xi32, #tpu.memory_space<hbm>>
        %dma_start3A_499 = arith.constant 0 : i32
        %dma_start3A_500 = arith.constant 0 : i32
        %dma_start3A_501 = tpu.memref_slice %arg10[%select_n3A_474, %dma_start3A_499, %dma_start3A_500] : memref<2x6x112xi32, #tpu.memory_space<vmem>> -> memref<1x6x112xi32, #tpu.memory_space<vmem>>
        %dma_start3A_502 = tpu.memref_squeeze %dma_start3A_501 : memref<1x6x112xi32, #tpu.memory_space<vmem>> -> memref<6x112xi32, #tpu.memory_space<vmem>>
        %dma_start3A_503 = arith.constant 0 : i32
        %dma_start3A_504 = tpu.memref_slice %arg3[%add3A_492, %dma_start3A_503] : memref<2880x112xi32, #tpu.memory_space<hbm>> -> memref<6x112xi32, #tpu.memory_space<hbm>>
        tpu.enqueue_dma source(%dma_start3A_504 : memref<6x112xi32, #tpu.memory_space<hbm>>) target(%dma_start3A_502 : memref<6x112xi32, #tpu.memory_space<vmem>>) target_semaphore(%arg16 : memref<!tpu.dma_semaphore, #tpu.memory_space<semaphore_mem>>)
      } else {
      }
      %dma_wait3A_183 = arith.constant 0 : i32
      %dma_wait3A_184 = arith.constant 0 : i32
      %dma_wait3A_185 = arith.constant 0 : i32
      %dma_wait3A_186 = arith.constant 0 : i32
      %dma_wait3A_187 = arith.constant 0 : i32
      %dma_wait3A_188 = tpu.memref_slice %arg11[%dma_wait3A_185, %dma_wait3A_186, %dma_wait3A_187] : memref<2x112x128xf32, #tpu.memory_space<vmem>> -> memref<1x112x128xf32, #tpu.memory_space<vmem>>
      %dma_wait3A_189 = tpu.memref_squeeze %dma_wait3A_188 : memref<1x112x128xf32, #tpu.memory_space<vmem>> -> memref<112x128xf32, #tpu.memory_space<vmem>>
      %dma_wait3A_190 = arith.constant 0 : i32
      %dma_wait3A_191 = tpu.memref_slice %arg9[%dma_wait3A_183, %dma_wait3A_184, %dma_wait3A_190] : memref<2x6x112xi32, #tpu.memory_space<vmem>> -> memref<1x1x112xi32, #tpu.memory_space<vmem>>
      %dma_wait3A_192 = tpu.memref_squeeze %dma_wait3A_191 : memref<1x1x112xi32, #tpu.memory_space<vmem>> -> memref<112xi32, #tpu.memory_space<vmem>>
      %dma_wait3A_193 = arith.constant 0 : i32
      %dma_wait3A_194 = arith.constant 0 : i32
      %dma_wait3A_195 = tpu.memref_slice %arg4[%dma_wait3A_193, %dma_wait3A_194] : memref<30000x128xf32, #tpu.memory_space<hbm>> -> memref<30000x128xf32, #tpu.memory_space<hbm>>
      tpu.wait_indirect_dma semaphore(%arg15 : memref<!tpu.dma_semaphore, #tpu.memory_space<semaphore_mem>>) src(%dma_wait3A_195 : memref<30000x128xf32, #tpu.memory_space<hbm>>) dst(%dma_wait3A_189 : memref<112x128xf32, #tpu.memory_space<vmem>>)
      %add3A_196 = arith.constant 1 : i32
      %add3A_197 = arith.addi %mul3A_175, %add3A_196 : i32
      %jit3A_198 = arith.constant 6 : i32
      %div3A_199 = arith.divsi %add3A_197, %jit3A_198 : i32
      %sign3A_200 = arith.constant 0 : i32
      %sign3A_201 = arith.cmpi sgt, %add3A_197, %sign3A_200 : i32
      %sign3A_202 = arith.extui %sign3A_201 : i1 to i32
      %sign3A_203 = arith.constant 0 : i32
      %sign3A_204 = arith.cmpi slt, %add3A_197, %sign3A_203 : i32
      %sign3A_205 = arith.extui %sign3A_204 : i1 to i32
      %sign3A_206 = arith.subi %sign3A_202, %sign3A_205 : i32
      %sign3A_207 = arith.constant 0 : i32
      %sign3A_208 = arith.cmpi sgt, %jit3A_198, %sign3A_207 : i32
      %sign3A_209 = arith.extui %sign3A_208 : i1 to i32
      %sign3A_210 = arith.constant 0 : i32
      %sign3A_211 = arith.cmpi slt, %jit3A_198, %sign3A_210 : i32
      %sign3A_212 = arith.extui %sign3A_211 : i1 to i32
      %sign3A_213 = arith.subi %sign3A_209, %sign3A_212 : i32
      %ne3A_214 = arith.cmpi ne, %sign3A_206, %sign3A_213 : i32
      %rem3A_215 = arith.remsi %add3A_197, %jit3A_198 : i32
      %ne3A_216 = arith.constant 0 : i32
      %ne3A_217 = arith.cmpi ne, %rem3A_215, %ne3A_216 : i32
      %and3A_218 = arith.andi %ne3A_214, %ne3A_217 : i1
      %sub3A_219 = arith.constant 1 : i32
      %sub3A_220 = arith.subi %div3A_199, %sub3A_219 : i32
      %select_n3A_221 = arith.select %and3A_218, %sub3A_220, %div3A_199 : i32
      %jit3A_222 = arith.constant 2 : i32
      %eq3A_223 = arith.constant 0 : i32
      %eq3A_224 = arith.cmpi eq, %jit3A_222, %eq3A_223 : i32
      %jit3A_225 = arith.constant 1 : i32
      %select_n3A_226 = arith.select %eq3A_224, %jit3A_225, %jit3A_222 : i32
      %rem3A_227 = arith.remsi %select_n3A_221, %select_n3A_226 : i32
      %ne3A_228 = arith.constant 0 : i32
      %ne3A_229 = arith.cmpi ne, %rem3A_227, %ne3A_228 : i32
      %lt3A_230 = arith.constant 0 : i32
      %lt3A_231 = arith.cmpi slt, %rem3A_227, %lt3A_230 : i32
      %lt3A_232 = arith.constant 0 : i32
      %lt3A_233 = arith.cmpi slt, %select_n3A_226, %lt3A_232 : i32
      %ne3A_234 = arith.xori %lt3A_231, %lt3A_233 : i1
      %and3A_235 = arith.andi %ne3A_234, %ne3A_229 : i1
      %add3A_236 = arith.addi %rem3A_227, %select_n3A_226 : i32
      %select_n3A_237 = arith.select %and3A_235, %add3A_236, %rem3A_227 : i32
      %jit3A_238 = arith.constant 6 : i32
      %eq3A_239 = arith.constant 0 : i32
      %eq3A_240 = arith.cmpi eq, %jit3A_238, %eq3A_239 : i32
      %jit3A_241 = arith.constant 1 : i32
      %select_n3A_242 = arith.select %eq3A_240, %jit3A_241, %jit3A_238 : i32
      %rem3A_243 = arith.remsi %add3A_197, %select_n3A_242 : i32
      %ne3A_244 = arith.constant 0 : i32
      %ne3A_245 = arith.cmpi ne, %rem3A_243, %ne3A_244 : i32
      %lt3A_246 = arith.constant 0 : i32
      %lt3A_247 = arith.cmpi slt, %rem3A_243, %lt3A_246 : i32
      %lt3A_248 = arith.constant 0 : i32
      %lt3A_249 = arith.cmpi slt, %select_n3A_242, %lt3A_248 : i32
      %ne3A_250 = arith.xori %lt3A_247, %lt3A_249 : i1
      %and3A_251 = arith.andi %ne3A_250, %ne3A_245 : i1
      %add3A_252 = arith.addi %rem3A_243, %select_n3A_242 : i32
      %select_n3A_253 = arith.select %and3A_251, %add3A_252, %rem3A_243 : i32
      %dma_start3A_254 = arith.constant 1 : i32
      %dma_start3A_255 = arith.constant 0 : i32
      %dma_start3A_256 = arith.constant 0 : i32
      %dma_start3A_257 = tpu.memref_slice %arg11[%dma_start3A_254, %dma_start3A_255, %dma_start3A_256] : memref<2x112x128xf32, #tpu.memory_space<vmem>> -> memref<1x112x128xf32, #tpu.memory_space<vmem>>
      %dma_start3A_258 = tpu.memref_squeeze %dma_start3A_257 : memref<1x112x128xf32, #tpu.memory_space<vmem>> -> memref<112x128xf32, #tpu.memory_space<vmem>>
      %dma_start3A_259 = arith.constant 0 : i32
      %dma_start3A_260 = tpu.memref_slice %arg9[%select_n3A_237, %select_n3A_253, %dma_start3A_259] : memref<2x6x112xi32, #tpu.memory_space<vmem>> -> memref<1x1x112xi32, #tpu.memory_space<vmem>>
      %dma_start3A_261 = tpu.memref_squeeze %dma_start3A_260 : memref<1x1x112xi32, #tpu.memory_space<vmem>> -> memref<112xi32, #tpu.memory_space<vmem>>
      %dma_start3A_262 = arith.constant 0 : i32
      %dma_start3A_263 = arith.constant 0 : i32
      %dma_start3A_264 = tpu.memref_slice %arg4[%dma_start3A_262, %dma_start3A_263] : memref<30000x128xf32, #tpu.memory_space<hbm>> -> memref<30000x128xf32, #tpu.memory_space<hbm>>
      tpu.enqueue_indirect_dma source(%dma_start3A_264 : memref<30000x128xf32, #tpu.memory_space<hbm>>) target(%dma_start3A_258 : memref<112x128xf32, #tpu.memory_space<vmem>>) offsets(%dma_start3A_261 : memref<112xi32, #tpu.memory_space<vmem>>) semaphore(%arg15 : memref<!tpu.dma_semaphore, #tpu.memory_space<semaphore_mem>>)
      %jit3A_265 = arith.constant 6 : i32
      %div3A_266 = arith.divsi %mul3A_175, %jit3A_265 : i32
      %sign3A_267 = arith.constant 0 : i32
      %sign3A_268 = arith.cmpi sgt, %mul3A_175, %sign3A_267 : i32
      %sign3A_269 = arith.extui %sign3A_268 : i1 to i32
      %sign3A_270 = arith.constant 0 : i32
      %sign3A_271 = arith.cmpi slt, %mul3A_175, %sign3A_270 : i32
      %sign3A_272 = arith.extui %sign3A_271 : i1 to i32
      %sign3A_273 = arith.subi %sign3A_269, %sign3A_272 : i32
      %sign3A_274 = arith.constant 0 : i32
      %sign3A_275 = arith.cmpi sgt, %jit3A_265, %sign3A_274 : i32
      %sign3A_276 = arith.extui %sign3A_275 : i1 to i32
      %sign3A_277 = arith.constant 0 : i32
      %sign3A_278 = arith.cmpi slt, %jit3A_265, %sign3A_277 : i32
      %sign3A_279 = arith.extui %sign3A_278 : i1 to i32
      %sign3A_280 = arith.subi %sign3A_276, %sign3A_279 : i32
      %ne3A_281 = arith.cmpi ne, %sign3A_273, %sign3A_280 : i32
      %rem3A_282 = arith.remsi %mul3A_175, %jit3A_265 : i32
      %ne3A_283 = arith.constant 0 : i32
      %ne3A_284 = arith.cmpi ne, %rem3A_282, %ne3A_283 : i32
      %and3A_285 = arith.andi %ne3A_281, %ne3A_284 : i1
      %sub3A_286 = arith.constant 1 : i32
      %sub3A_287 = arith.subi %div3A_266, %sub3A_286 : i32
      %select_n3A_288 = arith.select %and3A_285, %sub3A_287, %div3A_266 : i32
      %jit3A_289 = arith.constant 2 : i32
      %eq3A_290 = arith.constant 0 : i32
      %eq3A_291 = arith.cmpi eq, %jit3A_289, %eq3A_290 : i32
      %jit3A_292 = arith.constant 1 : i32
      %select_n3A_293 = arith.select %eq3A_291, %jit3A_292, %jit3A_289 : i32
      %rem3A_294 = arith.remsi %select_n3A_288, %select_n3A_293 : i32
      %ne3A_295 = arith.constant 0 : i32
      %ne3A_296 = arith.cmpi ne, %rem3A_294, %ne3A_295 : i32
      %lt3A_297 = arith.constant 0 : i32
      %lt3A_298 = arith.cmpi slt, %rem3A_294, %lt3A_297 : i32
      %lt3A_299 = arith.constant 0 : i32
      %lt3A_300 = arith.cmpi slt, %select_n3A_293, %lt3A_299 : i32
      %ne3A_301 = arith.xori %lt3A_298, %lt3A_300 : i1
      %and3A_302 = arith.andi %ne3A_301, %ne3A_296 : i1
      %add3A_303 = arith.addi %rem3A_294, %select_n3A_293 : i32
      %select_n3A_304 = arith.select %and3A_302, %add3A_303, %rem3A_294 : i32
      %jit3A_305 = arith.constant 6 : i32
      %eq3A_306 = arith.constant 0 : i32
      %eq3A_307 = arith.cmpi eq, %jit3A_305, %eq3A_306 : i32
      %jit3A_308 = arith.constant 1 : i32
      %select_n3A_309 = arith.select %eq3A_307, %jit3A_308, %jit3A_305 : i32
      %rem3A_310 = arith.remsi %mul3A_175, %select_n3A_309 : i32
      %ne3A_311 = arith.constant 0 : i32
      %ne3A_312 = arith.cmpi ne, %rem3A_310, %ne3A_311 : i32
      %lt3A_313 = arith.constant 0 : i32
      %lt3A_314 = arith.cmpi slt, %rem3A_310, %lt3A_313 : i32
      %lt3A_315 = arith.constant 0 : i32
      %lt3A_316 = arith.cmpi slt, %select_n3A_309, %lt3A_315 : i32
      %ne3A_317 = arith.xori %lt3A_314, %lt3A_316 : i1
      %and3A_318 = arith.andi %ne3A_317, %ne3A_312 : i1
      %add3A_319 = arith.addi %rem3A_310, %select_n3A_309 : i32
      %select_n3A_320 = arith.select %and3A_318, %add3A_319, %rem3A_310 : i32
      %dma_start3A_321 = arith.constant 0 : i32
      %dma_start3A_322 = arith.constant 0 : i32
      %dma_start3A_323 = arith.constant 0 : i32
      %dma_start3A_324 = tpu.memref_slice %arg11[%dma_start3A_321, %dma_start3A_322, %dma_start3A_323] : memref<2x112x128xf32, #tpu.memory_space<vmem>> -> memref<1x112x128xf32, #tpu.memory_space<vmem>>
      %dma_start3A_325 = tpu.memref_squeeze %dma_start3A_324 : memref<1x112x128xf32, #tpu.memory_space<vmem>> -> memref<112x128xf32, #tpu.memory_space<vmem>>
      %dma_start3A_326 = arith.constant 0 : i32
      %dma_start3A_327 = tpu.memref_slice %arg10[%select_n3A_304, %select_n3A_320, %dma_start3A_326] : memref<2x6x112xi32, #tpu.memory_space<vmem>> -> memref<1x1x112xi32, #tpu.memory_space<vmem>>
      %dma_start3A_328 = tpu.memref_squeeze %dma_start3A_327 : memref<1x1x112xi32, #tpu.memory_space<vmem>> -> memref<112xi32, #tpu.memory_space<vmem>>
      %dma_start3A_329 = arith.constant 0 : i32
      %dma_start3A_330 = arith.constant 0 : i32
      %dma_start3A_331 = tpu.memref_slice %arg13[%dma_start3A_329, %dma_start3A_330] : memref<10112x128xf32, #tpu.memory_space<vmem_shared>> -> memref<10112x128xf32, #tpu.memory_space<vmem_shared>>
      tpu.enqueue_indirect_dma source(%dma_start3A_325 : memref<112x128xf32, #tpu.memory_space<vmem>>) target(%dma_start3A_331 : memref<10112x128xf32, #tpu.memory_space<vmem_shared>>) offsets(%dma_start3A_328 : memref<112xi32, #tpu.memory_space<vmem>>) semaphore(%arg17 : memref<!tpu.dma_semaphore, #tpu.memory_space<semaphore_mem>>) {add = true}
      %eq3A_332 = arith.constant 2 : i32
      %eq3A_333 = arith.cmpi eq, %select_n3A_173, %eq3A_332 : i32
      %add3A_334 = arith.constant 1 : i32
      %add3A_335 = arith.addi %select_n3A_158, %add3A_334 : i32
      %lt3A_336 = arith.cmpi slt, %add3A_335, %select_n3A_19 : i32
      %and3A_337 = arith.andi %eq3A_333, %lt3A_336 : i1
      %convert_element_type3A_338 = arith.extui %and3A_337 : i1 to i32
      %cond3A_339 = arith.constant 0 : i32
      %cond3A_340 = arith.cmpi ne, %convert_element_type3A_338, %cond3A_339 : i32
      scf.if %cond3A_340 {
        %dma_wait3A_455 = arith.constant 0 : i32
        %dma_wait3A_456 = arith.constant 0 : i32
        %dma_wait3A_457 = arith.constant 0 : i32
        %dma_wait3A_458 = tpu.memref_slice %arg9[%dma_wait3A_455, %dma_wait3A_456, %dma_wait3A_457] : memref<2x6x112xi32, #tpu.memory_space<vmem>> -> memref<1x6x112xi32, #tpu.memory_space<vmem>>
        %dma_wait3A_459 = tpu.memref_squeeze %dma_wait3A_458 : memref<1x6x112xi32, #tpu.memory_space<vmem>> -> memref<6x112xi32, #tpu.memory_space<vmem>>
        %dma_wait3A_460 = arith.constant 0 : i32
        %dma_wait3A_461 = arith.constant 0 : i32
        %dma_wait3A_462 = tpu.memref_slice %arg2[%dma_wait3A_460, %dma_wait3A_461] : memref<2880x112xi32, #tpu.memory_space<hbm>> -> memref<6x112xi32, #tpu.memory_space<hbm>>
        %dma_wait3A_463 = arith.constant 0 : i32
        %dma_wait3A_464 = arith.constant 0 : i32
        %dma_wait3A_465 = tpu.memref_slice %arg9[%dma_wait3A_455, %dma_wait3A_463, %dma_wait3A_464] : memref<2x6x112xi32, #tpu.memory_space<vmem>> -> memref<1x6x112xi32, #tpu.memory_space<vmem>>
        %dma_wait3A_466 = tpu.memref_squeeze %dma_wait3A_465 : memref<1x6x112xi32, #tpu.memory_space<vmem>> -> memref<6x112xi32, #tpu.memory_space<vmem>>
        %dma_wait3A_467 = arith.constant 0 : i32
        %dma_wait3A_468 = arith.constant 0 : i32
        %dma_wait3A_469 = tpu.memref_slice %arg2[%dma_wait3A_467, %dma_wait3A_468] : memref<2880x112xi32, #tpu.memory_space<hbm>> -> memref<6x112xi32, #tpu.memory_space<hbm>>
        tpu.wait_dma2 semaphore(%arg16 : memref<!tpu.dma_semaphore, #tpu.memory_space<semaphore_mem>>) src(%dma_wait3A_469 : memref<6x112xi32, #tpu.memory_space<hbm>>) dst(%dma_wait3A_466 : memref<6x112xi32, #tpu.memory_space<vmem>>)
        %dma_wait3A_470 = arith.constant 0 : i32
        %dma_wait3A_471 = arith.constant 0 : i32
        %dma_wait3A_472 = arith.constant 0 : i32
        %dma_wait3A_473 = tpu.memref_slice %arg10[%dma_wait3A_470, %dma_wait3A_471, %dma_wait3A_472] : memref<2x6x112xi32, #tpu.memory_space<vmem>> -> memref<1x6x112xi32, #tpu.memory_space<vmem>>
        %dma_wait3A_474 = tpu.memref_squeeze %dma_wait3A_473 : memref<1x6x112xi32, #tpu.memory_space<vmem>> -> memref<6x112xi32, #tpu.memory_space<vmem>>
        %dma_wait3A_475 = arith.constant 0 : i32
        %dma_wait3A_476 = arith.constant 0 : i32
        %dma_wait3A_477 = tpu.memref_slice %arg3[%dma_wait3A_475, %dma_wait3A_476] : memref<2880x112xi32, #tpu.memory_space<hbm>> -> memref<6x112xi32, #tpu.memory_space<hbm>>
        %dma_wait3A_478 = arith.constant 0 : i32
        %dma_wait3A_479 = arith.constant 0 : i32
        %dma_wait3A_480 = tpu.memref_slice %arg10[%dma_wait3A_470, %dma_wait3A_478, %dma_wait3A_479] : memref<2x6x112xi32, #tpu.memory_space<vmem>> -> memref<1x6x112xi32, #tpu.memory_space<vmem>>
        %dma_wait3A_481 = tpu.memref_squeeze %dma_wait3A_480 : memref<1x6x112xi32, #tpu.memory_space<vmem>> -> memref<6x112xi32, #tpu.memory_space<vmem>>
        %dma_wait3A_482 = arith.constant 0 : i32
        %dma_wait3A_483 = arith.constant 0 : i32
        %dma_wait3A_484 = tpu.memref_slice %arg3[%dma_wait3A_482, %dma_wait3A_483] : memref<2880x112xi32, #tpu.memory_space<hbm>> -> memref<6x112xi32, #tpu.memory_space<hbm>>
        tpu.wait_dma2 semaphore(%arg16 : memref<!tpu.dma_semaphore, #tpu.memory_space<semaphore_mem>>) src(%dma_wait3A_484 : memref<6x112xi32, #tpu.memory_space<hbm>>) dst(%dma_wait3A_481 : memref<6x112xi32, #tpu.memory_space<vmem>>)
      } else {
      }
      %dma_wait3A_341 = arith.constant 0 : i32
      %dma_wait3A_342 = arith.constant 0 : i32
      %dma_wait3A_343 = arith.constant 1 : i32
      %dma_wait3A_344 = arith.constant 0 : i32
      %dma_wait3A_345 = arith.constant 0 : i32
      %dma_wait3A_346 = tpu.memref_slice %arg11[%dma_wait3A_343, %dma_wait3A_344, %dma_wait3A_345] : memref<2x112x128xf32, #tpu.memory_space<vmem>> -> memref<1x112x128xf32, #tpu.memory_space<vmem>>
      %dma_wait3A_347 = tpu.memref_squeeze %dma_wait3A_346 : memref<1x112x128xf32, #tpu.memory_space<vmem>> -> memref<112x128xf32, #tpu.memory_space<vmem>>
      %dma_wait3A_348 = arith.constant 0 : i32
      %dma_wait3A_349 = tpu.memref_slice %arg9[%dma_wait3A_341, %dma_wait3A_342, %dma_wait3A_348] : memref<2x6x112xi32, #tpu.memory_space<vmem>> -> memref<1x1x112xi32, #tpu.memory_space<vmem>>
      %dma_wait3A_350 = tpu.memref_squeeze %dma_wait3A_349 : memref<1x1x112xi32, #tpu.memory_space<vmem>> -> memref<112xi32, #tpu.memory_space<vmem>>
      %dma_wait3A_351 = arith.constant 0 : i32
      %dma_wait3A_352 = arith.constant 0 : i32
      %dma_wait3A_353 = tpu.memref_slice %arg4[%dma_wait3A_351, %dma_wait3A_352] : memref<30000x128xf32, #tpu.memory_space<hbm>> -> memref<30000x128xf32, #tpu.memory_space<hbm>>
      tpu.wait_indirect_dma semaphore(%arg15 : memref<!tpu.dma_semaphore, #tpu.memory_space<semaphore_mem>>) src(%dma_wait3A_353 : memref<30000x128xf32, #tpu.memory_space<hbm>>) dst(%dma_wait3A_347 : memref<112x128xf32, #tpu.memory_space<vmem>>)
      %dma_wait3A_354 = arith.constant 0 : i32
      %dma_wait3A_355 = arith.constant 0 : i32
      %dma_wait3A_356 = arith.constant 0 : i32
      %dma_wait3A_357 = arith.constant 0 : i32
      %dma_wait3A_358 = arith.constant 0 : i32
      %dma_wait3A_359 = tpu.memref_slice %arg11[%dma_wait3A_354, %dma_wait3A_357, %dma_wait3A_358] : memref<2x112x128xf32, #tpu.memory_space<vmem>> -> memref<1x112x128xf32, #tpu.memory_space<vmem>>
      %dma_wait3A_360 = tpu.memref_squeeze %dma_wait3A_359 : memref<1x112x128xf32, #tpu.memory_space<vmem>> -> memref<112x128xf32, #tpu.memory_space<vmem>>
      %dma_wait3A_361 = arith.constant 0 : i32
      %dma_wait3A_362 = tpu.memref_slice %arg10[%dma_wait3A_355, %dma_wait3A_356, %dma_wait3A_361] : memref<2x6x112xi32, #tpu.memory_space<vmem>> -> memref<1x1x112xi32, #tpu.memory_space<vmem>>
      %dma_wait3A_363 = tpu.memref_squeeze %dma_wait3A_362 : memref<1x1x112xi32, #tpu.memory_space<vmem>> -> memref<112xi32, #tpu.memory_space<vmem>>
      %dma_wait3A_364 = arith.constant 0 : i32
      %dma_wait3A_365 = arith.constant 0 : i32
      %dma_wait3A_366 = tpu.memref_slice %arg13[%dma_wait3A_364, %dma_wait3A_365] : memref<10112x128xf32, #tpu.memory_space<vmem_shared>> -> memref<10112x128xf32, #tpu.memory_space<vmem_shared>>
      tpu.wait_indirect_dma semaphore(%arg17 : memref<!tpu.dma_semaphore, #tpu.memory_space<semaphore_mem>>) src(%dma_wait3A_360 : memref<112x128xf32, #tpu.memory_space<vmem>>) dst(%dma_wait3A_366 : memref<10112x128xf32, #tpu.memory_space<vmem_shared>>)
      %add3A_367 = arith.constant 2 : i32
      %add3A_368 = arith.addi %mul3A_175, %add3A_367 : i32
      %lt3A_369 = arith.cmpi slt, %add3A_368, %select_n3A_2 : i32
      %convert_element_type3A_370 = arith.extui %lt3A_369 : i1 to i32
      %cond3A_371 = arith.constant 0 : i32
      %cond3A_372 = arith.cmpi ne, %convert_element_type3A_370, %cond3A_371 : i32
      scf.if %cond3A_372 {
        %add3A_455 = arith.constant 2 : i32
        %add3A_456 = arith.addi %mul3A_175, %add3A_455 : i32
        %jit3A_457 = arith.constant 6 : i32
        %div3A_458 = arith.divsi %add3A_456, %jit3A_457 : i32
        %sign3A_459 = arith.constant 0 : i32
        %sign3A_460 = arith.cmpi sgt, %add3A_456, %sign3A_459 : i32
        %sign3A_461 = arith.extui %sign3A_460 : i1 to i32
        %sign3A_462 = arith.constant 0 : i32
        %sign3A_463 = arith.cmpi slt, %add3A_456, %sign3A_462 : i32
        %sign3A_464 = arith.extui %sign3A_463 : i1 to i32
        %sign3A_465 = arith.subi %sign3A_461, %sign3A_464 : i32
        %sign3A_466 = arith.constant 0 : i32
        %sign3A_467 = arith.cmpi sgt, %jit3A_457, %sign3A_466 : i32
        %sign3A_468 = arith.extui %sign3A_467 : i1 to i32
        %sign3A_469 = arith.constant 0 : i32
        %sign3A_470 = arith.cmpi slt, %jit3A_457, %sign3A_469 : i32
        %sign3A_471 = arith.extui %sign3A_470 : i1 to i32
        %sign3A_472 = arith.subi %sign3A_468, %sign3A_471 : i32
        %ne3A_473 = arith.cmpi ne, %sign3A_465, %sign3A_472 : i32
        %rem3A_474 = arith.remsi %add3A_456, %jit3A_457 : i32
        %ne3A_475 = arith.constant 0 : i32
        %ne3A_476 = arith.cmpi ne, %rem3A_474, %ne3A_475 : i32
        %and3A_477 = arith.andi %ne3A_473, %ne3A_476 : i1
        %sub3A_478 = arith.constant 1 : i32
        %sub3A_479 = arith.subi %div3A_458, %sub3A_478 : i32
        %select_n3A_480 = arith.select %and3A_477, %sub3A_479, %div3A_458 : i32
        %jit3A_481 = arith.constant 2 : i32
        %eq3A_482 = arith.constant 0 : i32
        %eq3A_483 = arith.cmpi eq, %jit3A_481, %eq3A_482 : i32
        %jit3A_484 = arith.constant 1 : i32
        %select_n3A_485 = arith.select %eq3A_483, %jit3A_484, %jit3A_481 : i32
        %rem3A_486 = arith.remsi %select_n3A_480, %select_n3A_485 : i32
        %ne3A_487 = arith.constant 0 : i32
        %ne3A_488 = arith.cmpi ne, %rem3A_486, %ne3A_487 : i32
        %lt3A_489 = arith.constant 0 : i32
        %lt3A_490 = arith.cmpi slt, %rem3A_486, %lt3A_489 : i32
        %lt3A_491 = arith.constant 0 : i32
        %lt3A_492 = arith.cmpi slt, %select_n3A_485, %lt3A_491 : i32
        %ne3A_493 = arith.xori %lt3A_490, %lt3A_492 : i1
        %and3A_494 = arith.andi %ne3A_493, %ne3A_488 : i1
        %add3A_495 = arith.addi %rem3A_486, %select_n3A_485 : i32
        %select_n3A_496 = arith.select %and3A_494, %add3A_495, %rem3A_486 : i32
        %jit3A_497 = arith.constant 6 : i32
        %eq3A_498 = arith.constant 0 : i32
        %eq3A_499 = arith.cmpi eq, %jit3A_497, %eq3A_498 : i32
        %jit3A_500 = arith.constant 1 : i32
        %select_n3A_501 = arith.select %eq3A_499, %jit3A_500, %jit3A_497 : i32
        %rem3A_502 = arith.remsi %add3A_456, %select_n3A_501 : i32
        %ne3A_503 = arith.constant 0 : i32
        %ne3A_504 = arith.cmpi ne, %rem3A_502, %ne3A_503 : i32
        %lt3A_505 = arith.constant 0 : i32
        %lt3A_506 = arith.cmpi slt, %rem3A_502, %lt3A_505 : i32
        %lt3A_507 = arith.constant 0 : i32
        %lt3A_508 = arith.cmpi slt, %select_n3A_501, %lt3A_507 : i32
        %ne3A_509 = arith.xori %lt3A_506, %lt3A_508 : i1
        %and3A_510 = arith.andi %ne3A_509, %ne3A_504 : i1
        %add3A_511 = arith.addi %rem3A_502, %select_n3A_501 : i32
        %select_n3A_512 = arith.select %and3A_510, %add3A_511, %rem3A_502 : i32
        %dma_start3A_513 = arith.constant 0 : i32
        %dma_start3A_514 = arith.constant 0 : i32
        %dma_start3A_515 = arith.constant 0 : i32
        %dma_start3A_516 = tpu.memref_slice %arg11[%dma_start3A_513, %dma_start3A_514, %dma_start3A_515] : memref<2x112x128xf32, #tpu.memory_space<vmem>> -> memref<1x112x128xf32, #tpu.memory_space<vmem>>
        %dma_start3A_517 = tpu.memref_squeeze %dma_start3A_516 : memref<1x112x128xf32, #tpu.memory_space<vmem>> -> memref<112x128xf32, #tpu.memory_space<vmem>>
        %dma_start3A_518 = arith.constant 0 : i32
        %dma_start3A_519 = tpu.memref_slice %arg9[%select_n3A_496, %select_n3A_512, %dma_start3A_518] : memref<2x6x112xi32, #tpu.memory_space<vmem>> -> memref<1x1x112xi32, #tpu.memory_space<vmem>>
        %dma_start3A_520 = tpu.memref_squeeze %dma_start3A_519 : memref<1x1x112xi32, #tpu.memory_space<vmem>> -> memref<112xi32, #tpu.memory_space<vmem>>
        %dma_start3A_521 = arith.constant 0 : i32
        %dma_start3A_522 = arith.constant 0 : i32
        %dma_start3A_523 = tpu.memref_slice %arg4[%dma_start3A_521, %dma_start3A_522] : memref<30000x128xf32, #tpu.memory_space<hbm>> -> memref<30000x128xf32, #tpu.memory_space<hbm>>
        tpu.enqueue_indirect_dma source(%dma_start3A_523 : memref<30000x128xf32, #tpu.memory_space<hbm>>) target(%dma_start3A_517 : memref<112x128xf32, #tpu.memory_space<vmem>>) offsets(%dma_start3A_520 : memref<112xi32, #tpu.memory_space<vmem>>) semaphore(%arg15 : memref<!tpu.dma_semaphore, #tpu.memory_space<semaphore_mem>>)
      } else {
      }
      %add3A_373 = arith.constant 1 : i32
      %add3A_374 = arith.addi %mul3A_175, %add3A_373 : i32
      %jit3A_375 = arith.constant 6 : i32
      %div3A_376 = arith.divsi %add3A_374, %jit3A_375 : i32
      %sign3A_377 = arith.constant 0 : i32
      %sign3A_378 = arith.cmpi sgt, %add3A_374, %sign3A_377 : i32
      %sign3A_379 = arith.extui %sign3A_378 : i1 to i32
      %sign3A_380 = arith.constant 0 : i32
      %sign3A_381 = arith.cmpi slt, %add3A_374, %sign3A_380 : i32
      %sign3A_382 = arith.extui %sign3A_381 : i1 to i32
      %sign3A_383 = arith.subi %sign3A_379, %sign3A_382 : i32
      %sign3A_384 = arith.constant 0 : i32
      %sign3A_385 = arith.cmpi sgt, %jit3A_375, %sign3A_384 : i32
      %sign3A_386 = arith.extui %sign3A_385 : i1 to i32
      %sign3A_387 = arith.constant 0 : i32
      %sign3A_388 = arith.cmpi slt, %jit3A_375, %sign3A_387 : i32
      %sign3A_389 = arith.extui %sign3A_388 : i1 to i32
      %sign3A_390 = arith.subi %sign3A_386, %sign3A_389 : i32
      %ne3A_391 = arith.cmpi ne, %sign3A_383, %sign3A_390 : i32
      %rem3A_392 = arith.remsi %add3A_374, %jit3A_375 : i32
      %ne3A_393 = arith.constant 0 : i32
      %ne3A_394 = arith.cmpi ne, %rem3A_392, %ne3A_393 : i32
      %and3A_395 = arith.andi %ne3A_391, %ne3A_394 : i1
      %sub3A_396 = arith.constant 1 : i32
      %sub3A_397 = arith.subi %div3A_376, %sub3A_396 : i32
      %select_n3A_398 = arith.select %and3A_395, %sub3A_397, %div3A_376 : i32
      %jit3A_399 = arith.constant 2 : i32
      %eq3A_400 = arith.constant 0 : i32
      %eq3A_401 = arith.cmpi eq, %jit3A_399, %eq3A_400 : i32
      %jit3A_402 = arith.constant 1 : i32
      %select_n3A_403 = arith.select %eq3A_401, %jit3A_402, %jit3A_399 : i32
      %rem3A_404 = arith.remsi %select_n3A_398, %select_n3A_403 : i32
      %ne3A_405 = arith.constant 0 : i32
      %ne3A_406 = arith.cmpi ne, %rem3A_404, %ne3A_405 : i32
      %lt3A_407 = arith.constant 0 : i32
      %lt3A_408 = arith.cmpi slt, %rem3A_404, %lt3A_407 : i32
      %lt3A_409 = arith.constant 0 : i32
      %lt3A_410 = arith.cmpi slt, %select_n3A_403, %lt3A_409 : i32
      %ne3A_411 = arith.xori %lt3A_408, %lt3A_410 : i1
      %and3A_412 = arith.andi %ne3A_411, %ne3A_406 : i1
      %add3A_413 = arith.addi %rem3A_404, %select_n3A_403 : i32
      %select_n3A_414 = arith.select %and3A_412, %add3A_413, %rem3A_404 : i32
      %jit3A_415 = arith.constant 6 : i32
      %eq3A_416 = arith.constant 0 : i32
      %eq3A_417 = arith.cmpi eq, %jit3A_415, %eq3A_416 : i32
      %jit3A_418 = arith.constant 1 : i32
      %select_n3A_419 = arith.select %eq3A_417, %jit3A_418, %jit3A_415 : i32
      %rem3A_420 = arith.remsi %add3A_374, %select_n3A_419 : i32
      %ne3A_421 = arith.constant 0 : i32
      %ne3A_422 = arith.cmpi ne, %rem3A_420, %ne3A_421 : i32
      %lt3A_423 = arith.constant 0 : i32
      %lt3A_424 = arith.cmpi slt, %rem3A_420, %lt3A_423 : i32
      %lt3A_425 = arith.constant 0 : i32
      %lt3A_426 = arith.cmpi slt, %select_n3A_419, %lt3A_425 : i32
      %ne3A_427 = arith.xori %lt3A_424, %lt3A_426 : i1
      %and3A_428 = arith.andi %ne3A_427, %ne3A_422 : i1
      %add3A_429 = arith.addi %rem3A_420, %select_n3A_419 : i32
      %select_n3A_430 = arith.select %and3A_428, %add3A_429, %rem3A_420 : i32
      %dma_start3A_431 = arith.constant 1 : i32
      %dma_start3A_432 = arith.constant 0 : i32
      %dma_start3A_433 = arith.constant 0 : i32
      %dma_start3A_434 = tpu.memref_slice %arg11[%dma_start3A_431, %dma_start3A_432, %dma_start3A_433] : memref<2x112x128xf32, #tpu.memory_space<vmem>> -> memref<1x112x128xf32, #tpu.memory_space<vmem>>
      %dma_start3A_435 = tpu.memref_squeeze %dma_start3A_434 : memref<1x112x128xf32, #tpu.memory_space<vmem>> -> memref<112x128xf32, #tpu.memory_space<vmem>>
      %dma_start3A_436 = arith.constant 0 : i32
      %dma_start3A_437 = tpu.memref_slice %arg10[%select_n3A_414, %select_n3A_430, %dma_start3A_436] : memref<2x6x112xi32, #tpu.memory_space<vmem>> -> memref<1x1x112xi32, #tpu.memory_space<vmem>>
      %dma_start3A_438 = tpu.memref_squeeze %dma_start3A_437 : memref<1x1x112xi32, #tpu.memory_space<vmem>> -> memref<112xi32, #tpu.memory_space<vmem>>
      %dma_start3A_439 = arith.constant 0 : i32
      %dma_start3A_440 = arith.constant 0 : i32
      %dma_start3A_441 = tpu.memref_slice %arg13[%dma_start3A_439, %dma_start3A_440] : memref<10112x128xf32, #tpu.memory_space<vmem_shared>> -> memref<10112x128xf32, #tpu.memory_space<vmem_shared>>
      tpu.enqueue_indirect_dma source(%dma_start3A_435 : memref<112x128xf32, #tpu.memory_space<vmem>>) target(%dma_start3A_441 : memref<10112x128xf32, #tpu.memory_space<vmem_shared>>) offsets(%dma_start3A_438 : memref<112xi32, #tpu.memory_space<vmem>>) semaphore(%arg17 : memref<!tpu.dma_semaphore, #tpu.memory_space<semaphore_mem>>) {add = true}
      %dma_wait3A_442 = arith.constant 0 : i32
      %dma_wait3A_443 = arith.constant 0 : i32
      %dma_wait3A_444 = arith.constant 0 : i32
      %dma_wait3A_445 = arith.constant 0 : i32
      %dma_wait3A_446 = arith.constant 0 : i32
      %dma_wait3A_447 = tpu.memref_slice %arg11[%dma_wait3A_442, %dma_wait3A_445, %dma_wait3A_446] : memref<2x112x128xf32, #tpu.memory_space<vmem>> -> memref<1x112x128xf32, #tpu.memory_space<vmem>>
      %dma_wait3A_448 = tpu.memref_squeeze %dma_wait3A_447 : memref<1x112x128xf32, #tpu.memory_space<vmem>> -> memref<112x128xf32, #tpu.memory_space<vmem>>
      %dma_wait3A_449 = arith.constant 0 : i32
      %dma_wait3A_450 = tpu.memref_slice %arg10[%dma_wait3A_443, %dma_wait3A_444, %dma_wait3A_449] : memref<2x6x112xi32, #tpu.memory_space<vmem>> -> memref<1x1x112xi32, #tpu.memory_space<vmem>>
      %dma_wait3A_451 = tpu.memref_squeeze %dma_wait3A_450 : memref<1x1x112xi32, #tpu.memory_space<vmem>> -> memref<112xi32, #tpu.memory_space<vmem>>
      %dma_wait3A_452 = arith.constant 0 : i32
      %dma_wait3A_453 = arith.constant 0 : i32
      %dma_wait3A_454 = tpu.memref_slice %arg13[%dma_wait3A_452, %dma_wait3A_453] : memref<10112x128xf32, #tpu.memory_space<vmem_shared>> -> memref<10112x128xf32, #tpu.memory_space<vmem_shared>>
      tpu.wait_indirect_dma semaphore(%arg17 : memref<!tpu.dma_semaphore, #tpu.memory_space<semaphore_mem>>) src(%dma_wait3A_448 : memref<112x128xf32, #tpu.memory_space<vmem>>) dst(%dma_wait3A_454 : memref<10112x128xf32, #tpu.memory_space<vmem_shared>>)
    }
    %barrier3A_133 = arith.constant 0 : index
    tpu.barrier barrier_id(%barrier3A_133)
    "tpu.region"() ({
      %run_scoped3A = tpu.sem_alloc : memref<!tpu.dma_semaphore, #tpu.memory_space<semaphore_mem>>
      %dma_start3A_134 = arith.constant 0 : i32
      %dma_start3A_135 = tpu.memref_slice %arg8[%arg0, %mul3A_28, %dma_start3A_134] : memref<2x10112x128xf32, #tpu.memory_space<hbm>> -> memref<1x632x128xf32, #tpu.memory_space<hbm>>
      %dma_start3A_136 = tpu.memref_squeeze %dma_start3A_135 : memref<1x632x128xf32, #tpu.memory_space<hbm>> -> memref<632x128xf32, #tpu.memory_space<hbm>>
      %dma_start3A_137 = arith.constant 0 : i32
      %dma_start3A_138 = tpu.memref_slice %arg13[%mul3A_28, %dma_start3A_137] : memref<10112x128xf32, #tpu.memory_space<vmem_shared>> -> memref<632x128xf32, #tpu.memory_space<vmem_shared>>
      tpu.enqueue_dma source(%dma_start3A_138 : memref<632x128xf32, #tpu.memory_space<vmem_shared>>) target(%dma_start3A_136 : memref<632x128xf32, #tpu.memory_space<hbm>>) target_semaphore(%run_scoped3A : memref<!tpu.dma_semaphore, #tpu.memory_space<semaphore_mem>>)
      %dma_wait3A_139 = arith.constant 0 : i32
      %dma_wait3A_140 = tpu.memref_slice %arg8[%arg0, %mul3A_28, %dma_wait3A_139] : memref<2x10112x128xf32, #tpu.memory_space<hbm>> -> memref<1x632x128xf32, #tpu.memory_space<hbm>>
      %dma_wait3A_141 = tpu.memref_squeeze %dma_wait3A_140 : memref<1x632x128xf32, #tpu.memory_space<hbm>> -> memref<632x128xf32, #tpu.memory_space<hbm>>
      %dma_wait3A_142 = arith.constant 0 : i32
      %dma_wait3A_143 = tpu.memref_slice %arg13[%mul3A_28, %dma_wait3A_142] : memref<10112x128xf32, #tpu.memory_space<vmem_shared>> -> memref<632x128xf32, #tpu.memory_space<vmem_shared>>
      tpu.wait_dma2 semaphore(%run_scoped3A : memref<!tpu.dma_semaphore, #tpu.memory_space<semaphore_mem>>) src(%dma_wait3A_143 : memref<632x128xf32, #tpu.memory_space<vmem_shared>>) dst(%dma_wait3A_141 : memref<632x128xf32, #tpu.memory_space<hbm>>)
      tpu.yield
    }) : () -> ()
    return
  }
}

module attributes {stable_mosaic.version = 14 : i64} {
  func.func @_idx_body(%arg0: memref<2520x128xi32, #tpu.memory_space<vmem>>, %arg1: memref<2520x128xi32, #tpu.memory_space<vmem>>, %arg2: memref<2520x128xi32, #tpu.memory_space<vmem>>) attributes {dimension_semantics = [], scalar_prefetch = 0 : i64, scratch_operands = 0 : i64, tpu.core_type = #tpu.core_type<tc>} {
    %get3A = arith.constant 0 : index
    %get3A_0 = arith.constant 0 : index
    %get3A_1 = vector.load %arg0[%get3A, %get3A_0] : memref<2520x128xi32, #tpu.memory_space<vmem>>, vector<2520x128xi32>
    %ge3A = arith.constant 64 : i32
    %ge3A_2 = vector.broadcast %ge3A : i32 to vector<2520x128xi32>
    %ge3A_3 = arith.cmpi sge, %get3A_1, %ge3A_2 : vector<2520x128xi32>
    %convert_element_type3A = arith.extui %ge3A_3 : vector<2520x128xi1> to vector<2520x128xi32>
    %ge3A_4 = arith.constant 128 : i32
    %ge3A_5 = vector.broadcast %ge3A_4 : i32 to vector<2520x128xi32>
    %ge3A_6 = arith.cmpi sge, %get3A_1, %ge3A_5 : vector<2520x128xi32>
    %convert_element_type3A_7 = arith.extui %ge3A_6 : vector<2520x128xi1> to vector<2520x128xi32>
    %add3A = arith.addi %convert_element_type3A, %convert_element_type3A_7 : vector<2520x128xi32>
    %mul3A = arith.constant 10000 : i32
    %mul3A_8 = vector.broadcast %mul3A : i32 to vector<2520x128xi32>
    %mul3A_9 = arith.muli %add3A, %mul3A_8 : vector<2520x128xi32>
    %get3A_10 = arith.constant 0 : index
    %get3A_11 = arith.constant 0 : index
    %get3A_12 = vector.load %arg1[%get3A_10, %get3A_11] : memref<2520x128xi32, #tpu.memory_space<vmem>>, vector<2520x128xi32>
    %add3A_13 = arith.addi %mul3A_9, %get3A_12 : vector<2520x128xi32>
    %swap3A = arith.constant 0 : index
    %swap3A_14 = arith.constant 0 : index
    %swap3A_15 = vector.load %arg2[%swap3A, %swap3A_14] : memref<2520x128xi32, #tpu.memory_space<vmem>>, vector<2520x128xi32>
    tpu.vector_store %arg2[%swap3A, %swap3A_14], %add3A_13 {strides = array<i32>} : memref<2520x128xi32, #tpu.memory_space<vmem>>, vector<2520x128xi32>,
    return
  }
}

module attributes {stable_mosaic.version = 14 : i64} {
  func.func @_proj_body(%arg0: i32, %arg1: i32, %arg2: memref<1000x128xf32, #tpu.memory_space<vmem>>, %arg3: memref<1x128x128xf32, #tpu.memory_space<vmem>>, %arg4: memref<1x1x128xf32, #tpu.memory_space<vmem>>, %arg5: memref<1x1000x128xf32, #tpu.memory_space<vmem>>) attributes {dimension_semantics = [#tpu.dimension_semantics<arbitrary>, #tpu.dimension_semantics<arbitrary>], iteration_bounds = array<i64: 3, 10>, scalar_prefetch = 0 : i64, scratch_operands = 0 : i64, tpu.core_type = #tpu.core_type<tc>, window_params = [{transform_indices = @transform_0, window_bounds = array<i64: 1000, 128>}, {transform_indices = @transform_1, window_bounds = array<i64: 1, 128, 128>}, {transform_indices = @transform_2, window_bounds = array<i64: 1, 1, 128>}, {transform_indices = @transform_3, window_bounds = array<i64: 1, 1000, 128>}]} {
    %get3A = arith.constant 0 : index
    %get3A_0 = arith.constant 0 : index
    %get3A_1 = vector.load %arg2[%get3A, %get3A_0] : memref<1000x128xf32, #tpu.memory_space<vmem>>, vector<1000x128xf32>
    %get3A_2 = arith.constant 0 : index
    %get3A_3 = arith.constant 0 : index
    %get3A_4 = arith.constant 0 : index
    %get3A_5 = vector.load %arg3[%get3A_2, %get3A_3, %get3A_4] : memref<1x128x128xf32, #tpu.memory_space<vmem>>, vector<1x128x128xf32>
    %get3A_6 = vector.shape_cast %get3A_5 : vector<1x128x128xf32> to vector<128x128xf32>
    %dot_general3A = arith.constant dense<0.000000e+00> : vector<1000x128xf32>
    %dot_general3A_7 = tpu.matmul %get3A_1, %get3A_6, %dot_general3A {dimension_numbers = #tpu.dot_dimension_numbers<[1], [0], [0], [1], [0, 0, 1, 1], [], []>, transpose_lhs_hint = false} : vector<1000x128xf32>, vector<128x128xf32>, vector<1000x128xf32> -> vector<1000x128xf32>
    %get3A_8 = arith.constant 0 : index
    %get3A_9 = arith.constant 0 : index
    %get3A_10 = arith.constant 0 : index
    %get3A_11 = vector.load %arg4[%get3A_8, %get3A_9, %get3A_10] : memref<1x1x128xf32, #tpu.memory_space<vmem>>, vector<1x1x128xf32>
    %get3A_12 = vector.shape_cast %get3A_11 : vector<1x1x128xf32> to vector<1x128xf32>
    %add3A = vector.broadcast %get3A_12 : vector<1x128xf32> to vector<1000x128xf32>
    %add3A_13 = arith.addf %dot_general3A_7, %add3A : vector<1000x128xf32>
    %broadcast_in_dim3A = vector.shape_cast %add3A_13 : vector<1000x128xf32> to vector<1x1000x128xf32>
    %swap3A = arith.constant 0 : index
    %swap3A_14 = arith.constant 0 : index
    %swap3A_15 = arith.constant 0 : index
    %swap3A_16 = vector.load %arg5[%swap3A, %swap3A_14, %swap3A_15] : memref<1x1000x128xf32, #tpu.memory_space<vmem>>, vector<1x1000x128xf32>
    tpu.vector_store %arg5[%swap3A, %swap3A_14, %swap3A_15], %broadcast_in_dim3A {strides = array<i32>} : memref<1x1000x128xf32, #tpu.memory_space<vmem>>, vector<1x1000x128xf32>,
    return
  }
  func.func @transform_0(%arg0: i32, %arg1: i32) -> (i32, i32) {
    %c0_i32 = arith.constant 0 : i32
    %c0_i32_0 = arith.constant 0 : i32
    return %arg1, %c0_i32 : i32, i32
  }
  func.func @transform_1(%arg0: i32, %arg1: i32) -> (i32, i32, i32) {
    %c0_i32 = arith.constant 0 : i32
    %c0_i32_0 = arith.constant 0 : i32
    %c0_i32_1 = arith.constant 0 : i32
    return %arg0, %c0_i32, %c0_i32_0 : i32, i32, i32
  }
  func.func @transform_2(%arg0: i32, %arg1: i32) -> (i32, i32, i32) {
    %c0_i32 = arith.constant 0 : i32
    %c0_i32_0 = arith.constant 0 : i32
    %c0_i32_1 = arith.constant 0 : i32
    return %arg0, %c0_i32, %c0_i32_0 : i32, i32, i32
  }
  func.func @transform_3(%arg0: i32, %arg1: i32) -> (i32, i32, i32) {
    %c0_i32 = arith.constant 0 : i32
    %c0_i32_0 = arith.constant 0 : i32
    return %arg0, %arg1, %c0_i32 : i32, i32, i32
  }
}

module attributes {stable_mosaic.version = 14 : i64} {
  func.func @_postproj_body(%arg0: i32, %arg1: memref<2x1000x128xf32, #tpu.memory_space<vmem>>, %arg2: memref<2x1000x16xf32, #tpu.memory_space<vmem>>, %arg3: memref<1000x128xf32, #tpu.memory_space<vmem>>, %arg4: memref<128x128xf32, #tpu.memory_space<vmem>>, %arg5: memref<1x128xf32, #tpu.memory_space<vmem>>, %arg6: memref<1x128xf32, #tpu.memory_space<vmem>>, %arg7: memref<1x128xf32, #tpu.memory_space<vmem>>, %arg8: memref<3x128x128xf32, #tpu.memory_space<vmem>>, %arg9: memref<3x1x128xf32, #tpu.memory_space<vmem>>, %arg10: memref<1000x128xf32, #tpu.memory_space<vmem>>, %arg11: memref<3x1000x128xf32, #tpu.memory_space<vmem>>) attributes {dimension_semantics = [#tpu.dimension_semantics<arbitrary>], iteration_bounds = array<i64: 10>, scalar_prefetch = 0 : i64, scratch_operands = 0 : i64, tpu.core_type = #tpu.core_type<tc>, window_params = [{transform_indices = @transform_0, window_bounds = array<i64: 2, 1000, 128>}, {transform_indices = @transform_1, window_bounds = array<i64: 2, 1000, 16>}, {transform_indices = @transform_2, window_bounds = array<i64: 1000, 128>}, {pipeline_mode = #tpu.pipeline_mode<synchronous>, transform_indices = @transform_3, window_bounds = array<i64: 128, 128>}, {pipeline_mode = #tpu.pipeline_mode<synchronous>, transform_indices = @transform_4, window_bounds = array<i64: 1, 128>}, {pipeline_mode = #tpu.pipeline_mode<synchronous>, transform_indices = @transform_5, window_bounds = array<i64: 1, 128>}, {pipeline_mode = #tpu.pipeline_mode<synchronous>, transform_indices = @transform_6, window_bounds = array<i64: 1, 128>}, {pipeline_mode = #tpu.pipeline_mode<synchronous>, transform_indices = @transform_7, window_bounds = array<i64: 3, 128, 128>}, {pipeline_mode = #tpu.pipeline_mode<synchronous>, transform_indices = @transform_8, window_bounds = array<i64: 3, 1, 128>}, {transform_indices = @transform_9, window_bounds = array<i64: 1000, 128>}, {transform_indices = @transform_10, window_bounds = array<i64: 3, 1000, 128>}]} {
    %get3A = arith.constant 0 : index
    %get3A_0 = arith.constant 0 : index
    %get3A_1 = arith.constant 0 : index
    %get3A_2 = vector.load %arg1[%get3A, %get3A_0, %get3A_1] : memref<2x1000x128xf32, #tpu.memory_space<vmem>>, vector<1x1000x128xf32>
    %get3A_3 = vector.shape_cast %get3A_2 : vector<1x1000x128xf32> to vector<1000x128xf32>
    %get3A_4 = arith.constant 1 : index
    %get3A_5 = arith.constant 0 : index
    %get3A_6 = arith.constant 0 : index
    %get3A_7 = vector.load %arg1[%get3A_4, %get3A_5, %get3A_6] : memref<2x1000x128xf32, #tpu.memory_space<vmem>>, vector<1x1000x128xf32>
    %get3A_8 = vector.shape_cast %get3A_7 : vector<1x1000x128xf32> to vector<1000x128xf32>
    %add3A = arith.addf %get3A_3, %get3A_8 : vector<1000x128xf32>
    %get3A_9 = arith.constant 0 : index
    %get3A_10 = arith.constant 0 : index
    %get3A_11 = arith.constant 0 : index
    %get3A_12 = vector.load %arg2[%get3A_9, %get3A_10, %get3A_11] : memref<2x1000x16xf32, #tpu.memory_space<vmem>>, vector<1x1000x16xf32>
    %get3A_13 = vector.shape_cast %get3A_12 : vector<1x1000x16xf32> to vector<1000x16xf32>
    %get3A_14 = arith.constant 1 : index
    %get3A_15 = arith.constant 0 : index
    %get3A_16 = arith.constant 0 : index
    %get3A_17 = vector.load %arg2[%get3A_14, %get3A_15, %get3A_16] : memref<2x1000x16xf32, #tpu.memory_space<vmem>>, vector<1x1000x16xf32>
    %get3A_18 = vector.shape_cast %get3A_17 : vector<1x1000x16xf32> to vector<1000x16xf32>
    %add3A_19 = arith.addf %get3A_13, %get3A_18 : vector<1000x16xf32>
    %reduce_sum3A = arith.constant dense<0.000000e+00> : vector<1000xf32>
    %reduce_sum3A_20 = vector.multi_reduction <add>, %add3A_19, %reduce_sum3A [1] : vector<1000x16xf32> to vector<1000xf32>
    %broadcast_in_dim3A = vector.shape_cast %reduce_sum3A_20 : vector<1000xf32> to vector<1000x1xf32>
    %mul3A = arith.constant 6.250000e-02 : f32
    %mul3A_21 = vector.broadcast %mul3A : f32 to vector<1000x1xf32>
    %mul3A_22 = arith.mulf %broadcast_in_dim3A, %mul3A_21 : vector<1000x1xf32>
    %max3A = arith.constant 1.000000e+00 : f32
    %max3A_23 = vector.broadcast %max3A : f32 to vector<1000x1xf32>
    %max3A_24 = arith.maximumf %mul3A_22, %max3A_23 : vector<1000x1xf32>
    %div3A = vector.broadcast %max3A_24 : vector<1000x1xf32> to vector<1000x128xf32>
    %div3A_25 = arith.divf %add3A, %div3A : vector<1000x128xf32>
    %max3A_26 = arith.constant 0.000000e+00 : f32
    %max3A_27 = vector.broadcast %max3A_26 : f32 to vector<1000x128xf32>
    %max3A_28 = arith.maximumf %div3A_25, %max3A_27 : vector<1000x128xf32>
    %get3A_29 = arith.constant 0 : index
    %get3A_30 = arith.constant 0 : index
    %get3A_31 = vector.load %arg3[%get3A_29, %get3A_30] : memref<1000x128xf32, #tpu.memory_space<vmem>>, vector<1000x128xf32>
    %get3A_32 = arith.constant 0 : index
    %get3A_33 = arith.constant 0 : index
    %get3A_34 = vector.load %arg4[%get3A_32, %get3A_33] : memref<128x128xf32, #tpu.memory_space<vmem>>, vector<128x128xf32>
    %dot_general3A = arith.constant dense<0.000000e+00> : vector<1000x128xf32>
    %dot_general3A_35 = tpu.matmul %get3A_31, %get3A_34, %dot_general3A {dimension_numbers = #tpu.dot_dimension_numbers<[1], [0], [0], [1], [0, 0, 1, 1], [], []>, transpose_lhs_hint = false} : vector<1000x128xf32>, vector<128x128xf32>, vector<1000x128xf32> -> vector<1000x128xf32>
    %add3A_36 = arith.addf %max3A_28, %dot_general3A_35 : vector<1000x128xf32>
    %get3A_37 = arith.constant 0 : index
    %get3A_38 = arith.constant 0 : index
    %get3A_39 = vector.load %arg5[%get3A_37, %get3A_38] : memref<1x128xf32, #tpu.memory_space<vmem>>, vector<1x128xf32>
    %add3A_40 = vector.broadcast %get3A_39 : vector<1x128xf32> to vector<1000x128xf32>
    %add3A_41 = arith.addf %add3A_36, %add3A_40 : vector<1000x128xf32>
    %reduce_sum3A_42 = arith.constant dense<0.000000e+00> : vector<1000xf32>
    %reduce_sum3A_43 = vector.multi_reduction <add>, %add3A_41, %reduce_sum3A_42 [1] : vector<1000x128xf32> to vector<1000xf32>
    %broadcast_in_dim3A_44 = vector.shape_cast %reduce_sum3A_43 : vector<1000xf32> to vector<1000x1xf32>
    %div3A_45 = arith.constant 1.280000e+02 : f32
    %div3A_46 = vector.broadcast %div3A_45 : f32 to vector<1000x1xf32>
    %div3A_47 = arith.divf %broadcast_in_dim3A_44, %div3A_46 : vector<1000x1xf32>
    %sub3A = vector.broadcast %div3A_47 : vector<1000x1xf32> to vector<1000x128xf32>
    %sub3A_48 = arith.subf %add3A_41, %sub3A : vector<1000x128xf32>
    %mul3A_49 = arith.mulf %sub3A_48, %sub3A_48 : vector<1000x128xf32>
    %reduce_sum3A_50 = arith.constant dense<0.000000e+00> : vector<1000xf32>
    %reduce_sum3A_51 = vector.multi_reduction <add>, %mul3A_49, %reduce_sum3A_50 [1] : vector<1000x128xf32> to vector<1000xf32>
    %broadcast_in_dim3A_52 = vector.shape_cast %reduce_sum3A_51 : vector<1000xf32> to vector<1000x1xf32>
    %div3A_53 = arith.constant 1.280000e+02 : f32
    %div3A_54 = vector.broadcast %div3A_53 : f32 to vector<1000x1xf32>
    %div3A_55 = arith.divf %broadcast_in_dim3A_52, %div3A_54 : vector<1000x1xf32>
    %get3A_56 = arith.constant 0 : index
    %get3A_57 = arith.constant 0 : index
    %get3A_58 = vector.load %arg6[%get3A_56, %get3A_57] : memref<1x128xf32, #tpu.memory_space<vmem>>, vector<1x128xf32>
    %add3A_59 = arith.constant 9.99999974E-6 : f32
    %add3A_60 = vector.broadcast %add3A_59 : f32 to vector<1000x1xf32>
    %add3A_61 = arith.addf %div3A_55, %add3A_60 : vector<1000x1xf32>
    %rsqrt3A = math.rsqrt %add3A_61 : vector<1000x1xf32>
    %mul3A_62 = vector.broadcast %rsqrt3A : vector<1000x1xf32> to vector<1000x128xf32>
    %mul3A_63 = arith.mulf %sub3A_48, %mul3A_62 : vector<1000x128xf32>
    %mul3A_64 = vector.broadcast %get3A_58 : vector<1x128xf32> to vector<1000x128xf32>
    %mul3A_65 = arith.mulf %mul3A_64, %mul3A_63 : vector<1000x128xf32>
    %get3A_66 = arith.constant 0 : index
    %get3A_67 = arith.constant 0 : index
    %get3A_68 = vector.load %arg7[%get3A_66, %get3A_67] : memref<1x128xf32, #tpu.memory_space<vmem>>, vector<1x128xf32>
    %add3A_69 = vector.broadcast %get3A_68 : vector<1x128xf32> to vector<1000x128xf32>
    %add3A_70 = arith.addf %mul3A_65, %add3A_69 : vector<1000x128xf32>
    %swap3A = arith.constant 0 : index
    %swap3A_71 = arith.constant 0 : index
    %swap3A_72 = vector.load %arg10[%swap3A, %swap3A_71] : memref<1000x128xf32, #tpu.memory_space<vmem>>, vector<1000x128xf32>
    tpu.vector_store %arg10[%swap3A, %swap3A_71], %add3A_70 {strides = array<i32>} : memref<1000x128xf32, #tpu.memory_space<vmem>>, vector<1000x128xf32>,
    %get3A_73 = arith.constant 0 : index
    %get3A_74 = arith.constant 0 : index
    %get3A_75 = arith.constant 0 : index
    %get3A_76 = vector.load %arg8[%get3A_73, %get3A_74, %get3A_75] : memref<3x128x128xf32, #tpu.memory_space<vmem>>, vector<1x128x128xf32>
    %get3A_77 = vector.shape_cast %get3A_76 : vector<1x128x128xf32> to vector<128x128xf32>
    %dot_general3A_78 = arith.constant dense<0.000000e+00> : vector<1000x128xf32>
    %dot_general3A_79 = tpu.matmul %add3A_70, %get3A_77, %dot_general3A_78 {dimension_numbers = #tpu.dot_dimension_numbers<[1], [0], [0], [1], [0, 0, 1, 1], [], []>, transpose_lhs_hint = false} : vector<1000x128xf32>, vector<128x128xf32>, vector<1000x128xf32> -> vector<1000x128xf32>
    %get3A_80 = arith.constant 0 : index
    %get3A_81 = arith.constant 0 : index
    %get3A_82 = arith.constant 0 : index
    %get3A_83 = vector.load %arg9[%get3A_80, %get3A_81, %get3A_82] : memref<3x1x128xf32, #tpu.memory_space<vmem>>, vector<1x1x128xf32>
    %get3A_84 = vector.shape_cast %get3A_83 : vector<1x1x128xf32> to vector<1x128xf32>
    %add3A_85 = vector.broadcast %get3A_84 : vector<1x128xf32> to vector<1000x128xf32>
    %add3A_86 = arith.addf %dot_general3A_79, %add3A_85 : vector<1000x128xf32>
    %swap3A_87 = arith.constant 0 : index
    %swap3A_88 = arith.constant 0 : index
    %swap3A_89 = arith.constant 0 : index
    %swap3A_90 = vector.load %arg11[%swap3A_87, %swap3A_88, %swap3A_89] : memref<3x1000x128xf32, #tpu.memory_space<vmem>>, vector<1x1000x128xf32>
    %swap3A_91 = vector.shape_cast %swap3A_90 : vector<1x1000x128xf32> to vector<1000x128xf32>
    %swap3A_92 = vector.shape_cast %add3A_86 : vector<1000x128xf32> to vector<1x1000x128xf32>
    tpu.vector_store %arg11[%swap3A_87, %swap3A_88, %swap3A_89], %swap3A_92 {strides = array<i32>} : memref<3x1000x128xf32, #tpu.memory_space<vmem>>, vector<1x1000x128xf32>,
    %get3A_93 = arith.constant 1 : index
    %get3A_94 = arith.constant 0 : index
    %get3A_95 = arith.constant 0 : index
    %get3A_96 = vector.load %arg8[%get3A_93, %get3A_94, %get3A_95] : memref<3x128x128xf32, #tpu.memory_space<vmem>>, vector<1x128x128xf32>
    %get3A_97 = vector.shape_cast %get3A_96 : vector<1x128x128xf32> to vector<128x128xf32>
    %dot_general3A_98 = arith.constant dense<0.000000e+00> : vector<1000x128xf32>
    %dot_general3A_99 = tpu.matmul %add3A_70, %get3A_97, %dot_general3A_98 {dimension_numbers = #tpu.dot_dimension_numbers<[1], [0], [0], [1], [0, 0, 1, 1], [], []>, transpose_lhs_hint = false} : vector<1000x128xf32>, vector<128x128xf32>, vector<1000x128xf32> -> vector<1000x128xf32>
    %get3A_100 = arith.constant 1 : index
    %get3A_101 = arith.constant 0 : index
    %get3A_102 = arith.constant 0 : index
    %get3A_103 = vector.load %arg9[%get3A_100, %get3A_101, %get3A_102] : memref<3x1x128xf32, #tpu.memory_space<vmem>>, vector<1x1x128xf32>
    %get3A_104 = vector.shape_cast %get3A_103 : vector<1x1x128xf32> to vector<1x128xf32>
    %add3A_105 = vector.broadcast %get3A_104 : vector<1x128xf32> to vector<1000x128xf32>
    %add3A_106 = arith.addf %dot_general3A_99, %add3A_105 : vector<1000x128xf32>
    %swap3A_107 = arith.constant 1 : index
    %swap3A_108 = arith.constant 0 : index
    %swap3A_109 = arith.constant 0 : index
    %swap3A_110 = vector.load %arg11[%swap3A_107, %swap3A_108, %swap3A_109] : memref<3x1000x128xf32, #tpu.memory_space<vmem>>, vector<1x1000x128xf32>
    %swap3A_111 = vector.shape_cast %swap3A_110 : vector<1x1000x128xf32> to vector<1000x128xf32>
    %swap3A_112 = vector.shape_cast %add3A_106 : vector<1000x128xf32> to vector<1x1000x128xf32>
    tpu.vector_store %arg11[%swap3A_107, %swap3A_108, %swap3A_109], %swap3A_112 {strides = array<i32>} : memref<3x1000x128xf32, #tpu.memory_space<vmem>>, vector<1x1000x128xf32>,
    %get3A_113 = arith.constant 2 : index
    %get3A_114 = arith.constant 0 : index
    %get3A_115 = arith.constant 0 : index
    %get3A_116 = vector.load %arg8[%get3A_113, %get3A_114, %get3A_115] : memref<3x128x128xf32, #tpu.memory_space<vmem>>, vector<1x128x128xf32>
    %get3A_117 = vector.shape_cast %get3A_116 : vector<1x128x128xf32> to vector<128x128xf32>
    %dot_general3A_118 = arith.constant dense<0.000000e+00> : vector<1000x128xf32>
    %dot_general3A_119 = tpu.matmul %add3A_70, %get3A_117, %dot_general3A_118 {dimension_numbers = #tpu.dot_dimension_numbers<[1], [0], [0], [1], [0, 0, 1, 1], [], []>, transpose_lhs_hint = false} : vector<1000x128xf32>, vector<128x128xf32>, vector<1000x128xf32> -> vector<1000x128xf32>
    %get3A_120 = arith.constant 2 : index
    %get3A_121 = arith.constant 0 : index
    %get3A_122 = arith.constant 0 : index
    %get3A_123 = vector.load %arg9[%get3A_120, %get3A_121, %get3A_122] : memref<3x1x128xf32, #tpu.memory_space<vmem>>, vector<1x1x128xf32>
    %get3A_124 = vector.shape_cast %get3A_123 : vector<1x1x128xf32> to vector<1x128xf32>
    %add3A_125 = vector.broadcast %get3A_124 : vector<1x128xf32> to vector<1000x128xf32>
    %add3A_126 = arith.addf %dot_general3A_119, %add3A_125 : vector<1000x128xf32>
    %swap3A_127 = arith.constant 2 : index
    %swap3A_128 = arith.constant 0 : index
    %swap3A_129 = arith.constant 0 : index
    %swap3A_130 = vector.load %arg11[%swap3A_127, %swap3A_128, %swap3A_129] : memref<3x1000x128xf32, #tpu.memory_space<vmem>>, vector<1x1000x128xf32>
    %swap3A_131 = vector.shape_cast %swap3A_130 : vector<1x1000x128xf32> to vector<1000x128xf32>
    %swap3A_132 = vector.shape_cast %add3A_126 : vector<1000x128xf32> to vector<1x1000x128xf32>
    tpu.vector_store %arg11[%swap3A_127, %swap3A_128, %swap3A_129], %swap3A_132 {strides = array<i32>} : memref<3x1000x128xf32, #tpu.memory_space<vmem>>, vector<1x1000x128xf32>,
    return
  }
  func.func @transform_0(%arg0: i32) -> (i32, i32, i32) {
    %c0_i32 = arith.constant 0 : i32
    %c0_i32_0 = arith.constant 0 : i32
    %c0_i32_1 = arith.constant 0 : i32
    return %c0_i32, %arg0, %c0_i32_0 : i32, i32, i32
  }
  func.func @transform_1(%arg0: i32) -> (i32, i32, i32) {
    %c0_i32 = arith.constant 0 : i32
    %c0_i32_0 = arith.constant 0 : i32
    %c0_i32_1 = arith.constant 0 : i32
    return %c0_i32, %arg0, %c0_i32_0 : i32, i32, i32
  }
  func.func @transform_2(%arg0: i32) -> (i32, i32) {
    %c0_i32 = arith.constant 0 : i32
    %c0_i32_0 = arith.constant 0 : i32
    return %arg0, %c0_i32 : i32, i32
  }
  func.func @transform_3(%arg0: i32) -> (i32, i32) {
    %c0_i32 = arith.constant 0 : i32
    %c0_i32_0 = arith.constant 0 : i32
    %c0_i32_1 = arith.constant 0 : i32
    return %c0_i32, %c0_i32_0 : i32, i32
  }
  func.func @transform_4(%arg0: i32) -> (i32, i32) {
    %c0_i32 = arith.constant 0 : i32
    %c0_i32_0 = arith.constant 0 : i32
    %c0_i32_1 = arith.constant 0 : i32
    return %c0_i32, %c0_i32_0 : i32, i32
  }
  func.func @transform_5(%arg0: i32) -> (i32, i32) {
    %c0_i32 = arith.constant 0 : i32
    %c0_i32_0 = arith.constant 0 : i32
    %c0_i32_1 = arith.constant 0 : i32
    return %c0_i32, %c0_i32_0 : i32, i32
  }
  func.func @transform_6(%arg0: i32) -> (i32, i32) {
    %c0_i32 = arith.constant 0 : i32
    %c0_i32_0 = arith.constant 0 : i32
    %c0_i32_1 = arith.constant 0 : i32
    return %c0_i32, %c0_i32_0 : i32, i32
  }
  func.func @transform_7(%arg0: i32) -> (i32, i32, i32) {
    %c0_i32 = arith.constant 0 : i32
    %c0_i32_0 = arith.constant 0 : i32
    %c0_i32_1 = arith.constant 0 : i32
    %c0_i32_2 = arith.constant 0 : i32
    return %c0_i32, %c0_i32_0, %c0_i32_1 : i32, i32, i32
  }
  func.func @transform_8(%arg0: i32) -> (i32, i32, i32) {
    %c0_i32 = arith.constant 0 : i32
    %c0_i32_0 = arith.constant 0 : i32
    %c0_i32_1 = arith.constant 0 : i32
    %c0_i32_2 = arith.constant 0 : i32
    return %c0_i32, %c0_i32_0, %c0_i32_1 : i32, i32, i32
  }
  func.func @transform_9(%arg0: i32) -> (i32, i32) {
    %c0_i32 = arith.constant 0 : i32
    %c0_i32_0 = arith.constant 0 : i32
    return %arg0, %c0_i32 : i32, i32
  }
  func.func @transform_10(%arg0: i32) -> (i32, i32, i32) {
    %c0_i32 = arith.constant 0 : i32
    %c0_i32_0 = arith.constant 0 : i32
    %c0_i32_1 = arith.constant 0 : i32
    return %c0_i32, %arg0, %c0_i32_0 : i32, i32, i32
  }
}

module attributes {stable_mosaic.version = 14 : i64} {
  func.func @_post_body(%arg0: i32, %arg1: memref<2x1000x128xf32, #tpu.memory_space<vmem>>, %arg2: memref<2x1000x16xf32, #tpu.memory_space<vmem>>, %arg3: memref<1000x128xf32, #tpu.memory_space<vmem>>, %arg4: memref<128x128xf32, #tpu.memory_space<vmem>>, %arg5: memref<1x128xf32, #tpu.memory_space<vmem>>, %arg6: memref<1x128xf32, #tpu.memory_space<vmem>>, %arg7: memref<1x128xf32, #tpu.memory_space<vmem>>, %arg8: memref<1000x128xf32, #tpu.memory_space<vmem>>) attributes {dimension_semantics = [#tpu.dimension_semantics<arbitrary>], iteration_bounds = array<i64: 10>, scalar_prefetch = 0 : i64, scratch_operands = 0 : i64, tpu.core_type = #tpu.core_type<tc>, window_params = [{transform_indices = @transform_0, window_bounds = array<i64: 2, 1000, 128>}, {transform_indices = @transform_1, window_bounds = array<i64: 2, 1000, 16>}, {transform_indices = @transform_2, window_bounds = array<i64: 1000, 128>}, {pipeline_mode = #tpu.pipeline_mode<synchronous>, transform_indices = @transform_3, window_bounds = array<i64: 128, 128>}, {pipeline_mode = #tpu.pipeline_mode<synchronous>, transform_indices = @transform_4, window_bounds = array<i64: 1, 128>}, {pipeline_mode = #tpu.pipeline_mode<synchronous>, transform_indices = @transform_5, window_bounds = array<i64: 1, 128>}, {pipeline_mode = #tpu.pipeline_mode<synchronous>, transform_indices = @transform_6, window_bounds = array<i64: 1, 128>}, {transform_indices = @transform_7, window_bounds = array<i64: 1000, 128>}]} {
    %get3A = arith.constant 0 : index
    %get3A_0 = arith.constant 0 : index
    %get3A_1 = arith.constant 0 : index
    %get3A_2 = vector.load %arg1[%get3A, %get3A_0, %get3A_1] : memref<2x1000x128xf32, #tpu.memory_space<vmem>>, vector<1x1000x128xf32>
    %get3A_3 = vector.shape_cast %get3A_2 : vector<1x1000x128xf32> to vector<1000x128xf32>
    %get3A_4 = arith.constant 1 : index
    %get3A_5 = arith.constant 0 : index
    %get3A_6 = arith.constant 0 : index
    %get3A_7 = vector.load %arg1[%get3A_4, %get3A_5, %get3A_6] : memref<2x1000x128xf32, #tpu.memory_space<vmem>>, vector<1x1000x128xf32>
    %get3A_8 = vector.shape_cast %get3A_7 : vector<1x1000x128xf32> to vector<1000x128xf32>
    %add3A = arith.addf %get3A_3, %get3A_8 : vector<1000x128xf32>
    %get3A_9 = arith.constant 0 : index
    %get3A_10 = arith.constant 0 : index
    %get3A_11 = arith.constant 0 : index
    %get3A_12 = vector.load %arg2[%get3A_9, %get3A_10, %get3A_11] : memref<2x1000x16xf32, #tpu.memory_space<vmem>>, vector<1x1000x16xf32>
    %get3A_13 = vector.shape_cast %get3A_12 : vector<1x1000x16xf32> to vector<1000x16xf32>
    %get3A_14 = arith.constant 1 : index
    %get3A_15 = arith.constant 0 : index
    %get3A_16 = arith.constant 0 : index
    %get3A_17 = vector.load %arg2[%get3A_14, %get3A_15, %get3A_16] : memref<2x1000x16xf32, #tpu.memory_space<vmem>>, vector<1x1000x16xf32>
    %get3A_18 = vector.shape_cast %get3A_17 : vector<1x1000x16xf32> to vector<1000x16xf32>
    %add3A_19 = arith.addf %get3A_13, %get3A_18 : vector<1000x16xf32>
    %reduce_sum3A = arith.constant dense<0.000000e+00> : vector<1000xf32>
    %reduce_sum3A_20 = vector.multi_reduction <add>, %add3A_19, %reduce_sum3A [1] : vector<1000x16xf32> to vector<1000xf32>
    %broadcast_in_dim3A = vector.shape_cast %reduce_sum3A_20 : vector<1000xf32> to vector<1000x1xf32>
    %mul3A = arith.constant 6.250000e-02 : f32
    %mul3A_21 = vector.broadcast %mul3A : f32 to vector<1000x1xf32>
    %mul3A_22 = arith.mulf %broadcast_in_dim3A, %mul3A_21 : vector<1000x1xf32>
    %max3A = arith.constant 1.000000e+00 : f32
    %max3A_23 = vector.broadcast %max3A : f32 to vector<1000x1xf32>
    %max3A_24 = arith.maximumf %mul3A_22, %max3A_23 : vector<1000x1xf32>
    %div3A = vector.broadcast %max3A_24 : vector<1000x1xf32> to vector<1000x128xf32>
    %div3A_25 = arith.divf %add3A, %div3A : vector<1000x128xf32>
    %max3A_26 = arith.constant 0.000000e+00 : f32
    %max3A_27 = vector.broadcast %max3A_26 : f32 to vector<1000x128xf32>
    %max3A_28 = arith.maximumf %div3A_25, %max3A_27 : vector<1000x128xf32>
    %get3A_29 = arith.constant 0 : index
    %get3A_30 = arith.constant 0 : index
    %get3A_31 = vector.load %arg3[%get3A_29, %get3A_30] : memref<1000x128xf32, #tpu.memory_space<vmem>>, vector<1000x128xf32>
    %get3A_32 = arith.constant 0 : index
    %get3A_33 = arith.constant 0 : index
    %get3A_34 = vector.load %arg4[%get3A_32, %get3A_33] : memref<128x128xf32, #tpu.memory_space<vmem>>, vector<128x128xf32>
    %dot_general3A = arith.constant dense<0.000000e+00> : vector<1000x128xf32>
    %dot_general3A_35 = tpu.matmul %get3A_31, %get3A_34, %dot_general3A {dimension_numbers = #tpu.dot_dimension_numbers<[1], [0], [0], [1], [0, 0, 1, 1], [], []>, transpose_lhs_hint = false} : vector<1000x128xf32>, vector<128x128xf32>, vector<1000x128xf32> -> vector<1000x128xf32>
    %add3A_36 = arith.addf %max3A_28, %dot_general3A_35 : vector<1000x128xf32>
    %get3A_37 = arith.constant 0 : index
    %get3A_38 = arith.constant 0 : index
    %get3A_39 = vector.load %arg5[%get3A_37, %get3A_38] : memref<1x128xf32, #tpu.memory_space<vmem>>, vector<1x128xf32>
    %add3A_40 = vector.broadcast %get3A_39 : vector<1x128xf32> to vector<1000x128xf32>
    %add3A_41 = arith.addf %add3A_36, %add3A_40 : vector<1000x128xf32>
    %reduce_sum3A_42 = arith.constant dense<0.000000e+00> : vector<1000xf32>
    %reduce_sum3A_43 = vector.multi_reduction <add>, %add3A_41, %reduce_sum3A_42 [1] : vector<1000x128xf32> to vector<1000xf32>
    %broadcast_in_dim3A_44 = vector.shape_cast %reduce_sum3A_43 : vector<1000xf32> to vector<1000x1xf32>
    %div3A_45 = arith.constant 1.280000e+02 : f32
    %div3A_46 = vector.broadcast %div3A_45 : f32 to vector<1000x1xf32>
    %div3A_47 = arith.divf %broadcast_in_dim3A_44, %div3A_46 : vector<1000x1xf32>
    %sub3A = vector.broadcast %div3A_47 : vector<1000x1xf32> to vector<1000x128xf32>
    %sub3A_48 = arith.subf %add3A_41, %sub3A : vector<1000x128xf32>
    %mul3A_49 = arith.mulf %sub3A_48, %sub3A_48 : vector<1000x128xf32>
    %reduce_sum3A_50 = arith.constant dense<0.000000e+00> : vector<1000xf32>
    %reduce_sum3A_51 = vector.multi_reduction <add>, %mul3A_49, %reduce_sum3A_50 [1] : vector<1000x128xf32> to vector<1000xf32>
    %broadcast_in_dim3A_52 = vector.shape_cast %reduce_sum3A_51 : vector<1000xf32> to vector<1000x1xf32>
    %div3A_53 = arith.constant 1.280000e+02 : f32
    %div3A_54 = vector.broadcast %div3A_53 : f32 to vector<1000x1xf32>
    %div3A_55 = arith.divf %broadcast_in_dim3A_52, %div3A_54 : vector<1000x1xf32>
    %get3A_56 = arith.constant 0 : index
    %get3A_57 = arith.constant 0 : index
    %get3A_58 = vector.load %arg6[%get3A_56, %get3A_57] : memref<1x128xf32, #tpu.memory_space<vmem>>, vector<1x128xf32>
    %add3A_59 = arith.constant 9.99999974E-6 : f32
    %add3A_60 = vector.broadcast %add3A_59 : f32 to vector<1000x1xf32>
    %add3A_61 = arith.addf %div3A_55, %add3A_60 : vector<1000x1xf32>
    %rsqrt3A = math.rsqrt %add3A_61 : vector<1000x1xf32>
    %mul3A_62 = vector.broadcast %rsqrt3A : vector<1000x1xf32> to vector<1000x128xf32>
    %mul3A_63 = arith.mulf %sub3A_48, %mul3A_62 : vector<1000x128xf32>
    %mul3A_64 = vector.broadcast %get3A_58 : vector<1x128xf32> to vector<1000x128xf32>
    %mul3A_65 = arith.mulf %mul3A_64, %mul3A_63 : vector<1000x128xf32>
    %get3A_66 = arith.constant 0 : index
    %get3A_67 = arith.constant 0 : index
    %get3A_68 = vector.load %arg7[%get3A_66, %get3A_67] : memref<1x128xf32, #tpu.memory_space<vmem>>, vector<1x128xf32>
    %add3A_69 = vector.broadcast %get3A_68 : vector<1x128xf32> to vector<1000x128xf32>
    %add3A_70 = arith.addf %mul3A_65, %add3A_69 : vector<1000x128xf32>
    %swap3A = arith.constant 0 : index
    %swap3A_71 = arith.constant 0 : index
    %swap3A_72 = vector.load %arg8[%swap3A, %swap3A_71] : memref<1000x128xf32, #tpu.memory_space<vmem>>, vector<1000x128xf32>
    tpu.vector_store %arg8[%swap3A, %swap3A_71], %add3A_70 {strides = array<i32>} : memref<1000x128xf32, #tpu.memory_space<vmem>>, vector<1000x128xf32>,
    return
  }
  func.func @transform_0(%arg0: i32) -> (i32, i32, i32) {
    %c0_i32 = arith.constant 0 : i32
    %c0_i32_0 = arith.constant 0 : i32
    %c0_i32_1 = arith.constant 0 : i32
    return %c0_i32, %arg0, %c0_i32_0 : i32, i32, i32
  }
  func.func @transform_1(%arg0: i32) -> (i32, i32, i32) {
    %c0_i32 = arith.constant 0 : i32
    %c0_i32_0 = arith.constant 0 : i32
    %c0_i32_1 = arith.constant 0 : i32
    return %c0_i32, %arg0, %c0_i32_0 : i32, i32, i32
  }
  func.func @transform_2(%arg0: i32) -> (i32, i32) {
    %c0_i32 = arith.constant 0 : i32
    %c0_i32_0 = arith.constant 0 : i32
    return %arg0, %c0_i32 : i32, i32
  }
  func.func @transform_3(%arg0: i32) -> (i32, i32) {
    %c0_i32 = arith.constant 0 : i32
    %c0_i32_0 = arith.constant 0 : i32
    %c0_i32_1 = arith.constant 0 : i32
    return %c0_i32, %c0_i32_0 : i32, i32
  }
  func.func @transform_4(%arg0: i32) -> (i32, i32) {
    %c0_i32 = arith.constant 0 : i32
    %c0_i32_0 = arith.constant 0 : i32
    %c0_i32_1 = arith.constant 0 : i32
    return %c0_i32, %c0_i32_0 : i32, i32
  }
  func.func @transform_5(%arg0: i32) -> (i32, i32) {
    %c0_i32 = arith.constant 0 : i32
    %c0_i32_0 = arith.constant 0 : i32
    %c0_i32_1 = arith.constant 0 : i32
    return %c0_i32, %c0_i32_0 : i32, i32
  }
  func.func @transform_6(%arg0: i32) -> (i32, i32) {
    %c0_i32 = arith.constant 0 : i32
    %c0_i32_0 = arith.constant 0 : i32
    %c0_i32_1 = arith.constant 0 : i32
    return %c0_i32, %c0_i32_0 : i32, i32
  }
  func.func @transform_7(%arg0: i32) -> (i32, i32) {
    %c0_i32 = arith.constant 0 : i32
    %c0_i32_0 = arith.constant 0 : i32
    return %arg0, %c0_i32 : i32, i32
  }
}

</mosaic_0001>

<sc_bundles>
// kernel: kernel.11.cloned.1.call-start
scs
__scs_entry_jumppad:
0x0: {  	(pc) =	sbr.rel $0x88, $3  }
0x1: {  	(tag) =	ssettag $0x0;
	lr =	simm.s32 $0x1  }
0x2: {  	[smem:$0x3F8B] =	sst lr;
	_ =	strace $0xD0000000  }
0x3: {  	_ = 	snop  }
0x4: {  	_ = 	snop  }
0x5: {  	_ = 	snop  }
0x6: {  	_ = 	snop  }
0x7: {  	_ = 	snop  }
__scs_overlays_trampoline_lowered:
0x8: {  	[smem:$0x3F9A] =	sst s0  }
0x9: {  	[smem:$0x3F9B] =	sst s1  }
0xa: {  	[smem:$0x3F9C] =	sst s2  }
0xb: {  	[smem:$0x3F9D] =	sst s3  }
0xc: {  	[smem:$0x3F9E] =	sst s4  }
0xd: {  	[smem:$0x3F9F] =	sst s5  }
0xe: {  	[smem:$0x3FA0] =	sst s6  }
0xf: {  	[smem:$0x3FA1] =	sst s7  }
0x10: {  	[smem:$0x3FA2] =	sst s8  }
0x11: {  	[smem:$0x3FA3] =	sst s9;
	s0 =	simm.s32 @!p0 $0x0  }
0x12: {  	s1 =	sld [smem:$0x3F89];
	s0 =	simm.s32 @p0 $0x1  }
0x13: {  	[smem:$0x3FA4] =	sst s0;
	s0 =	simm.s32 @!p1 $0x0  }
0x14: {  	s2 =	sld [smem:$0x3F88];
	s0 =	simm.s32 @p1 $0x1  }
0x15: {  	[smem:$0x3FA5] =	sst s0;
	s0 =	simm.s32 @!p2 $0x0  }
0x16: {  	s3 =	sld [smem:$0x3FDB];
	s0 =	simm.s32 @p2 $0x1  }
0x17: {  	s4 =	simm.s32 $0x1BF5;
	[smem:$0x3FA7] =	sst s0  }
0x18: {  	s0 =	sld [smem:$0x3F8A];
	_ =	swait.ge [sflag:s4], $0x0  }
0x19: {  	s7 =	sld [smem:$0x3F8B]  }
0x1a: {  	s8 =	sadd.s32 $0xFFFFE003, lr  }
0x1b: {  	s9 =	sadd.s32 $0xFFFFFEF7, lr;
	s5 =	simm.s32 $0xFFFFFFFF;
	p2 =	slt.u32 s8, $0xFFFFF086  }
0x1c: {  	p1 =	slt.u32 s9, $0xF7A;
	s5 =	simm.s32 @!p2 $0x0  }
0x1d: {  	s5 =	simm.s32 @p1 $0x1;
	p0 =	seq.s32 s7, s2  }
0x1e: {  	s7 =	smul.u32 @!p0 $0xF7A, s2;
	p2 =	seq.s32 @!p0 s5, $0x0  }
0x1f: {  	s9 =	smul.u32 $0xF7A, s1;
	s8 =	simm.s32 @!p0 $0x1BF5;
	p2 =	por !p2, p0  }
0x20: {  	[sflag:s8] =	ssyncset.s32 @!p0 $0xFFFFF086;
	s6 =	sadd.s32 @!p0 s3, s7;
	s7 =	simm.s32 @!p0 $0x108  }
0x21: {  	s3 =	sadd.s32 s3, s9;
	s6 =	sadd.s32 @!p0 $0x88, s6;
	s7 =	simm.s32 @p2 $0x1082  }
0x22: {  	[simem:s7], [sflag:s8] =	dma.local @!p0 [hbm:s6], $0xF7A  }
0x23: {  	s9 =	sor.u32 $0xD0000000, s2;
	s6 =	simm.s32 $0x108;
	_ =	swait.ge @!p0 [sflag:s8], $0x0  }
0x24: {  	s3 =	sadd.s32 $0x88, s3;
	s6 =	simm.s32 @!p1 $0x1082;
	[sflag:s4] =	ssyncset.s32 $0xFFFFF086  }
0x25: {  	[simem:s6], [sflag:s4] =	dma.local [hbm:s3], $0xF7A  }
0x26: {  	[smem:$0x3F8B] =	sst s1;
	(tag) =	ssettag s2;
	_ =	strace s9  }
0x27: {  	s1 =	sld [smem:$0x3F9B]  }
0x28: {  	s2 =	sld [smem:$0x3F9C]  }
0x29: {  	s4 =	sld [smem:$0x3F9E]  }
0x2a: {  	p0 =	seq.s32 s5, $0x0;
	s5 =	sld [smem:$0x3F9F]  }
0x2b: {  	s6 =	sld [smem:$0x3FA0]  }
0x2c: {  	s7 =	sld [smem:$0x3FA1]  }
0x2d: {  	s3 =	simm.s32 $0x108;
	s8 =	sld [smem:$0x3FA2]  }
0x2e: {  	s3 =	simm.s32 @!p0 $0x1082;
	s9 =	sld [smem:$0x3FA3]  }
0x2f: {  	lr =	sadd.s32 s0, s3;
	s0 =	sld [smem:$0x3F9A]  }
0x30: {  	s3 =	sld [smem:$0x3F9D]  }
0x31: {  	[smem:$0x3FA6] =	sst s10  }
0x32: {  	s10 =	sld [smem:$0x3FA4];
	_ =	sdelay $0x3  }
0x33: {  	p0 =	seq.s32 s10, $0x1;
	s10 =	sld [smem:$0x3FA6];
	_ =	sdelay $0x3  }
0x34: {  	[smem:$0x3FA6] =	sst s10  }
0x35: {  	s10 =	sld [smem:$0x3FA5];
	_ =	sdelay $0x3  }
0x36: {  	p1 =	seq.s32 s10, $0x1;
	s10 =	sld [smem:$0x3FA6];
	_ =	sdelay $0x3  }
0x37: {  	[smem:$0x3FA6] =	sst s10  }
0x38: {  	s10 =	sld [smem:$0x3FA7]  }
0x39: {  	_ = 	snop;
	(pc) =	sbr.ind lr, $3  }
0x3a: {  	_ = 	snop  }
0x3b: {  	_ = 	snop  }
0x3c: {  	p2 =	seq.s32 s10, $0x1;
	s10 =	sld [smem:$0x3FA6]  }
0x3d: {  	_ =	shalt  }
0x3e: {  	_ =	shalt  }
0x3f: {  	_ =	shalt  }
0x40: {  	_ =	shalt  }
0x41: {  	_ =	shalt  }
0x42: {  	_ =	shalt  }
0x43: {  	_ =	shalt  }
0x44: {  	_ =	shalt  }
0x45: {  	_ =	shalt  }
0x46: {  	_ =	shalt  }
0x47: {  	_ =	shalt  }
0x48: {  	_ =	shalt  }
0x49: {  	_ =	shalt  }
0x4a: {  	_ =	shalt  }
0x4b: {  	_ =	shalt  }
0x4c: {  	_ =	shalt  }
0x4d: {  	_ =	shalt  }
0x4e: {  	_ =	shalt  }
0x4f: {  	_ =	shalt  }
0x50: {  	_ =	shalt  }
0x51: {  	_ =	shalt  }
0x52: {  	_ =	shalt  }
0x53: {  	_ =	shalt  }
0x54: {  	_ =	shalt  }
0x55: {  	_ =	shalt  }
0x56: {  	_ =	shalt  }
0x57: {  	_ =	shalt  }
0x58: {  	_ =	shalt  }
0x59: {  	_ =	shalt  }
0x5a: {  	_ =	shalt  }
0x5b: {  	_ =	shalt  }
0x5c: {  	_ =	shalt  }
0x5d: {  	_ =	shalt  }
0x5e: {  	_ =	shalt  }
0x5f: {  	_ =	shalt  }
0x60: {  	_ =	shalt  }
0x61: {  	_ =	shalt  }
0x62: {  	_ =	shalt  }
0x63: {  	_ =	shalt  }
0x64: {  	_ =	shalt  }
0x65: {  	_ =	shalt  }
0x66: {  	_ =	shalt  }
0x67: {  	_ =	shalt  }
0x68: {  	_ =	shalt  }
0x69: {  	_ =	shalt  }
0x6a: {  	_ =	shalt  }
0x6b: {  	_ =	shalt  }
0x6c: {  	_ =	shalt  }
0x6d: {  	_ =	shalt  }
0x6e: {  	_ =	shalt  }
0x6f: {  	_ =	shalt  }
0x70: {  	_ =	shalt  }
0x71: {  	_ =	shalt  }
0x72: {  	_ =	shalt  }
0x73: {  	_ =	shalt  }
0x74: {  	_ =	shalt  }
0x75: {  	_ =	shalt  }
0x76: {  	_ =	shalt  }
0x77: {  	_ =	shalt  }
0x78: {  	_ =	shalt  }
0x79: {  	_ =	shalt  }
0x7a: {  	_ =	shalt  }
0x7b: {  	_ =	shalt  }
0x7c: {  	_ =	shalt  }
0x7d: {  	_ =	shalt  }
0x7e: {  	_ =	shalt  }
0x7f: {  	_ =	shalt  }
0x80: {  	_ =	shalt  }
0x81: {  	_ =	shalt  }
0x82: {  	_ =	shalt  }
0x83: {  	_ =	shalt  }
0x84: {  	_ =	shalt  }
0x85: {  	_ =	shalt  }
0x86: {  	_ =	shalt  }
0x87: {  	_ =	shalt  }
.Lfunc_end0:
.L_simem_size_0:
called_computation.1_lowered:
.L_overlay_start_0:
0x88: {  	s2 =	sld [smem:$0x3FD9]  }
0x89: {  	s3 =	sld [smem:$0x3FFE];
	_ =	sdelay $0x1  }
0x8a: {  	s1 =	srdreg.scid  }
0x8b: {  	s0 =	sand.u32 $0x1, s1  }
0x8c: {  	s16 =	sshll.u32 s0, $0xA;
	s2 =	sadd.s32 s3, s2  }
0x8d: {  	s2 =	sadd.s32 s2, s16  }
0x8e: {  	[smem:$0x3FB2] =	sst s2  }
0x8f: {  	_ = 	snop  }
0x90: {  	(tm) =	ssettm $0x1  }
0x91: {  	s17 =	sld [smem:$0x3FFB];
	_ =	sdelay $0x3  }
0x92: {  	_ =	strace s17  }
0x93: {  	s2 =	sld [smem:$0x3FFC];
	_ =	sdelay $0x3  }
0x94: {  	_ =	strace s2  }
0x95: {  	s2 =	sld [smem:$0x3FFD];
	_ =	sdelay $0x3  }
0x96: {  	_ =	strace s2  }
0x97: {  	_ =	strace $0x8FFFFFFF  }
0x98: {  	s18 =	sld [smem:$0x3FDB];
	_ =	sdelay $0x1  }
0x99: {  	s19 =	simm.s32 $_scs_section_size  }
0x9a: {  	s4 =	simm.s32 $_size__tile_overlayer_lowered;
	s5 =	simm.s32 $_tile_overlayer_lowered  }
0x9b: {  	s22 =	simm.s32 $0x1BFF;
	s21 =	sshll.u32 s5, $0x1;
	s2 =	sadd.s32 s19, s18  }
0x9c: {  	s6 =	simm.s32 $0x0;
	s20 =	sshll.u32 s4, $0x1;
	s4 =	sadd.s32 s21, s2  }
0x9d: {  	[timem:s6], [sflag:s22] =	dma.local [hbm:s4], s20  }
0x9e: {  	_ =	swait.ge [sflag:s22], s20  }
0x9f: {  	s3 =	ssub.s32 $0x0, s20;
	[sflag:s22] =	ssyncset.done $0x0  }
0xa0: {  	[sflag:s22] =	ssyncadd.s32 s3;
	_ =	sdelay $0x1  }
0xa1: {  	s23 =	simm.s32 $0x1B8B  }
0xa2: {  	_ =	swait.ge [sflag:s23], $0x1  }
0xa3: {  	[sflag:s23] =	ssyncset.done $0x0  }
0xa4: {  	s25 =	simm.s32 $0x1B8E;
	s24 =	sld [smem:$0x3FFE];
	[sflag:s23] =	ssyncadd.s32 $0xFFFFFFFF  }
0xa5: {  	s26 =	simm.s32 $execute0_lowered;
	[smem:$0x3FD2] =	sst s25  }
0xa6: {  	s4 =	sshll.u32 s26, $0x1;
	_ =	strace $0x80000049;
	[dreg:$0x1] =	wrdreg $0xFFFFFFFF  }
0xa7: {  	s28 =	simm.s32 $_size_execute0_lowered;
	s2 =	sadd.s32 s2, s4;
	[dreg:$0x0] =	wrdreg $0x0  }
0xa8: {  	s4 =	sshll.u32 s28, $0x1;
	[dreg:$0x2] =	wrdreg s2  }
0xa9: {  	[dreg:$0x3] =	wrdreg s4  }
0xaa: {  	[dreg:$0x4] =	wrdreg $0xC0  }
0xab: {  	_ =	task [dreg:s6], $0x5FFFF  }
0xac: {  	[dreg:$0x1] =	wrdreg $0xFFFFFFFF  }
0xad: {  	[dreg:$0x0] =	wrdreg $0x60  }
0xae: {  	[dreg:$0x2] =	wrdreg s24  }
0xaf: {  	[dreg:$0x3] =	wrdreg $0x7A800  }
0xb0: {  	[dreg:$0x4] =	wrdreg $0x9  }
0xb1: {  	_ =	task.clear_ibuf [dreg:s6], $0x5FFFF;
	_ =	strace $0x90000049  }
0xb2: {  	s29 =	simm.s32 $0x9;
	_ =	strace $0x8000004B  }
0xb3: {  	_ =	swait.ge [sflag:s29], $0x1  }
0xb4: {  	[sflag:s29] =	ssyncadd.s32 $0xFFFFFFFF  }
0xb5: {  	_ =	strace $0x9000004B  }
0xb6: {  	_ =	sfence  }
0xb7: {  	s30 =	sld [smem:$0x0];
	_ =	sdelay $0x2  }
0xb8: {  	s31 =	sshll.u32 s1, $0xD;
	s1 =	sshrl.u32 s1, $0x2  }
0xb9: {  	s3 =	sand.u32 $0x4000, s31;
	s1 =	sadd.s32 s1, s30  }
0xba: {  	s0 =	sor.u32 s3, s0;
	s1 =	sshll.u32 s1, $0x11  }
0xbb: {  	s0 =	sor.u32 s1, s0  }
0xbc: {  	s0 =	sadd.s32 $0x8F2B, s0  }
0xbd: {  	[sflag:s0] =	ssyncadd.remote.s32 $0x1  }
0xbe: {  	_ =	sfence.sel $0xFFFF  }
0xbf: {  	[dreg:$0x0] =	wrdreg $0xFFFFFFFF;
	(pc) =	sbr.abs _section_cstart, $3  }
0xc0: {  	[dreg:$0x1] =	wrdreg $0xFFFFFFFF  }
0xc1: {  	_ =	task.clear_ibuf [dreg:s6], $0x2FFFF;
	_ =	strace $0x9FFFFFFF  }
0xc2: {  	(tm) =	ssettm $0x7FFFFFFF  }
0xc3: {  	_ =	shalt  }
tec
execute0_lowered:
.L_overlay_start_1:
0x0: {  	(tag) =	ssettag $0x1  }
0x1: {  	s10 =	rddreg [dreg:$0x0]  }
0x2: {  	s2 =	rddreg [dreg:$0x1];
	s4 =	srdreg.scid  }
0x3: {  	s0 =	stileid.u32;
	s3 =	simm.s32 $0x0;
	s18 =	simm.s32 $0xA80  }
0x4: {  	s19 =	simm.s32 $0x1;
	s20 =	simm.s32 $0x70;
	s21 =	simm.s32 $0x4280  }
0x5: {  	s22 =	simm.s32 $0x3;
	s9 =	sand.u32 $0x1, s4;
	s11 =	smul.u32 $0x13C00, s0  }
0x6: {  	[smem:$0x7FF] =	sst s3;
	s4 =	sadd.s32 $0x3A00, s10;
	s13 =	smul.u32 $0x30, s0  }
0x7: {  	s5 =	sadd.s32 $0xD800, s10;
	s6 =	sadd.s32 $0x8FA00, s10;
	s14 =	smul.u32 $0x84, s0  }
0x8: {  	s1 =	sadd.s32 $0x8CA00, s10;
	s28 =	sshll.u32 s0, $0x6;
	s7 =	smul.u32 $0x13C000, s9  }
0x9: {  	p0 =	seq.s32 s9, $0x0;
	s15 =	ssub.s32 $0x2, s9;
	s9 =	sadd.s32 $0x840, s13  }
0xa: {  	_ =	strace $0x8000004A;
	[dreg:$0x4] =	wrdreg s1;
	s9 =	smov.u32 @p0 s14  }
0xb: {  	s23 =	sshrl.u32 s15, $0x1;
	s26 =	sadd.s32 s11, s2;
	s25 =	smul.u32 $0xE, s9  }
0xc: {  	s8 =	sadd.s32 s11, s7;
	s15 =	ssub.s32 s15, s23;
	s11 =	sor.u32 $0x1C04, s28  }
0xd: {  	s12 =	sshrl.u32 s8, $0x3;
	s8 =	simm.s32 $0x84;
	s29 =	sadd.s32 s4, s25  }
0xe: {  	s8 =	simm.s32 @!p0 $0x30;
	s30 =	sadd.s32 s5, s25;
	[dreg:$0x5] =	wrdreg s29  }
0xf: {  	s24 =	sadd.s32 s12, s10;
	s17 =	sshrl.u32 s8, $0x1;
	[dreg:$0x6] =	wrdreg s30  }
0x10: {  	s16 =	smul.u32 $0xAB, s8;
	s31 =	sadd.s32 $0x104E00, s24;
	[dreg:$0x3] =	wrdreg s17  }
0x11: {  	s23 =	simm.s32 $0x0;
	s15 =	smax.u32 s15, $0x1;
	[dreg:$0x7] =	wrdreg s31  }
0x12: {  	s17 =	simm.s32 $0x4;
	s10 =	sshrl.u32 s16, $0xA;
	s16 =	sshrl.u32 s26, $0x3  }
.LBB2_1:
0x13: {  	s0 =	rddreg [dreg:$0x4]  }
0x14: {  	[spmem:s16], [sflag:s11] =	dma.local [hbm:s0], $0x2780  }
0x15: {  	_ =	swait.ge [sflag:s17], $0x2780  }
0x16: {  	[sflag:s17] =	ssyncset.done $0x0  }
0x17: {  	[sflag:s17] =	ssyncadd.s32 $0xFFFFD880  }
0x18: {  	[bflag:$0x0] =	sbarrier.arrive $0xFFFF  }
0x19: {  	s26 =	rddreg [dreg:$0x5]  }
0x1a: {  	[tilespmem:s3], [sflag:$0x2] =	stream.linear.gather [hbm4b:s26+s3], $0x2A0, $0x38;
	[tilespmem:$0x1B680] =	vst v63  }
0x1b: {  	s24 =	simm.s32 $0x540;
	s25 =	simm.s32 $0x2;
	s31 =	rddreg [dreg:$0x6]  }
0x1c: {  	[tilespmem:s24], [sflag:$0x2] =	stream.linear.gather [hbm4b:s31+s3], $0x2A0, $0x38;
	[tilespmem:$0x1B680] =	vst v63  }
0x1d: {  	_ =	swait.ge [sflag:s25], $0x2A0  }
0x1e: {  	[sflag:s25] =	ssyncset.done $0x0  }
0x1f: {  	[sflag:s25] =	ssyncadd.s32 $0xFFFFFD60  }
0x20: {  	_ =	swait.ge [sflag:s25], $0x2A0  }
0x21: {  	s28 =	simm.s32 $0x70;
	s29 =	simm.s32 $0x0;
	[sflag:s25] =	ssyncset.done $0x0  }
0x22: {  	s30 =	simm.s32 $0x0;
	s26 =	simm.s32 $0xE0;
	[sflag:s25] =	ssyncadd.s32 $0xFFFFFD60  }
0x23: {  	[tilespmem:s18], [sflag:$0x1] =	stream.indirect.gather [hbm4b:s6+s20], $0x80, s3, s20, $0xb8;
	[tilespmem:$0x1B680] =	vst v63  }
.LBB2_2:
0x24: {  	s31 =	smulhi.u32 $0xAAAAAAAB, s30;
	_ =	sdelay $0x1  }
0x25: {  	s31 =	sshrl.u32 s31, $0x1  }
0x26: {  	s0 =	smul.u32 $0x3, s31;
	_ =	sdelay $0x1  }
0x27: {  	s1 =	sadd.s32 $0x1, s31;
	p1 =	sne.s32 s0, s30  }
0x28: {  	p2 =	sge.u32 @!p1 s1, s10  }
0x29: {  	p0 =	por p2, p1  }
0x2a: {  	s7 =	smul.u32 @!p0 $0x6, s1  }
0x2b: {  	s12 =	sand.u32 @!p0 $0x1, s1  }
0x2c: {  	p3 =	seq.s32 @!p0 s12, $0x1;
	s7 =	sadd.s32 @!p0 s9, s7  }
0x2d: {  	p2 =	por @!p1 !p3, p2;
	s7 =	smul.u32 @!p0 $0xE, s7  }
0x2e: {  	s12 =	simm.s32 @!p0 $0x2A0;
	p1 =	por !p2, p1  }
0x2f: {  	s14 =	simm.s32 @!p0 $0x0;
	s12 =	simm.s32 @!p1 $0x0;
	s13 =	sadd.s32 @!p0 s4, s7  }
0x30: {  	[tilespmem:s12], [sflag:$0x2] =	stream.linear.gather @!p0 [hbm4b:s13+s14], $0x2A0, $0x38;
	[tilespmem:$0x1B680] =	vst v63  }
0x31: {  	s7 =	sadd.s32 @!p0 s5, s7;
	s12 =	sor.u32 @!p0 $0x540, s12;
	s13 =	smulhi.u32 $0xAAAAAAAB, s29  }
0x32: {  	[tilespmem:s12], [sflag:$0x2] =	stream.linear.gather @!p0 [hbm4b:s7+s14], $0x2A0, $0x38;
	[tilespmem:$0x1B680] =	vst v63  }
0x33: {  	s0 =	sadd.s32 $0x2, s0;
	p1 =	slt.s32 s29, $0x0;
	s14 =	sand.u32 $0x1, s31  }
0x34: {  	s7 =	sshrl.u32 s13, $0x2;
	s13 =	simm.s32 $0x2A0;
	p0 =	seq.s32 s14, $0x1  }
0x35: {  	s31 =	smul.u32 $0x2A0, s7;
	_ =	swait.ge [sflag:s19], $0x3800;
	p2 =	por !p0, !p0  }
0x36: {  	s7 =	smul.u32 $0xFFFFF580, s7;
	[sflag:s19] =	ssyncset.done $0x0;
	p2 =	por @!p1 p0, p0  }
0x37: {  	s12 =	ssub.s32 s28, s31;
	[sflag:s19] =	ssyncadd.s32 $0xFFFFC800;
	s13 =	simm.s32 @!p2 $0x0  }
0x38: {  	s7 =	sshra.s32 s7, $0x2;
	s12 =	sadd.s32 s12, s13;
	s13 =	simm.s32 $0x2A0  }
0x39: {  	[tilespmem:s21], [sflag:$0x1] =	stream.indirect.gather [hbm4b:s6+s20], $0x80, s12, s20, $0xb8;
	[tilespmem:$0x1B680] =	vst v63  }
0x3a: {  	s7 =	sadd.s32 s7, s24;
	s13 =	simm.s32 @!p0 $0x0;
	p0 =	sne.s32 s0, s30  }
0x3b: {  	s7 =	sadd.s32 s13, s7;
	p1 =	sge.u32 @!p0 s1, s10  }
0x3c: {  	[spmem:s2] =	stream.indirect.scatter.add.f32 [tilespmem:s18], [sflag:$0x3], $0x80, s7, s20, $0xb8;
	[tilespmem:$0x1B680] =	vst v63  }
0x3d: {  	p1 =	por p1, p0  }
0x3e: {  	s0 =	simm.s32 @!p1 $0x2  }
0x3f: {  	_ =	swait.ge @!p1 [sflag:s0], $0x2A0  }
0x40: {  	[sflag:s0] =	ssyncset.done @!p1 $0x0  }
0x41: {  	[sflag:s0] =	ssyncadd.s32 @!p1 $0xFFFFFD60  }
0x42: {  	s29 =	sadd.s32 $0x2, s29;
	_ =	swait.ge @!p1 [sflag:s0], $0x2A0  }
0x43: {  	s13 =	smulhi.u32 $0xAAAAAAAB, s25;
	p0 =	sge.u32 s29, s8;
	[sflag:s0] =	ssyncset.done @!p1 $0x0  }
0x44: {  	[sflag:s0] =	ssyncadd.s32 @!p1 $0xFFFFFD60;
	s0 =	smulhi.u32 @!p0 $0xAAAAAAAB, s29  }
0x45: {  	s1 =	sshrl.u32 s13, $0x2  }
0x46: {  	s1 =	smul.u32 $0xFFFFF580, s1;
	_ =	swait.ge [sflag:s19], $0x3800;
	s0 =	sshrl.u32 @!p0 s0, $0x2  }
0x47: {  	s7 =	simm.s32 @!p0 $0xA80;
	[sflag:s19] =	ssyncset.done $0x0;
	s0 =	sand.u32 @!p0 $0x1, s0  }
0x48: {  	s1 =	sshra.s32 s1, $0x2;
	[sflag:s19] =	ssyncadd.s32 $0xFFFFC800;
	p1 =	seq.s32 @!p0 s0, $0x1  }
0x49: {  	_ =	swait.ge [sflag:s22], $0x3800;
	s0 =	simm.s32 @!p0 $0x2A0;
	p1 =	por !p1, p0  }
0x4a: {  	s1 =	sadd.s32 s1, s26;
	[sflag:s22] =	ssyncset.done $0x0;
	s0 =	simm.s32 @p1 $0x0  }
0x4b: {  	[sflag:s22] =	ssyncadd.s32 $0xFFFFC800;
	s0 =	sadd.s32 @!p0 s0, s1;
	s1 =	simm.s32 @!p0 $0x70  }
0x4c: {  	[tilespmem:s7], [sflag:$0x1] =	stream.indirect.gather @!p0 [hbm4b:s6+s1], $0x80, s0, s1, $0xb8;
	[tilespmem:$0x1B680] =	vst v63  }
0x4d: {  	s14 =	sadd.s32 $0x540, s12  }
0x4e: {  	[spmem:s2] =	stream.indirect.scatter.add.f32 [tilespmem:s21], [sflag:$0x3], $0x80, s14, s20, $0xb8;
	[tilespmem:$0x1B680] =	vst v63  }
0x4f: {  	_ =	swait.ge [sflag:s22], $0x3800  }
0x50: {  	s30 =	sadd.s32 $0x1, s30;
	s31 =	rddreg [dreg:$0x3]  }
0x51: {  	p0 =	sne.s32 s31, s30  }
.Ltmp0:
0x52: {  	_ = 	snop;
	(pc) =	sbr.rel @p0 .LBB2_2-.Ltmp0, $3  }
0x53: {  	_ =	sdelay $0x1  }
0x54: {  	s28 =	sadd.s32 $0xE0, s28;
	s24 =	sadd.s32 $0xE0, s24;
	[sflag:s22] =	ssyncset.done $0x0  }
0x55: {  	s25 =	sadd.s32 $0x2, s25;
	s26 =	sadd.s32 $0xE0, s26;
	[sflag:s22] =	ssyncadd.s32 $0xFFFFC800  }
0x56: {  	s23 =	sadd.s32 $0x1, s23  }
0x57: {  	[bflag:$0x0] =	sbarrier.arrive $0xFFFF;
	p0 =	sne.s32 s23, s15  }
.Ltmp1:
0x58: {  	s0 =	rddreg [dreg:$0x7];
	(pc) =	sbr.rel @p0 .LBB2_1-.Ltmp1, $4  }
0x59: {  	[hbm:s0], [sflag:s11] =	dma.local [spmem:s16], $0x2780  }
0x5a: {  	_ =	swait.ge [sflag:s17], $0x2780  }
0x5b: {  	[sflag:s17] =	ssyncset.done $0x0  }
0x5c: {  	[sflag:s17] =	ssyncadd.s32 $0xFFFFD880  }
0x5d: {  	_ =	sfence.sel $0x180000  }
0x5e: {  	[bflag:$0x0] =	sbarrier.arrive $0xFFFF  }
0x5f: {  	_ =	strace $0x9000004A  }
0x60: {  	s0 =	stileid.u32;
	[bflag:$0x2] =	sbarrier.arrive $0xFFFF  }
0x61: {  	p0 =	sne.s32 s0, $0x0;
	s0 =	rddreg [dreg:$0x2]  }
0x62: {  	s0 =	sadd.s32 @!p0 $0x100000, s0  }
0x63: {  	[sflag:s0] =	ssyncadd.tile.s32 @!p0 $0x1;
	_ =	shalt  }
.Lfunc_end2:
_tile_overlayer_lowered:
.L_overlay_start_2:
0x64: {  	(tag) =	ssettag $0x2  }
0x65: {  	s0 =	rddreg [dreg:$0x0];
	s2 =	stileid.u32  }
0x66: {  	s1 =	rddreg [dreg:$0x1];
	p0 =	sne.s32 s2, $0x0  }
0x67: {  	s3 =	rddreg [dreg:$0x2];
	[bflag:$0x3] =	sbarrier.arrive $0xFFFF;
	s2 =	simm.s32 @!p0 $0x1C04  }
0x68: {  	[timem:s3], [sflag:s2] =	dma.local @!p0 [hbm:s0], s1  }
0x69: {  	s0 =	simm.s32 @!p0 $0x4  }
0x6a: {  	_ =	swait.ge @!p0 [sflag:s0], s1  }
0x6b: {  	s1 =	ssub.s32 @!p0 $0x0, s1;
	[sflag:s0] =	ssyncset.done @!p0 $0x0  }
0x6c: {  	[sflag:s0] =	ssyncadd.s32 @!p0 s1  }
0x6d: {  	[bflag:$0x3] =	sbarrier.arrive $0xFFFF  }
0x6e: {  	_ =	shalt  }

// kernel: kernel.8.cloned.1.call-start
scs
__scs_entry_jumppad:
0x0: {  	(pc) =	sbr.rel $0x88, $3  }
0x1: {  	(tag) =	ssettag $0x0;
	lr =	simm.s32 $0x1  }
0x2: {  	[smem:$0x3F8B] =	sst lr;
	_ =	strace $0xD0000000  }
0x3: {  	_ = 	snop  }
0x4: {  	_ = 	snop  }
0x5: {  	_ = 	snop  }
0x6: {  	_ = 	snop  }
0x7: {  	_ = 	snop  }
__scs_overlays_trampoline_lowered:
0x8: {  	[smem:$0x3F9A] =	sst s0  }
0x9: {  	[smem:$0x3F9B] =	sst s1  }
0xa: {  	[smem:$0x3F9C] =	sst s2  }
0xb: {  	[smem:$0x3F9D] =	sst s3  }
0xc: {  	[smem:$0x3F9E] =	sst s4  }
0xd: {  	[smem:$0x3F9F] =	sst s5  }
0xe: {  	[smem:$0x3FA0] =	sst s6  }
0xf: {  	[smem:$0x3FA1] =	sst s7  }
0x10: {  	[smem:$0x3FA2] =	sst s8  }
0x11: {  	[smem:$0x3FA3] =	sst s9;
	s0 =	simm.s32 @!p0 $0x0  }
0x12: {  	s1 =	sld [smem:$0x3F89];
	s0 =	simm.s32 @p0 $0x1  }
0x13: {  	[smem:$0x3FA4] =	sst s0;
	s0 =	simm.s32 @!p1 $0x0  }
0x14: {  	s2 =	sld [smem:$0x3F88];
	s0 =	simm.s32 @p1 $0x1  }
0x15: {  	[smem:$0x3FA5] =	sst s0;
	s0 =	simm.s32 @!p2 $0x0  }
0x16: {  	s3 =	sld [smem:$0x3FDB];
	s0 =	simm.s32 @p2 $0x1  }
0x17: {  	s4 =	simm.s32 $0x1BF5;
	[smem:$0x3FA7] =	sst s0  }
0x18: {  	s0 =	sld [smem:$0x3F8A];
	_ =	swait.ge [sflag:s4], $0x0  }
0x19: {  	s7 =	sld [smem:$0x3F8B]  }
0x1a: {  	s8 =	sadd.s32 $0xFFFFE003, lr  }
0x1b: {  	s9 =	sadd.s32 $0xFFFFFEF7, lr;
	s5 =	simm.s32 $0xFFFFFFFF;
	p2 =	slt.u32 s8, $0xFFFFF086  }
0x1c: {  	p1 =	slt.u32 s9, $0xF7A;
	s5 =	simm.s32 @!p2 $0x0  }
0x1d: {  	s5 =	simm.s32 @p1 $0x1;
	p0 =	seq.s32 s7, s2  }
0x1e: {  	s7 =	smul.u32 @!p0 $0xF7A, s2;
	p2 =	seq.s32 @!p0 s5, $0x0  }
0x1f: {  	s9 =	smul.u32 $0xF7A, s1;
	s8 =	simm.s32 @!p0 $0x1BF5;
	p2 =	por !p2, p0  }
0x20: {  	[sflag:s8] =	ssyncset.s32 @!p0 $0xFFFFF086;
	s6 =	sadd.s32 @!p0 s3, s7;
	s7 =	simm.s32 @!p0 $0x108  }
0x21: {  	s3 =	sadd.s32 s3, s9;
	s6 =	sadd.s32 @!p0 $0x88, s6;
	s7 =	simm.s32 @p2 $0x1082  }
0x22: {  	[simem:s7], [sflag:s8] =	dma.local @!p0 [hbm:s6], $0xF7A  }
0x23: {  	s9 =	sor.u32 $0xD0000000, s2;
	s6 =	simm.s32 $0x108;
	_ =	swait.ge @!p0 [sflag:s8], $0x0  }
0x24: {  	s3 =	sadd.s32 $0x88, s3;
	s6 =	simm.s32 @!p1 $0x1082;
	[sflag:s4] =	ssyncset.s32 $0xFFFFF086  }
0x25: {  	[simem:s6], [sflag:s4] =	dma.local [hbm:s3], $0xF7A  }
0x26: {  	[smem:$0x3F8B] =	sst s1;
	(tag) =	ssettag s2;
	_ =	strace s9  }
0x27: {  	s1 =	sld [smem:$0x3F9B]  }
0x28: {  	s2 =	sld [smem:$0x3F9C]  }
0x29: {  	s4 =	sld [smem:$0x3F9E]  }
0x2a: {  	p0 =	seq.s32 s5, $0x0;
	s5 =	sld [smem:$0x3F9F]  }
0x2b: {  	s6 =	sld [smem:$0x3FA0]  }
0x2c: {  	s7 =	sld [smem:$0x3FA1]  }
0x2d: {  	s3 =	simm.s32 $0x108;
	s8 =	sld [smem:$0x3FA2]  }
0x2e: {  	s3 =	simm.s32 @!p0 $0x1082;
	s9 =	sld [smem:$0x3FA3]  }
0x2f: {  	lr =	sadd.s32 s0, s3;
	s0 =	sld [smem:$0x3F9A]  }
0x30: {  	s3 =	sld [smem:$0x3F9D]  }
0x31: {  	[smem:$0x3FA6] =	sst s10  }
0x32: {  	s10 =	sld [smem:$0x3FA4];
	_ =	sdelay $0x3  }
0x33: {  	p0 =	seq.s32 s10, $0x1;
	s10 =	sld [smem:$0x3FA6];
	_ =	sdelay $0x3  }
0x34: {  	[smem:$0x3FA6] =	sst s10  }
0x35: {  	s10 =	sld [smem:$0x3FA5];
	_ =	sdelay $0x3  }
0x36: {  	p1 =	seq.s32 s10, $0x1;
	s10 =	sld [smem:$0x3FA6];
	_ =	sdelay $0x3  }
0x37: {  	[smem:$0x3FA6] =	sst s10  }
0x38: {  	s10 =	sld [smem:$0x3FA7]  }
0x39: {  	_ = 	snop;
	(pc) =	sbr.ind lr, $3  }
0x3a: {  	_ = 	snop  }
0x3b: {  	_ = 	snop  }
0x3c: {  	p2 =	seq.s32 s10, $0x1;
	s10 =	sld [smem:$0x3FA6]  }
0x3d: {  	_ =	shalt  }
0x3e: {  	_ =	shalt  }
0x3f: {  	_ =	shalt  }
0x40: {  	_ =	shalt  }
0x41: {  	_ =	shalt  }
0x42: {  	_ =	shalt  }
0x43: {  	_ =	shalt  }
0x44: {  	_ =	shalt  }
0x45: {  	_ =	shalt  }
0x46: {  	_ =	shalt  }
0x47: {  	_ =	shalt  }
0x48: {  	_ =	shalt  }
0x49: {  	_ =	shalt  }
0x4a: {  	_ =	shalt  }
0x4b: {  	_ =	shalt  }
0x4c: {  	_ =	shalt  }
0x4d: {  	_ =	shalt  }
0x4e: {  	_ =	shalt  }
0x4f: {  	_ =	shalt  }
0x50: {  	_ =	shalt  }
0x51: {  	_ =	shalt  }
0x52: {  	_ =	shalt  }
0x53: {  	_ =	shalt  }
0x54: {  	_ =	shalt  }
0x55: {  	_ =	shalt  }
0x56: {  	_ =	shalt  }
0x57: {  	_ =	shalt  }
0x58: {  	_ =	shalt  }
0x59: {  	_ =	shalt  }
0x5a: {  	_ =	shalt  }
0x5b: {  	_ =	shalt  }
0x5c: {  	_ =	shalt  }
0x5d: {  	_ =	shalt  }
0x5e: {  	_ =	shalt  }
0x5f: {  	_ =	shalt  }
0x60: {  	_ =	shalt  }
0x61: {  	_ =	shalt  }
0x62: {  	_ =	shalt  }
0x63: {  	_ =	shalt  }
0x64: {  	_ =	shalt  }
0x65: {  	_ =	shalt  }
0x66: {  	_ =	shalt  }
0x67: {  	_ =	shalt  }
0x68: {  	_ =	shalt  }
0x69: {  	_ =	shalt  }
0x6a: {  	_ =	shalt  }
0x6b: {  	_ =	shalt  }
0x6c: {  	_ =	shalt  }
0x6d: {  	_ =	shalt  }
0x6e: {  	_ =	shalt  }
0x6f: {  	_ =	shalt  }
0x70: {  	_ =	shalt  }
0x71: {  	_ =	shalt  }
0x72: {  	_ =	shalt  }
0x73: {  	_ =	shalt  }
0x74: {  	_ =	shalt  }
0x75: {  	_ =	shalt  }
0x76: {  	_ =	shalt  }
0x77: {  	_ =	shalt  }
0x78: {  	_ =	shalt  }
0x79: {  	_ =	shalt  }
0x7a: {  	_ =	shalt  }
0x7b: {  	_ =	shalt  }
0x7c: {  	_ =	shalt  }
0x7d: {  	_ =	shalt  }
0x7e: {  	_ =	shalt  }
0x7f: {  	_ =	shalt  }
0x80: {  	_ =	shalt  }
0x81: {  	_ =	shalt  }
0x82: {  	_ =	shalt  }
0x83: {  	_ =	shalt  }
0x84: {  	_ =	shalt  }
0x85: {  	_ =	shalt  }
0x86: {  	_ =	shalt  }
0x87: {  	_ =	shalt  }
.Lfunc_end0:
.L_simem_size_0:
called_computation_lowered:
.L_overlay_start_0:
0x88: {  	s2 =	sld [smem:$0x3FD9]  }
0x89: {  	s3 =	sld [smem:$0x3FFE];
	_ =	sdelay $0x1  }
0x8a: {  	s1 =	srdreg.scid  }
0x8b: {  	s0 =	sand.u32 $0x1, s1  }
0x8c: {  	s17 =	sshll.u32 s0, $0xA;
	s2 =	sadd.s32 s3, s2  }
0x8d: {  	s2 =	sadd.s32 s2, s17  }
0x8e: {  	[smem:$0x3FB2] =	sst s2  }
0x8f: {  	_ = 	snop  }
0x90: {  	s2 =	sld [smem:$0x3FD0];
	(tm) =	ssettm $0x1  }
0x91: {  	s18 =	sld [smem:$0x3FFB];
	_ =	sdelay $0x3  }
0x92: {  	_ =	strace s18  }
0x93: {  	s3 =	sld [smem:$0x3FFC];
	_ =	sdelay $0x3  }
0x94: {  	_ =	strace s3  }
0x95: {  	s3 =	sld [smem:$0x3FFD];
	_ =	sdelay $0x3  }
0x96: {  	_ =	strace s3  }
0x97: {  	_ =	strace $0x8FFFFFFF  }
0x98: {  	s19 =	sld [smem:$0x3FDB];
	_ =	sdelay $0x1  }
0x99: {  	s4 =	simm.s32 $_scs_section_size  }
0x9a: {  	s5 =	simm.s32 $_size__tile_overlayer_lowered;
	s6 =	simm.s32 $_tile_overlayer_lowered  }
0x9b: {  	s22 =	simm.s32 $0x1BFF;
	s21 =	sshll.u32 s6, $0x1;
	s3 =	sadd.s32 s4, s19  }
0x9c: {  	s7 =	simm.s32 $0x0;
	s20 =	sshll.u32 s5, $0x1;
	s5 =	sadd.s32 s21, s3  }
0x9d: {  	[timem:s7], [sflag:s22] =	dma.local [hbm:s5], s20  }
0x9e: {  	_ =	swait.ge [sflag:s22], s20  }
0x9f: {  	s4 =	ssub.s32 $0x0, s20;
	[sflag:s22] =	ssyncset.done $0x0  }
0xa0: {  	[sflag:s22] =	ssyncadd.s32 s4;
	_ =	sdelay $0x1  }
0xa1: {  	s23 =	simm.s32 $0x1B8B  }
0xa2: {  	_ =	swait.ge [sflag:s23], $0x1  }
0xa3: {  	[sflag:s23] =	ssyncset.done $0x0  }
0xa4: {  	s25 =	simm.s32 $0x1B8E;
	s24 =	sld [smem:$0x3FFE];
	[sflag:s23] =	ssyncadd.s32 $0xFFFFFFFF  }
0xa5: {  	s26 =	simm.s32 $execute0_lowered;
	[smem:$0x3FD2] =	sst s25  }
0xa6: {  	s5 =	sshll.u32 s26, $0x1;
	_ =	strace $0x80000046;
	[dreg:$0x1] =	wrdreg $0xFFFFFFFF  }
0xa7: {  	s28 =	simm.s32 $_size_execute0_lowered;
	s3 =	sadd.s32 s3, s5;
	[dreg:$0x0] =	wrdreg $0x0  }
0xa8: {  	s5 =	sshll.u32 s28, $0x1;
	[dreg:$0x2] =	wrdreg s3  }
0xa9: {  	[dreg:$0x3] =	wrdreg s5  }
0xaa: {  	[dreg:$0x4] =	wrdreg $0xC0  }
0xab: {  	_ =	task [dreg:s7], $0x5FFFF  }
0xac: {  	[dreg:$0x1] =	wrdreg $0xFFFFFFFF  }
0xad: {  	[dreg:$0x0] =	wrdreg $0x60  }
0xae: {  	[dreg:$0x2] =	wrdreg s24  }
0xaf: {  	[dreg:$0x3] =	wrdreg s2  }
0xb0: {  	[dreg:$0x4] =	wrdreg $0x81800  }
0xb1: {  	[dreg:$0x5] =	wrdreg $0x1BD800  }
0xb2: {  	[dreg:$0x6] =	wrdreg $0x9  }
0xb3: {  	_ =	task.clear_ibuf [dreg:s7], $0x7FFFF;
	_ =	strace $0x90000046  }
0xb4: {  	s29 =	simm.s32 $0x9;
	_ =	strace $0x80000048  }
0xb5: {  	_ =	swait.ge [sflag:s29], $0x1  }
0xb6: {  	[sflag:s29] =	ssyncadd.s32 $0xFFFFFFFF  }
0xb7: {  	_ =	strace $0x90000048  }
0xb8: {  	_ =	sfence  }
0xb9: {  	s30 =	sld [smem:$0x0];
	_ =	sdelay $0x2  }
0xba: {  	s31 =	sshll.u32 s1, $0xD;
	s1 =	sshrl.u32 s1, $0x2  }
0xbb: {  	s3 =	sand.u32 $0x4000, s31;
	s1 =	sadd.s32 s1, s30  }
0xbc: {  	s0 =	sor.u32 s3, s0;
	s1 =	sshll.u32 s1, $0x11  }
0xbd: {  	s0 =	sor.u32 s1, s0  }
0xbe: {  	s0 =	sadd.s32 $0x8F2B, s0  }
0xbf: {  	[sflag:s0] =	ssyncadd.remote.s32 $0x1  }
0xc0: {  	_ =	sfence.sel $0xFFFF  }
0xc1: {  	[dreg:$0x0] =	wrdreg $0xFFFFFFFF;
	(pc) =	sbr.abs _section_cstart, $3  }
0xc2: {  	[dreg:$0x1] =	wrdreg $0xFFFFFFFF  }
0xc3: {  	_ =	task.clear_ibuf [dreg:s7], $0x2FFFF;
	_ =	strace $0x9FFFFFFF  }
0xc4: {  	(tm) =	ssettm $0x7FFFFFFF  }
0xc5: {  	_ =	shalt  }
tec
execute0_lowered:
.L_overlay_start_1:
0x0: {  	(tag) =	ssettag $0x1  }
0x1: {  	s0 =	rddreg [dreg:$0x0]  }
0x2: {  	s2 =	rddreg [dreg:$0x1]  }
0x3: {  	s1 =	rddreg [dreg:$0x2]  }
0x4: {  	s3 =	rddreg [dreg:$0x3];
	s6 =	simm.s32 $0x0  }
0x5: {  	s5 =	srdreg.scid;
	s4 =	stileid.u32;
	s28 =	simm.s32 $0x4280  }
0x6: {  	s29 =	simm.s32 $0x3;
	s30 =	simm.s32 $0x0;
	[smem:$0x7FF] =	sst s6  }
0x7: {  	s8 =	sand.u32 $0x1, s5;
	s9 =	smul.u32 $0x13C00, s4;
	s5 =	sadd.s32 $0x3A00, s0  }
0x8: {  	s6 =	sadd.s32 $0xD800, s0;
	s7 =	sadd.s32 $0x17600, s0;
	s11 =	sadd.s32 $0x8CA00, s0  }
0x9: {  	s18 =	sadd.s32 $0x8F200, s0;
	s19 =	sadd.s32 $0x8F800, s0;
	s12 =	smul.u32 $0x30, s4  }
0xa: {  	s13 =	smul.u32 $0x84, s4;
	_ =	strace $0x80000047;
	[dreg:$0x6] =	wrdreg s11  }
0xb: {  	s17 =	smul.u32 $0x2780, s4;
	s21 =	sshll.u32 s4, $0x6;
	[dreg:$0x7] =	wrdreg s18  }
0xc: {  	s10 =	smul.u32 $0x13C000, s8;
	[dreg:$0x8] =	wrdreg s19;
	p0 =	seq.s32 s8, $0x0  }
0xd: {  	s11 =	simm.s32 $0x84;
	s14 =	ssub.s32 $0x2, s8;
	s8 =	smul.u32 $0x27800, s8  }
0xe: {  	s11 =	simm.s32 @!p0 $0x30;
	s12 =	sadd.s32 $0x840, s12;
	s16 =	sshrl.u32 s14, $0x1  }
0xf: {  	s22 =	sadd.s32 s17, s3;
	s10 =	sadd.s32 s9, s10;
	s15 =	smul.u32 $0xAB, s11  }
0x10: {  	s12 =	smov.u32 @p0 s13;
	s20 =	ssub.s32 s14, s16;
	s9 =	sadd.s32 s9, s1  }
0x11: {  	s14 =	sor.u32 $0x1C04, s21;
	[dreg:$0x9] =	wrdreg s22;
	s24 =	sshrl.u32 s11, $0x1  }
0x12: {  	s8 =	sadd.s32 s17, s8;
	s22 =	simm.s32 $0x4;
	s10 =	sshrl.u32 s10, $0x3  }
0x13: {  	[dreg:$0x5] =	wrdreg s24;
	s8 =	sshrl.u32 s8, $0x3;
	s31 =	smax.u32 s20, $0x1  }
0x14: {  	s18 =	smul.u32 $0xE, s12;
	s26 =	sadd.s32 s2, s8;
	[dreg:$0xe] =	wrdreg s31  }
0x15: {  	s24 =	simm.s32 $0xA80;
	s2 =	sshrl.u32 s9, $0x3;
	[dreg:$0xd] =	wrdreg s26  }
0x16: {  	s0 =	sadd.s32 s10, s0;
	s23 =	sadd.s32 s5, s18;
	[dreg:$0xf] =	wrdreg s2  }
0x17: {  	s13 =	sshrl.u32 s15, $0xA;
	s25 =	sadd.s32 s6, s18;
	[dreg:$0xa] =	wrdreg s23  }
0x18: {  	s0 =	sadd.s32 $0x8FA00, s0;
	s26 =	simm.s32 $0x70;
	[dreg:$0xb] =	wrdreg s25  }
0x19: {  	[dreg:$0xc] =	wrdreg s0;
	s23 =	simm.s32 $0x7A80;
	s25 =	simm.s32 $0x1  }
.LBB2_1:
0x1a: {  	s0 =	rddreg [dreg:$0x6]  }
0x1b: {  	[spmem:s2], [sflag:s14] =	dma.local [hbm:s0], $0x2780  }
0x1c: {  	_ =	swait.ge [sflag:s22], $0x2780  }
0x1d: {  	[sflag:s22] =	ssyncset.done $0x0  }
0x1e: {  	s4 =	simm.s32 $0x0;
	s17 =	rddreg [dreg:$0x8];
	[sflag:s22] =	ssyncadd.s32 $0xFFFFD880  }
0x1f: {  	[tilespmem:s23], [sflag:$0x4] =	stream.linear.gather [hbm4b:s17+s4], $0x700, $0x38;
	[tilespmem:$0x1E500] =	vst v63  }
0x20: {  	_ =	swait.ge [sflag:s22], $0x700  }
0x21: {  	[sflag:s22] =	ssyncset.done $0x0;
	s18 =	rddreg [dreg:$0x9]  }
0x22: {  	s19 =	rddreg [dreg:$0x7];
	[sflag:s22] =	ssyncadd.s32 $0xFFFFF900;
	s31 =	sshrl.u32 s18, $0x3  }
0x23: {  	[spmem:s31], [sflag:s14] =	dma.local [hbm:s19], $0x4F0  }
0x24: {  	_ =	swait.ge [sflag:s22], $0x4F0  }
0x25: {  	[sflag:s22] =	ssyncset.done $0x0  }
0x26: {  	[sflag:s22] =	ssyncadd.s32 $0xFFFFFB10  }
0x27: {  	[bflag:$0x0] =	sbarrier.arrive $0xFFFF  }
0x28: {  	s20 =	rddreg [dreg:$0xa]  }
0x29: {  	[tilespmem:s4], [sflag:$0x2] =	stream.linear.gather [hbm4b:s20+s4], $0x2A0, $0x38;
	[tilespmem:$0x1E500] =	vst v63  }
0x2a: {  	s0 =	simm.s32 $0x540;
	s2 =	simm.s32 $0x2;
	s21 =	rddreg [dreg:$0xb]  }
0x2b: {  	[tilespmem:s0], [sflag:$0x2] =	stream.linear.gather [hbm4b:s21+s4], $0x2A0, $0x38;
	[tilespmem:$0x1E500] =	vst v63  }
0x2c: {  	_ =	swait.ge [sflag:s2], $0x2A0  }
0x2d: {  	[sflag:s2] =	ssyncset.done $0x0  }
0x2e: {  	[sflag:s2] =	ssyncadd.s32 $0xFFFFFD60  }
0x2f: {  	_ =	swait.ge [sflag:s2], $0x2A0  }
0x30: {  	s8 =	simm.s32 $0xE0;
	s9 =	simm.s32 $0x70;
	[sflag:s2] =	ssyncset.done $0x0  }
0x31: {  	s10 =	simm.s32 $0x0;
	s15 =	simm.s32 $0x0;
	[sflag:s2] =	ssyncadd.s32 $0xFFFFFD60  }
0x32: {  	[tilespmem:s24], [sflag:$0x1] =	stream.indirect.gather [hbm4b:s7+s26], $0x80, s4, s26, $0xb8;
	[tilespmem:$0x1E500] =	vst v63  }
.LBB2_2:
0x33: {  	s16 =	smulhi.u32 $0xAAAAAAAB, s15;
	_ =	sdelay $0x1  }
0x34: {  	s16 =	sshrl.u32 s16, $0x1  }
0x35: {  	s17 =	smul.u32 $0x3, s16;
	_ =	sdelay $0x1  }
0x36: {  	s18 =	sadd.s32 $0x1, s16;
	p1 =	sne.s32 s17, s15  }
0x37: {  	p2 =	sge.u32 @!p1 s18, s13  }
0x38: {  	p0 =	por p2, p1  }
0x39: {  	s19 =	smul.u32 @!p0 $0x6, s18  }
0x3a: {  	s20 =	sand.u32 @!p0 $0x1, s18  }
0x3b: {  	s16 =	sand.u32 $0x1, s16;
	p3 =	seq.s32 @!p0 s20, $0x1;
	s19 =	sadd.s32 @!p0 s12, s19  }
0x3c: {  	s17 =	sadd.s32 $0x2, s17;
	p2 =	por @!p1 !p3, p2;
	s19 =	smul.u32 @!p0 $0xE, s19  }
0x3d: {  	s21 =	simm.s32 @!p0 $0x0;
	s20 =	simm.s32 @!p0 $0x2A0;
	p1 =	por !p2, p1  }
0x3e: {  	s20 =	simm.s32 @!p1 $0x0;
	p1 =	slt.s32 s10, $0x0;
	s4 =	sadd.s32 @!p0 s5, s19  }
0x3f: {  	[tilespmem:s20], [sflag:$0x2] =	stream.linear.gather @!p0 [hbm4b:s4+s21], $0x2A0, $0x38;
	[tilespmem:$0x1E500] =	vst v63  }
0x40: {  	s19 =	sadd.s32 @!p0 s6, s19;
	s4 =	sor.u32 @!p0 $0x540, s20;
	s20 =	smulhi.u32 $0xAAAAAAAB, s10  }
0x41: {  	[tilespmem:s4], [sflag:$0x2] =	stream.linear.gather @!p0 [hbm4b:s19+s21], $0x2A0, $0x38;
	[tilespmem:$0x1E500] =	vst v63  }
0x42: {  	s4 =	sshrl.u32 s20, $0x2;
	p0 =	seq.s32 s16, $0x1;
	s19 =	simm.s32 $0x2A0  }
0x43: {  	s21 =	smul.u32 $0x2A0, s4;
	p2 =	por !p0, !p0;
	_ =	swait.ge [sflag:s25], $0x3800  }
0x44: {  	s4 =	smul.u32 $0xFFFFF580, s4;
	p2 =	por @!p1 p0, p0;
	[sflag:s25] =	ssyncset.done $0x0  }
0x45: {  	s16 =	ssub.s32 s9, s21;
	s19 =	simm.s32 @!p2 $0x0;
	[sflag:s25] =	ssyncadd.s32 $0xFFFFC800  }
0x46: {  	s4 =	sshra.s32 s4, $0x2;
	s16 =	sadd.s32 s16, s19;
	s19 =	simm.s32 $0x2A0  }
0x47: {  	[tilespmem:s28], [sflag:$0x1] =	stream.indirect.gather [hbm4b:s7+s26], $0x80, s16, s26, $0xb8;
	[tilespmem:$0x1E500] =	vst v63  }
0x48: {  	s4 =	sadd.s32 s4, s0;
	s19 =	simm.s32 @!p0 $0x0;
	p0 =	sne.s32 s17, s15  }
0x49: {  	s4 =	sadd.s32 s19, s4;
	p1 =	sge.u32 @!p0 s18, s13  }
0x4a: {  	[spmem:s1] =	stream.indirect.scatter.add.f32 [tilespmem:s24], [sflag:$0x3], $0x80, s4, s26, $0xb8;
	[tilespmem:$0x1E500] =	vst v63  }
0x4b: {  	p0 =	por p1, p0  }
0x4c: {  	[spmem:s3] =	stream.indirect.scatter.add.f32 [tilespmem:s23], [sflag:$0x3], $0x10, s4, s26, $0xb8;
	[tilespmem:$0x1E500] =	vst v63  }
0x4d: {  	s4 =	simm.s32 @!p0 $0x2  }
0x4e: {  	_ =	swait.ge @!p0 [sflag:s4], $0x2A0  }
0x4f: {  	[sflag:s4] =	ssyncset.done @!p0 $0x0  }
0x50: {  	[sflag:s4] =	ssyncadd.s32 @!p0 $0xFFFFFD60  }
0x51: {  	_ =	swait.ge @!p0 [sflag:s4], $0x2A0  }
0x52: {  	[sflag:s4] =	ssyncset.done @!p0 $0x0  }
0x53: {  	s10 =	sadd.s32 $0x2, s10;
	[sflag:s4] =	ssyncadd.s32 @!p0 $0xFFFFFD60  }
0x54: {  	s19 =	smulhi.u32 $0xAAAAAAAB, s2;
	p0 =	sge.u32 s10, s11;
	_ =	swait.ge [sflag:s25], $0x3800  }
0x55: {  	s17 =	smulhi.u32 @!p0 $0xAAAAAAAB, s10;
	[sflag:s25] =	ssyncset.done $0x0  }
0x56: {  	s4 =	sshrl.u32 s19, $0x2;
	[sflag:s25] =	ssyncadd.s32 $0xFFFFC800  }
0x57: {  	s4 =	smul.u32 $0xFFFFF580, s4;
	s17 =	sshrl.u32 @!p0 s17, $0x2;
	_ =	swait.ge [sflag:s29], $0x3800  }
0x58: {  	s18 =	simm.s32 @!p0 $0xA80;
	s17 =	sand.u32 @!p0 $0x1, s17;
	[sflag:s29] =	ssyncset.done $0x0  }
0x59: {  	s4 =	sshra.s32 s4, $0x2;
	p1 =	seq.s32 @!p0 s17, $0x1;
	[sflag:s29] =	ssyncadd.s32 $0xFFFFC800  }
0x5a: {  	s17 =	simm.s32 @!p0 $0x2A0;
	p1 =	por !p1, p0;
	_ =	swait.ge [sflag:s29], $0x700  }
0x5b: {  	s4 =	sadd.s32 s4, s8;
	s17 =	simm.s32 @p1 $0x0;
	[sflag:s29] =	ssyncset.done $0x0  }
0x5c: {  	s4 =	sadd.s32 @!p0 s17, s4;
	s17 =	simm.s32 @!p0 $0x70;
	[sflag:s29] =	ssyncadd.s32 $0xFFFFF900  }
0x5d: {  	[tilespmem:s18], [sflag:$0x1] =	stream.indirect.gather @!p0 [hbm4b:s7+s17], $0x80, s4, s17, $0xb8;
	[tilespmem:$0x1E500] =	vst v63  }
0x5e: {  	s20 =	sadd.s32 $0x540, s16  }
0x5f: {  	[spmem:s1] =	stream.indirect.scatter.add.f32 [tilespmem:s28], [sflag:$0x3], $0x80, s20, s26, $0xb8;
	[tilespmem:$0x1E500] =	vst v63  }
0x60: {  	_ = 	snop  }
0x61: {  	[spmem:s3] =	stream.indirect.scatter.add.f32 [tilespmem:s23], [sflag:$0x3], $0x10, s20, s26, $0xb8;
	[tilespmem:$0x1E500] =	vst v63  }
0x62: {  	_ =	swait.ge [sflag:s29], $0x3800  }
0x63: {  	[sflag:s29] =	ssyncset.done $0x0  }
0x64: {  	[sflag:s29] =	ssyncadd.s32 $0xFFFFC800  }
0x65: {  	_ =	swait.ge [sflag:s29], $0x700  }
0x66: {  	s15 =	sadd.s32 $0x1, s15;
	s21 =	rddreg [dreg:$0x5]  }
0x67: {  	p0 =	sne.s32 s21, s15  }
.Ltmp0:
0x68: {  	_ = 	snop;
	(pc) =	sbr.rel @p0 .LBB2_2-.Ltmp0, $3  }
0x69: {  	_ =	sdelay $0x1  }
0x6a: {  	s9 =	sadd.s32 $0xE0, s9;
	s0 =	sadd.s32 $0xE0, s0;
	[sflag:s29] =	ssyncset.done $0x0  }
0x6b: {  	s2 =	sadd.s32 $0x2, s2;
	s8 =	sadd.s32 $0xE0, s8;
	[sflag:s29] =	ssyncadd.s32 $0xFFFFF900  }
0x6c: {  	[bflag:$0x0] =	sbarrier.arrive $0xFFFF  }
0x6d: {  	s0 =	rddreg [dreg:$0xc]  }
0x6e: {  	s2 =	rddreg [dreg:$0xf]  }
0x6f: {  	[hbm:s0], [sflag:s14] =	dma.local [spmem:s2], $0x2780  }
0x70: {  	_ =	swait.ge [sflag:s22], $0x2780  }
0x71: {  	[sflag:s22] =	ssyncset.done $0x0  }
0x72: {  	s21 =	rddreg [dreg:$0xd];
	[sflag:s22] =	ssyncadd.s32 $0xFFFFD880  }
0x73: {  	[hbm:s21], [sflag:s14] =	dma.local [spmem:s31], $0x4F0  }
0x74: {  	_ =	swait.ge [sflag:s22], $0x4F0  }
0x75: {  	s30 =	sadd.s32 $0x1, s30;
	s31 =	rddreg [dreg:$0xe]  }
0x76: {  	p0 =	sne.s32 s30, s31  }
.Ltmp1:
0x77: {  	_ = 	snop;
	(pc) =	sbr.rel @p0 .LBB2_1-.Ltmp1, $3  }
0x78: {  	_ =	sdelay $0x1  }
0x79: {  	[sflag:s22] =	ssyncset.done $0x0  }
0x7a: {  	[sflag:s22] =	ssyncadd.s32 $0xFFFFFB10  }
0x7b: {  	_ =	sfence.sel $0x180000  }
0x7c: {  	[bflag:$0x0] =	sbarrier.arrive $0xFFFF  }
0x7d: {  	_ =	strace $0x90000047  }
0x7e: {  	s0 =	stileid.u32;
	[bflag:$0x2] =	sbarrier.arrive $0xFFFF  }
0x7f: {  	p0 =	sne.s32 s0, $0x0;
	s0 =	rddreg [dreg:$0x4]  }
0x80: {  	s0 =	sadd.s32 @!p0 $0x100000, s0  }
0x81: {  	[sflag:s0] =	ssyncadd.tile.s32 @!p0 $0x1;
	_ =	shalt  }
.Lfunc_end2:
_tile_overlayer_lowered:
.L_overlay_start_2:
0x82: {  	(tag) =	ssettag $0x2  }
0x83: {  	s0 =	rddreg [dreg:$0x0];
	s2 =	stileid.u32  }
0x84: {  	s1 =	rddreg [dreg:$0x1];
	p0 =	sne.s32 s2, $0x0  }
0x85: {  	s3 =	rddreg [dreg:$0x2];
	[bflag:$0x3] =	sbarrier.arrive $0xFFFF;
	s2 =	simm.s32 @!p0 $0x1C04  }
0x86: {  	[timem:s3], [sflag:s2] =	dma.local @!p0 [hbm:s0], s1  }
0x87: {  	s0 =	simm.s32 @!p0 $0x4  }
0x88: {  	_ =	swait.ge @!p0 [sflag:s0], s1  }
0x89: {  	s1 =	ssub.s32 @!p0 $0x0, s1;
	[sflag:s0] =	ssyncset.done @!p0 $0x0  }
0x8a: {  	[sflag:s0] =	ssyncadd.s32 @!p0 s1  }
0x8b: {  	[bflag:$0x3] =	sbarrier.arrive $0xFFFF  }
0x8c: {  	_ =	shalt  }

</sc_bundles>
